<compile_context>
chip_gen: v7x
topology: tpu7x:2x2x1
jax: 0.10.2.dev20260603
libtpu: 0.0.44.dev20260713+nightly
codegen_flags: <defaults>
</compile_context>

<pallas_src>
import functools

import jax
import jax.numpy as jnp
from jax import lax
from jax.experimental import pallas as pl
from jax.experimental.pallas import tpu as pltpu
from jax.experimental.pallas import tpu_sc as plsc

N = 10000
E = 320000
B = 128
D = 128
OUT = 256
DIM_CELL = 954

NC = 2
NS = 16
NW = NC * NS
CH = 128
NCHUNK = 80
EPT = NCHUNK * CH
EPAD = NW * EPT
MCH = 80
NCHUNK_M = EPT // MCH
NPAIR_M = NCHUNK_M // 2
NP = 10240
RPT = NP // NS

@functools.cache
def _sc_kernels():
    mesh = plsc.VectorSubcoreMesh(core_axis_name="c", subcore_axis_name="s",
                                  num_cores=NC, num_subcores=NS)

    @functools.partial(
        pl.kernel,
        out_type=jax.ShapeDtypeStruct((NC * NP, D), jnp.float32),
        mesh=mesh,
        scratch_types=[
            pltpu.VMEM((NCHUNK, CH), jnp.int32),
            pltpu.VMEM((CH, D), jnp.float32),
            pltpu.VMEM_SHARED((NP, D), jnp.float32),
            pltpu.SemaphoreType.DMA,
        ],
    )
    def _sc_deg(col3_hbm, ones_hbm, zeros_hbm, out_hbm, cols_all, onesv, acc,
                sem):
        c = lax.axis_index("c")
        s = lax.axis_index("s")
        wid = c * NS + s

        pltpu.sync_copy(col3_hbm.at[wid], cols_all)
        pltpu.sync_copy(ones_hbm, onesv)
        pltpu.sync_copy(zeros_hbm.at[pl.ds(s * RPT, RPT)],
                        acc.at[pl.ds(s * RPT, RPT)])
        plsc.subcore_barrier()

        def wave(w, _):
            for k in range(8):
                pltpu.async_copy(onesv, acc.at[cols_all.at[w * 8 + k]], sem,
                                 add=True)
            for k in range(8):
                pltpu.make_async_copy(
                    onesv, acc.at[cols_all.at[w * 8 + k]], sem).wait()
            return 0

        lax.fori_loop(0, NCHUNK // 8, wave, 0)
        plsc.subcore_barrier()
        pltpu.sync_copy(acc.at[pl.ds(s * RPT, RPT)],
                        out_hbm.at[pl.ds(c * NP + s * RPT, RPT)])

    @functools.partial(
        pl.kernel,
        out_type=jax.ShapeDtypeStruct((NC * NP, D), jnp.float32),
        mesh=mesh,
        scratch_types=[
            pltpu.VMEM((MCH,), jnp.int32),
            pltpu.VMEM((MCH,), jnp.int32),
            pltpu.VMEM((MCH,), jnp.int32),
            pltpu.VMEM((MCH,), jnp.int32),
            pltpu.VMEM((MCH, D), jnp.float32),
            pltpu.VMEM((MCH, D), jnp.float32),
            pltpu.VMEM_SHARED((NP, D), jnp.float32),
            pltpu.SemaphoreType.DMA,
            pltpu.SemaphoreType.DMA,
            pltpu.SemaphoreType.DMA,
            pltpu.SemaphoreType.DMA,
        ],
    )
    def _sc_mp(x_hbm, row_hbm, col_hbm, zeros_hbm, out_hbm,
               rv0, rv1, cv0, cv1, m0, m1, acc, is0, is1, gs0, gs1):
        c = lax.axis_index("c")
        s = lax.axis_index("s")
        wid = c * NS + s

        pltpu.sync_copy(zeros_hbm.at[pl.ds(s * RPT, RPT)],
                        acc.at[pl.ds(s * RPT, RPT)])
        plsc.subcore_barrier()

        def i_start(i, rv, cv, sem):
            base = wid * EPT + i * MCH
            pltpu.async_copy(row_hbm.at[pl.ds(base, MCH)], rv, sem)
            pltpu.async_copy(col_hbm.at[pl.ds(base, MCH)], cv, sem)

        def i_wait(i, rv, cv, sem):
            base = wid * EPT + i * MCH
            pltpu.make_async_copy(row_hbm.at[pl.ds(base, MCH)], rv, sem).wait()
            pltpu.make_async_copy(col_hbm.at[pl.ds(base, MCH)], cv, sem).wait()

        def g_start(rv, buf, sem):
            pltpu.async_copy(x_hbm.at[rv], buf, sem)

        def g_wait(rv, buf, sem):
            pltpu.make_async_copy(x_hbm.at[rv], buf, sem).wait()

        def s_sync(cv, buf):
            pltpu.sync_copy(buf, acc.at[cv], add=True)

        i_start(0, rv0, cv0, is0)
        i_start(1, rv1, cv1, is1)
        i_wait(0, rv0, cv0, is0)
        g_start(rv0, m0, gs0)

        def pair(j, _):
            i0 = 2 * j
            i1 = i0 + 1
            g_wait(rv0, m0, gs0)
            i_wait(i1, rv1, cv1, is1)
            g_start(rv1, m1, gs1)
            s_sync(cv0, m0)

            @pl.when(j < NPAIR_M - 1)
            def _():
                i_start(i0 + 2, rv0, cv0, is0)
            g_wait(rv1, m1, gs1)

            @pl.when(j < NPAIR_M - 1)
            def _():
                i_wait(i0 + 2, rv0, cv0, is0)
                g_start(rv0, m0, gs0)
            s_sync(cv1, m1)

            @pl.when(j < NPAIR_M - 1)
            def _():
                i_start(i1 + 2, rv1, cv1, is1)
            return 0

        lax.fori_loop(0, NPAIR_M, pair, 0)
        plsc.subcore_barrier()
        pltpu.sync_copy(acc.at[pl.ds(s * RPT, RPT)],
                        out_hbm.at[pl.ds(c * NP + s * RPT, RPT)])

    return _sc_deg, _sc_mp


def _tc1_body(degT_ref, x_ref, xs_ref):
    deg = jnp.sum(degT_ref[...], axis=1, keepdims=True) + 1.0
    dinv = lax.rsqrt(jnp.maximum(deg, 1.0))
    xs_ref[...] = x_ref[...] * dinv


def _tc1(degT, x):
    return pl.pallas_call(
        _tc1_body,
        out_shape=jax.ShapeDtypeStruct((N, D), jnp.float32),
    )(degT, x)


def _tc2_body(m_ref, xs_ref, degT_ref, W_ref, b_ref, g_ref, be_ref, ts_ref):
    deg = jnp.sum(degT_ref[...], axis=1, keepdims=True) + 1.0
    dinv = lax.rsqrt(jnp.maximum(deg, 1.0))
    m = m_ref[pl.ds(0, N), :] + m_ref[pl.ds(NP, N), :] + xs_ref[...]
    t = m * dinv
    h = jnp.dot(t, W_ref[...], preferred_element_type=jnp.float32) + b_ref[...]
    h = jnp.maximum(h, 0.0)
    mu = jnp.mean(h, axis=0, keepdims=True)
    va = jnp.mean((h - mu) ** 2, axis=0, keepdims=True)
    h = (h - mu) * lax.rsqrt(va + 1e-5) * g_ref[...] + be_ref[...]
    ts_ref[...] = h * dinv


def _tc2(m, xs, degT, W, b, g, be):
    return pl.pallas_call(
        _tc2_body,
        out_shape=jax.ShapeDtypeStruct((N, D), jnp.float32),
    )(m, xs, degT, W, b, g, be)


SEG_CH = 128
N_PAD = N + SEG_CH


def _tc3_body(batch_ref, m_ref, ts_ref, degT_ref, W_ref, b_ref, g_ref, be_ref,
              gexpr_ref, Wc1_ref, bc1_ref, gc1_ref, bec1_ref, Wc2_ref, bc2_ref,
              xd_ref, xc_ref, u_s):
    deg = jnp.sum(degT_ref[...], axis=1, keepdims=True) + 1.0
    dinv = lax.rsqrt(jnp.maximum(deg, 1.0))
    m = m_ref[pl.ds(0, N), :] + m_ref[pl.ds(NP, N), :] + ts_ref[...]
    t = m * dinv
    u = jnp.dot(t, W_ref[...], preferred_element_type=jnp.float32) + b_ref[...]
    u = jnp.maximum(u, 0.0)
    mu = jnp.mean(u, axis=0, keepdims=True)
    va = jnp.mean((u - mu) ** 2, axis=0, keepdims=True)
    u = (u - mu) * lax.rsqrt(va + 1e-5) * g_ref[...] + be_ref[...]
    u_s[pl.ds(0, N), :] = u

    def lower_bound(tgt):
        def step(_, lohi):
            lo, hi = lohi
            mid = (lo + hi) // 2
            v = batch_ref[jnp.minimum(mid, N - 1)]
            go = jnp.logical_and(lo < hi, v < tgt)
            return lax.cond(go, lambda: (mid + 1, hi), lambda: (lo, mid))
        lo, _hi = lax.fori_loop(0, 14, step, (0, N))
        return lo

    neg = jnp.float32(-jnp.inf)
    riota = lax.broadcasted_iota(jnp.int32, (SEG_CH, OUT), 0)

    def seg_group(g, _):
        rows_out = []
        for j in range(8):
            b = g * 8 + j
            lo = lower_bound(b)
            hi = lower_bound(b + 1)
            lo8 = (lo // 8) * 8

            def cond(carry, lo8=lo8, hi=hi):
                k, _a = carry
                return lo8 + k * SEG_CH < hi

            def wbody(carry, lo8=lo8, lo=lo, hi=hi):
                k, a = carry
                st = pl.multiple_of(lo8 + k * SEG_CH, 8)
                rows = u_s[pl.ds(st, SEG_CH), :]
                idx = st + riota
                msk = jnp.logical_and(idx >= lo, idx < hi)
                return k + 1, jnp.maximum(a, jnp.where(msk, rows, neg))

            _k, a = lax.while_loop(cond, wbody,
                                   (0, jnp.full((SEG_CH, OUT), neg)))
            rows_out.append(jnp.max(a, axis=0, keepdims=True))
        xd_ref[pl.ds(pl.multiple_of(g * 8, 8), 8), :] = jnp.concatenate(
            rows_out, axis=0)
        return 0

    lax.fori_loop(0, B // 8, seg_group, 0)

    cc = jnp.tanh(jnp.dot(gexpr_ref[...], Wc1_ref[...],
                          preferred_element_type=jnp.float32) + bc1_ref[...])
    cmu = jnp.mean(cc, axis=0, keepdims=True)
    cva = jnp.mean((cc - cmu) ** 2, axis=0, keepdims=True)
    cc = (cc - cmu) * lax.rsqrt(cva + 1e-5) * gc1_ref[...] + bec1_ref[...]
    xc = jnp.dot(cc, Wc2_ref[...], preferred_element_type=jnp.float32) + bc2_ref[...]
    xc_ref[...] = jnp.maximum(xc, 0.0)


def _tc3(batch, m, ts, degT, W, b, g, be, gexpr, Wc1, bc1, gc1, bec1, Wc2, bc2):
    nin = 14
    return pl.pallas_call(
        _tc3_body,
        out_shape=(
            jax.ShapeDtypeStruct((B, OUT), jnp.float32),
            jax.ShapeDtypeStruct((B, OUT), jnp.float32),
        ),
        in_specs=[pl.BlockSpec(memory_space=pltpu.SMEM)]
        + [pl.BlockSpec(memory_space=pltpu.VMEM) for _ in range(nin)],
        scratch_shapes=[pltpu.VMEM((N_PAD, OUT), jnp.float32)],
    )(batch, m, ts, degT, W, b, g, be, gexpr, Wc1, bc1, gc1, bec1, Wc2, bc2)


def kernel(drug_x, edge_index, batch, gexpr, W1, b1, g1, be1, W2, b2, g2, be2,
           Wc1, bc1, gc1, bec1, Wc2, bc2):
    row = edge_index[0]
    col = edge_index[1]
    _sc_deg, _sc_mp = _sc_kernels()
    pad = EPAD - E
    padrows = (jnp.arange(pad, dtype=row.dtype) % N)
    padcols = N + (jnp.arange(pad, dtype=col.dtype) % (NP - N))
    rowp = jnp.concatenate([row, padrows])
    colp = jnp.concatenate([col, padcols])
    col3 = colp.reshape(NW, NCHUNK, CH)
    zeros = jnp.zeros((NP, D), jnp.float32)
    ones = jnp.ones((CH, D), jnp.float32)
    degp = _sc_deg(col3, ones, zeros)
    degT = jnp.concatenate(
        [degp[0:N, 0:1], degp[NP:NP + N, 0:1]], axis=1)

    xs = _tc1(degT, drug_x)
    m1 = _sc_mp(xs, rowp, colp, zeros)
    ts = _tc2(m1, xs, degT, W1, b1.reshape(1, -1), g1.reshape(1, -1),
              be1.reshape(1, -1))
    m2 = _sc_mp(ts, rowp, colp, zeros)
    x_drug, x_cell = _tc3(
        batch, m2, ts, degT, W2, b2.reshape(1, -1), g2.reshape(1, -1),
        be2.reshape(1, -1), gexpr, Wc1, bc1.reshape(1, -1), gc1.reshape(1, -1),
        bec1.reshape(1, -1), Wc2, bc2.reshape(1, -1))
    return (x_drug, x_cell)

# --- scband reference (transcript-rebuilt; emitter-appended) ---
"""Pipeline reference for scband-bio-encoder-30167850287707 (READ-ONLY COPY).

The authoritative reference and input builder live on the scoring server;
editing this copy changes nothing except your own understanding.
"""

import jax, jax.numpy as jnp
import numpy as np

N = 10000
E = 320000
B = 128
DIM_DRUG = 128
HID = 128
OUT = 256
DIM_CELL = 954


def _gcn(x, W, b, row, col, n):
    h = x @ W
    sl = jnp.arange(n, dtype=row.dtype)
    r = jnp.concatenate([row, sl])
    c = jnp.concatenate([col, sl])
    deg = jnp.zeros((n,), jnp.float32).at[c].add(1.0)
    dinv = jax.lax.rsqrt(jnp.maximum(deg, 1.0))
    norm = dinv[r] * dinv[c]
    msg = h[r] * norm[:, None]
    out = jnp.zeros((n, W.shape[1]), jnp.float32).at[c].add(msg)
    return out + b


def _bn(x, g, b):
    m = jnp.mean(x, axis=0)
    v = jnp.var(x, axis=0)
    return (x - m) * jax.lax.rsqrt(v + 1e-5) * g + b


def setup_inputs(seed: int = 0):
    key = jax.random.key(seed)
    ks = jax.random.split(key, 16)

    def xavier(k, shape):
        s = float(np.sqrt(6.0 / (shape[0] + shape[1])))
        return jax.random.uniform(k, shape, jnp.float32, -s, s)

    inp = {}
    inp["drug_x"] = jax.random.normal(ks[0], (N, DIM_DRUG), jnp.float32)
    inp["edge_index"] = jax.random.randint(ks[1], (2, E), 0, N, dtype=jnp.int32)
    inp["batch"] = jnp.sort(jax.random.randint(ks[2], (N,), 0, B, dtype=jnp.int32))
    inp["gexpr"] = jax.random.normal(ks[3], (B, DIM_CELL), jnp.float32)
    inp["W1"] = xavier(ks[4], (DIM_DRUG, HID)); inp["b1"] = jnp.zeros((HID,), jnp.float32)
    inp["g1"] = jnp.ones((HID,), jnp.float32); inp["be1"] = jnp.zeros((HID,), jnp.float32)
    inp["W2"] = xavier(ks[5], (HID, OUT)); inp["b2"] = jnp.zeros((OUT,), jnp.float32)
    inp["g2"] = jnp.ones((OUT,), jnp.float32); inp["be2"] = jnp.zeros((OUT,), jnp.float32)
    inp["Wc1"] = xavier(ks[6], (DIM_CELL, HID)); inp["bc1"] = jnp.zeros((HID,), jnp.float32)
    inp["gc1"] = jnp.ones((HID,), jnp.float32); inp["bec1"] = jnp.zeros((HID,), jnp.float32)
    inp["Wc2"] = xavier(ks[7], (HID, OUT)); inp["bc2"] = jnp.zeros((OUT,), jnp.float32)
    return inp


def reference(drug_x, edge_index, batch, gexpr, W1, b1, g1, be1, W2, b2, g2, be2, Wc1, bc1, gc1, bec1, Wc2, bc2):
    row, col = edge_index[0], edge_index[1]
    h = _gcn(drug_x, W1, b1, row, col, N)
    h = _bn(jax.nn.relu(h), g1, be1)
    h = _gcn(h, W2, b2, row, col, N)
    h = jax.nn.relu(h)
    h = _bn(h, g2, be2)
    x_drug = jax.ops.segment_max(h, batch, num_segments=B)
    c = jnp.tanh(gexpr @ Wc1 + bc1)
    c = _bn(c, gc1, bec1)
    x_cell = jax.nn.relu(c @ Wc2 + bc2)
    return (x_drug, x_cell)

if __name__ == "__main__":
    import jax
    _d = setup_inputs()
    print(jax.jit(kernel)(*tuple(_d.values())))

</pallas_src>

<mosaic_0001>
#map = affine_map<(d0, d1) -> (0, 0, 0)>
#map1 = affine_map<(d0, d1) -> (0, 0)>
module attributes {stable_mosaic.version = 14 : i64} {
  func.func @_sc_deg(%arg0: i32, %arg1: i32, %arg2: memref<32x80x128xi32, #tpu.memory_space<hbm>>, %arg3: memref<128x128xf32, #tpu.memory_space<hbm>>, %arg4: memref<10240x128xf32, #tpu.memory_space<hbm>>, %arg5: memref<20480x128xf32, #tpu.memory_space<hbm>>, %arg6: memref<80x128xi32, #tpu.memory_space<vmem>>, %arg7: memref<128x128xf32, #tpu.memory_space<vmem>>, %arg8: memref<10240x128xf32, #tpu.memory_space<vmem_shared>>, %arg9: memref<!tpu.dma_semaphore, #tpu.memory_space<semaphore_mem>>) attributes {dimension_semantics = [#tpu.dimension_semantics<core_parallel>, #tpu.dimension_semantics<subcore_parallel>], iteration_bounds = array<i64: 2, 16>, scalar_prefetch = 0 : i64, scratch_operands = 4 : i64, tpu.core_type = #tpu.core_type<sc_vector_subcore>, window_params = [{transform_indices = #map}, {transform_indices = #map1}, {transform_indices = #map1}, {transform_indices = #map1}]} {
    %mul3A = arith.constant 16 : i32
    %mul3A_0 = arith.muli %arg0, %mul3A : i32
    %add3A = arith.addi %mul3A_0, %arg1 : i32
    "tpu.region"() ({
      %run_scoped3A = tpu.sem_alloc : memref<!tpu.dma_semaphore, #tpu.memory_space<semaphore_mem>>
      %dma_start3A = arith.constant 0 : i32
      %dma_start3A_19 = arith.constant 0 : i32
      %dma_start3A_20 = tpu.memref_slice %arg2[%add3A, %dma_start3A, %dma_start3A_19] : memref<32x80x128xi32, #tpu.memory_space<hbm>> -> memref<1x80x128xi32, #tpu.memory_space<hbm>>
      %dma_start3A_21 = tpu.memref_squeeze %dma_start3A_20 : memref<1x80x128xi32, #tpu.memory_space<hbm>> -> memref<80x128xi32, #tpu.memory_space<hbm>>
      %dma_start3A_22 = arith.constant 0 : i32
      %dma_start3A_23 = arith.constant 0 : i32
      %dma_start3A_24 = tpu.memref_slice %arg2[%add3A, %dma_start3A_22, %dma_start3A_23] : memref<32x80x128xi32, #tpu.memory_space<hbm>> -> memref<1x80x128xi32, #tpu.memory_space<hbm>>
      %dma_start3A_25 = tpu.memref_squeeze %dma_start3A_24 : memref<1x80x128xi32, #tpu.memory_space<hbm>> -> memref<80x128xi32, #tpu.memory_space<hbm>>
      tpu.enqueue_dma source(%dma_start3A_25 : memref<80x128xi32, #tpu.memory_space<hbm>>) target(%arg6 : memref<80x128xi32, #tpu.memory_space<vmem>>) target_semaphore(%run_scoped3A : memref<!tpu.dma_semaphore, #tpu.memory_space<semaphore_mem>>)
      %dma_wait3A = arith.constant 0 : i32
      %dma_wait3A_26 = arith.constant 0 : i32
      %dma_wait3A_27 = tpu.memref_slice %arg2[%add3A, %dma_wait3A, %dma_wait3A_26] : memref<32x80x128xi32, #tpu.memory_space<hbm>> -> memref<1x80x128xi32, #tpu.memory_space<hbm>>
      %dma_wait3A_28 = tpu.memref_squeeze %dma_wait3A_27 : memref<1x80x128xi32, #tpu.memory_space<hbm>> -> memref<80x128xi32, #tpu.memory_space<hbm>>
      %dma_wait3A_29 = arith.constant 0 : i32
      %dma_wait3A_30 = arith.constant 0 : i32
      %dma_wait3A_31 = tpu.memref_slice %arg2[%add3A, %dma_wait3A_29, %dma_wait3A_30] : memref<32x80x128xi32, #tpu.memory_space<hbm>> -> memref<1x80x128xi32, #tpu.memory_space<hbm>>
      %dma_wait3A_32 = tpu.memref_squeeze %dma_wait3A_31 : memref<1x80x128xi32, #tpu.memory_space<hbm>> -> memref<80x128xi32, #tpu.memory_space<hbm>>
      tpu.wait_dma2 semaphore(%run_scoped3A : memref<!tpu.dma_semaphore, #tpu.memory_space<semaphore_mem>>) src(%dma_wait3A_32 : memref<80x128xi32, #tpu.memory_space<hbm>>) dst(%arg6 : memref<80x128xi32, #tpu.memory_space<vmem>>)
      tpu.yield
    }) : () -> ()
    "tpu.region"() ({
      %run_scoped3A = tpu.sem_alloc : memref<!tpu.dma_semaphore, #tpu.memory_space<semaphore_mem>>
      tpu.enqueue_dma source(%arg3 : memref<128x128xf32, #tpu.memory_space<hbm>>) target(%arg7 : memref<128x128xf32, #tpu.memory_space<vmem>>) target_semaphore(%run_scoped3A : memref<!tpu.dma_semaphore, #tpu.memory_space<semaphore_mem>>)
      tpu.wait_dma2 semaphore(%run_scoped3A : memref<!tpu.dma_semaphore, #tpu.memory_space<semaphore_mem>>) src(%arg3 : memref<128x128xf32, #tpu.memory_space<hbm>>) dst(%arg7 : memref<128x128xf32, #tpu.memory_space<vmem>>)
      tpu.yield
    }) : () -> ()
    %mul3A_1 = arith.constant 640 : i32
    %mul3A_2 = arith.muli %arg1, %mul3A_1 : i32
    %mul3A_3 = arith.constant 640 : i32
    %mul3A_4 = arith.muli %arg1, %mul3A_3 : i32
    "tpu.region"() ({
      %run_scoped3A = tpu.sem_alloc : memref<!tpu.dma_semaphore, #tpu.memory_space<semaphore_mem>>
      %dma_start3A = arith.constant 0 : i32
      %dma_start3A_19 = tpu.memref_slice %arg8[%mul3A_4, %dma_start3A] : memref<10240x128xf32, #tpu.memory_space<vmem_shared>> -> memref<640x128xf32, #tpu.memory_space<vmem_shared>>
      %dma_start3A_20 = arith.constant 0 : i32
      %dma_start3A_21 = tpu.memref_slice %arg4[%mul3A_2, %dma_start3A_20] : memref<10240x128xf32, #tpu.memory_space<hbm>> -> memref<640x128xf32, #tpu.memory_space<hbm>>
      tpu.enqueue_dma source(%dma_start3A_21 : memref<640x128xf32, #tpu.memory_space<hbm>>) target(%dma_start3A_19 : memref<640x128xf32, #tpu.memory_space<vmem_shared>>) target_semaphore(%run_scoped3A : memref<!tpu.dma_semaphore, #tpu.memory_space<semaphore_mem>>)
      %dma_wait3A = arith.constant 0 : i32
      %dma_wait3A_22 = tpu.memref_slice %arg8[%mul3A_4, %dma_wait3A] : memref<10240x128xf32, #tpu.memory_space<vmem_shared>> -> memref<640x128xf32, #tpu.memory_space<vmem_shared>>
      %dma_wait3A_23 = arith.constant 0 : i32
      %dma_wait3A_24 = tpu.memref_slice %arg4[%mul3A_2, %dma_wait3A_23] : memref<10240x128xf32, #tpu.memory_space<hbm>> -> memref<640x128xf32, #tpu.memory_space<hbm>>
      tpu.wait_dma2 semaphore(%run_scoped3A : memref<!tpu.dma_semaphore, #tpu.memory_space<semaphore_mem>>) src(%dma_wait3A_24 : memref<640x128xf32, #tpu.memory_space<hbm>>) dst(%dma_wait3A_22 : memref<640x128xf32, #tpu.memory_space<vmem_shared>>)
      tpu.yield
    }) : () -> ()
    %barrier3A = arith.constant 0 : index
    tpu.barrier barrier_id(%barrier3A)
    %scan3A = arith.constant 0 : i32
    %scan3A_5 = arith.constant 0 : i32
    %scan3A_6 = arith.constant 10 : i32
    %scan3A_7 = arith.addi %scan3A_5, %scan3A_6 : i32
    %scan3A_8 = arith.constant 1 : i32
    %scan3A_9 = scf.for %scan3A_19 = %scan3A_5 to %scan3A_7 step %scan3A_8 iter_args(%scan3A_20 = %scan3A) -> (i32)  : i32 {
      %mul3A_21 = arith.constant 8 : i32
      %mul3A_22 = arith.muli %scan3A_19, %mul3A_21 : i32
      %add3A_23 = arith.constant 0 : i32
      %add3A_24 = arith.addi %mul3A_22, %add3A_23 : i32
      %dma_start3A = arith.constant 0 : i32
      %dma_start3A_25 = tpu.memref_slice %arg6[%add3A_24, %dma_start3A] : memref<80x128xi32, #tpu.memory_space<vmem>> -> memref<1x128xi32, #tpu.memory_space<vmem>>
      %dma_start3A_26 = tpu.memref_squeeze %dma_start3A_25 : memref<1x128xi32, #tpu.memory_space<vmem>> -> memref<128xi32, #tpu.memory_space<vmem>>
      %dma_start3A_27 = arith.constant 0 : i32
      %dma_start3A_28 = arith.constant 0 : i32
      %dma_start3A_29 = tpu.memref_slice %arg8[%dma_start3A_27, %dma_start3A_28] : memref<10240x128xf32, #tpu.memory_space<vmem_shared>> -> memref<10240x128xf32, #tpu.memory_space<vmem_shared>>
      tpu.enqueue_indirect_dma source(%arg7 : memref<128x128xf32, #tpu.memory_space<vmem>>) target(%dma_start3A_29 : memref<10240x128xf32, #tpu.memory_space<vmem_shared>>) offsets(%dma_start3A_26 : memref<128xi32, #tpu.memory_space<vmem>>) semaphore(%arg9 : memref<!tpu.dma_semaphore, #tpu.memory_space<semaphore_mem>>) {add = true}
      %mul3A_30 = arith.constant 8 : i32
      %mul3A_31 = arith.muli %scan3A_19, %mul3A_30 : i32
      %add3A_32 = arith.constant 1 : i32
      %add3A_33 = arith.addi %mul3A_31, %add3A_32 : i32
      %dma_start3A_34 = arith.constant 0 : i32
      %dma_start3A_35 = tpu.memref_slice %arg6[%add3A_33, %dma_start3A_34] : memref<80x128xi32, #tpu.memory_space<vmem>> -> memref<1x128xi32, #tpu.memory_space<vmem>>
      %dma_start3A_36 = tpu.memref_squeeze %dma_start3A_35 : memref<1x128xi32, #tpu.memory_space<vmem>> -> memref<128xi32, #tpu.memory_space<vmem>>
      %dma_start3A_37 = arith.constant 0 : i32
      %dma_start3A_38 = arith.constant 0 : i32
      %dma_start3A_39 = tpu.memref_slice %arg8[%dma_start3A_37, %dma_start3A_38] : memref<10240x128xf32, #tpu.memory_space<vmem_shared>> -> memref<10240x128xf32, #tpu.memory_space<vmem_shared>>
      tpu.enqueue_indirect_dma source(%arg7 : memref<128x128xf32, #tpu.memory_space<vmem>>) target(%dma_start3A_39 : memref<10240x128xf32, #tpu.memory_space<vmem_shared>>) offsets(%dma_start3A_36 : memref<128xi32, #tpu.memory_space<vmem>>) semaphore(%arg9 : memref<!tpu.dma_semaphore, #tpu.memory_space<semaphore_mem>>) {add = true}
      %mul3A_40 = arith.constant 8 : i32
      %mul3A_41 = arith.muli %scan3A_19, %mul3A_40 : i32
      %add3A_42 = arith.constant 2 : i32
      %add3A_43 = arith.addi %mul3A_41, %add3A_42 : i32
      %dma_start3A_44 = arith.constant 0 : i32
      %dma_start3A_45 = tpu.memref_slice %arg6[%add3A_43, %dma_start3A_44] : memref<80x128xi32, #tpu.memory_space<vmem>> -> memref<1x128xi32, #tpu.memory_space<vmem>>
      %dma_start3A_46 = tpu.memref_squeeze %dma_start3A_45 : memref<1x128xi32, #tpu.memory_space<vmem>> -> memref<128xi32, #tpu.memory_space<vmem>>
      %dma_start3A_47 = arith.constant 0 : i32
      %dma_start3A_48 = arith.constant 0 : i32
      %dma_start3A_49 = tpu.memref_slice %arg8[%dma_start3A_47, %dma_start3A_48] : memref<10240x128xf32, #tpu.memory_space<vmem_shared>> -> memref<10240x128xf32, #tpu.memory_space<vmem_shared>>
      tpu.enqueue_indirect_dma source(%arg7 : memref<128x128xf32, #tpu.memory_space<vmem>>) target(%dma_start3A_49 : memref<10240x128xf32, #tpu.memory_space<vmem_shared>>) offsets(%dma_start3A_46 : memref<128xi32, #tpu.memory_space<vmem>>) semaphore(%arg9 : memref<!tpu.dma_semaphore, #tpu.memory_space<semaphore_mem>>) {add = true}
      %mul3A_50 = arith.constant 8 : i32
      %mul3A_51 = arith.muli %scan3A_19, %mul3A_50 : i32
      %add3A_52 = arith.constant 3 : i32
      %add3A_53 = arith.addi %mul3A_51, %add3A_52 : i32
      %dma_start3A_54 = arith.constant 0 : i32
      %dma_start3A_55 = tpu.memref_slice %arg6[%add3A_53, %dma_start3A_54] : memref<80x128xi32, #tpu.memory_space<vmem>> -> memref<1x128xi32, #tpu.memory_space<vmem>>
      %dma_start3A_56 = tpu.memref_squeeze %dma_start3A_55 : memref<1x128xi32, #tpu.memory_space<vmem>> -> memref<128xi32, #tpu.memory_space<vmem>>
      %dma_start3A_57 = arith.constant 0 : i32
      %dma_start3A_58 = arith.constant 0 : i32
      %dma_start3A_59 = tpu.memref_slice %arg8[%dma_start3A_57, %dma_start3A_58] : memref<10240x128xf32, #tpu.memory_space<vmem_shared>> -> memref<10240x128xf32, #tpu.memory_space<vmem_shared>>
      tpu.enqueue_indirect_dma source(%arg7 : memref<128x128xf32, #tpu.memory_space<vmem>>) target(%dma_start3A_59 : memref<10240x128xf32, #tpu.memory_space<vmem_shared>>) offsets(%dma_start3A_56 : memref<128xi32, #tpu.memory_space<vmem>>) semaphore(%arg9 : memref<!tpu.dma_semaphore, #tpu.memory_space<semaphore_mem>>) {add = true}
      %mul3A_60 = arith.constant 8 : i32
      %mul3A_61 = arith.muli %scan3A_19, %mul3A_60 : i32
      %add3A_62 = arith.constant 4 : i32
      %add3A_63 = arith.addi %mul3A_61, %add3A_62 : i32
      %dma_start3A_64 = arith.constant 0 : i32
      %dma_start3A_65 = tpu.memref_slice %arg6[%add3A_63, %dma_start3A_64] : memref<80x128xi32, #tpu.memory_space<vmem>> -> memref<1x128xi32, #tpu.memory_space<vmem>>
      %dma_start3A_66 = tpu.memref_squeeze %dma_start3A_65 : memref<1x128xi32, #tpu.memory_space<vmem>> -> memref<128xi32, #tpu.memory_space<vmem>>
      %dma_start3A_67 = arith.constant 0 : i32
      %dma_start3A_68 = arith.constant 0 : i32
      %dma_start3A_69 = tpu.memref_slice %arg8[%dma_start3A_67, %dma_start3A_68] : memref<10240x128xf32, #tpu.memory_space<vmem_shared>> -> memref<10240x128xf32, #tpu.memory_space<vmem_shared>>
      tpu.enqueue_indirect_dma source(%arg7 : memref<128x128xf32, #tpu.memory_space<vmem>>) target(%dma_start3A_69 : memref<10240x128xf32, #tpu.memory_space<vmem_shared>>) offsets(%dma_start3A_66 : memref<128xi32, #tpu.memory_space<vmem>>) semaphore(%arg9 : memref<!tpu.dma_semaphore, #tpu.memory_space<semaphore_mem>>) {add = true}
      %mul3A_70 = arith.constant 8 : i32
      %mul3A_71 = arith.muli %scan3A_19, %mul3A_70 : i32
      %add3A_72 = arith.constant 5 : i32
      %add3A_73 = arith.addi %mul3A_71, %add3A_72 : i32
      %dma_start3A_74 = arith.constant 0 : i32
      %dma_start3A_75 = tpu.memref_slice %arg6[%add3A_73, %dma_start3A_74] : memref<80x128xi32, #tpu.memory_space<vmem>> -> memref<1x128xi32, #tpu.memory_space<vmem>>
      %dma_start3A_76 = tpu.memref_squeeze %dma_start3A_75 : memref<1x128xi32, #tpu.memory_space<vmem>> -> memref<128xi32, #tpu.memory_space<vmem>>
      %dma_start3A_77 = arith.constant 0 : i32
      %dma_start3A_78 = arith.constant 0 : i32
      %dma_start3A_79 = tpu.memref_slice %arg8[%dma_start3A_77, %dma_start3A_78] : memref<10240x128xf32, #tpu.memory_space<vmem_shared>> -> memref<10240x128xf32, #tpu.memory_space<vmem_shared>>
      tpu.enqueue_indirect_dma source(%arg7 : memref<128x128xf32, #tpu.memory_space<vmem>>) target(%dma_start3A_79 : memref<10240x128xf32, #tpu.memory_space<vmem_shared>>) offsets(%dma_start3A_76 : memref<128xi32, #tpu.memory_space<vmem>>) semaphore(%arg9 : memref<!tpu.dma_semaphore, #tpu.memory_space<semaphore_mem>>) {add = true}
      %mul3A_80 = arith.constant 8 : i32
      %mul3A_81 = arith.muli %scan3A_19, %mul3A_80 : i32
      %add3A_82 = arith.constant 6 : i32
      %add3A_83 = arith.addi %mul3A_81, %add3A_82 : i32
      %dma_start3A_84 = arith.constant 0 : i32
      %dma_start3A_85 = tpu.memref_slice %arg6[%add3A_83, %dma_start3A_84] : memref<80x128xi32, #tpu.memory_space<vmem>> -> memref<1x128xi32, #tpu.memory_space<vmem>>
      %dma_start3A_86 = tpu.memref_squeeze %dma_start3A_85 : memref<1x128xi32, #tpu.memory_space<vmem>> -> memref<128xi32, #tpu.memory_space<vmem>>
      %dma_start3A_87 = arith.constant 0 : i32
      %dma_start3A_88 = arith.constant 0 : i32
      %dma_start3A_89 = tpu.memref_slice %arg8[%dma_start3A_87, %dma_start3A_88] : memref<10240x128xf32, #tpu.memory_space<vmem_shared>> -> memref<10240x128xf32, #tpu.memory_space<vmem_shared>>
      tpu.enqueue_indirect_dma source(%arg7 : memref<128x128xf32, #tpu.memory_space<vmem>>) target(%dma_start3A_89 : memref<10240x128xf32, #tpu.memory_space<vmem_shared>>) offsets(%dma_start3A_86 : memref<128xi32, #tpu.memory_space<vmem>>) semaphore(%arg9 : memref<!tpu.dma_semaphore, #tpu.memory_space<semaphore_mem>>) {add = true}
      %mul3A_90 = arith.constant 8 : i32
      %mul3A_91 = arith.muli %scan3A_19, %mul3A_90 : i32
      %add3A_92 = arith.constant 7 : i32
      %add3A_93 = arith.addi %mul3A_91, %add3A_92 : i32
      %dma_start3A_94 = arith.constant 0 : i32
      %dma_start3A_95 = tpu.memref_slice %arg6[%add3A_93, %dma_start3A_94] : memref<80x128xi32, #tpu.memory_space<vmem>> -> memref<1x128xi32, #tpu.memory_space<vmem>>
      %dma_start3A_96 = tpu.memref_squeeze %dma_start3A_95 : memref<1x128xi32, #tpu.memory_space<vmem>> -> memref<128xi32, #tpu.memory_space<vmem>>
      %dma_start3A_97 = arith.constant 0 : i32
      %dma_start3A_98 = arith.constant 0 : i32
      %dma_start3A_99 = tpu.memref_slice %arg8[%dma_start3A_97, %dma_start3A_98] : memref<10240x128xf32, #tpu.memory_space<vmem_shared>> -> memref<10240x128xf32, #tpu.memory_space<vmem_shared>>
      tpu.enqueue_indirect_dma source(%arg7 : memref<128x128xf32, #tpu.memory_space<vmem>>) target(%dma_start3A_99 : memref<10240x128xf32, #tpu.memory_space<vmem_shared>>) offsets(%dma_start3A_96 : memref<128xi32, #tpu.memory_space<vmem>>) semaphore(%arg9 : memref<!tpu.dma_semaphore, #tpu.memory_space<semaphore_mem>>) {add = true}
      %mul3A_100 = arith.constant 8 : i32
      %mul3A_101 = arith.muli %scan3A_19, %mul3A_100 : i32
      %add3A_102 = arith.constant 0 : i32
      %add3A_103 = arith.addi %mul3A_101, %add3A_102 : i32
      %dma_wait3A = arith.constant 0 : i32
      %dma_wait3A_104 = tpu.memref_slice %arg6[%add3A_103, %dma_wait3A] : memref<80x128xi32, #tpu.memory_space<vmem>> -> memref<1x128xi32, #tpu.memory_space<vmem>>
      %dma_wait3A_105 = tpu.memref_squeeze %dma_wait3A_104 : memref<1x128xi32, #tpu.memory_space<vmem>> -> memref<128xi32, #tpu.memory_space<vmem>>
      %dma_wait3A_106 = arith.constant 0 : i32
      %dma_wait3A_107 = arith.constant 0 : i32
      %dma_wait3A_108 = tpu.memref_slice %arg8[%dma_wait3A_106, %dma_wait3A_107] : memref<10240x128xf32, #tpu.memory_space<vmem_shared>> -> memref<10240x128xf32, #tpu.memory_space<vmem_shared>>
      tpu.wait_indirect_dma semaphore(%arg9 : memref<!tpu.dma_semaphore, #tpu.memory_space<semaphore_mem>>) src(%arg7 : memref<128x128xf32, #tpu.memory_space<vmem>>) dst(%dma_wait3A_108 : memref<10240x128xf32, #tpu.memory_space<vmem_shared>>)
      %mul3A_109 = arith.constant 8 : i32
      %mul3A_110 = arith.muli %scan3A_19, %mul3A_109 : i32
      %add3A_111 = arith.constant 1 : i32
      %add3A_112 = arith.addi %mul3A_110, %add3A_111 : i32
      %dma_wait3A_113 = arith.constant 0 : i32
      %dma_wait3A_114 = tpu.memref_slice %arg6[%add3A_112, %dma_wait3A_113] : memref<80x128xi32, #tpu.memory_space<vmem>> -> memref<1x128xi32, #tpu.memory_space<vmem>>
      %dma_wait3A_115 = tpu.memref_squeeze %dma_wait3A_114 : memref<1x128xi32, #tpu.memory_space<vmem>> -> memref<128xi32, #tpu.memory_space<vmem>>
      %dma_wait3A_116 = arith.constant 0 : i32
      %dma_wait3A_117 = arith.constant 0 : i32
      %dma_wait3A_118 = tpu.memref_slice %arg8[%dma_wait3A_116, %dma_wait3A_117] : memref<10240x128xf32, #tpu.memory_space<vmem_shared>> -> memref<10240x128xf32, #tpu.memory_space<vmem_shared>>
      tpu.wait_indirect_dma semaphore(%arg9 : memref<!tpu.dma_semaphore, #tpu.memory_space<semaphore_mem>>) src(%arg7 : memref<128x128xf32, #tpu.memory_space<vmem>>) dst(%dma_wait3A_118 : memref<10240x128xf32, #tpu.memory_space<vmem_shared>>)
      %mul3A_119 = arith.constant 8 : i32
      %mul3A_120 = arith.muli %scan3A_19, %mul3A_119 : i32
      %add3A_121 = arith.constant 2 : i32
      %add3A_122 = arith.addi %mul3A_120, %add3A_121 : i32
      %dma_wait3A_123 = arith.constant 0 : i32
      %dma_wait3A_124 = tpu.memref_slice %arg6[%add3A_122, %dma_wait3A_123] : memref<80x128xi32, #tpu.memory_space<vmem>> -> memref<1x128xi32, #tpu.memory_space<vmem>>
      %dma_wait3A_125 = tpu.memref_squeeze %dma_wait3A_124 : memref<1x128xi32, #tpu.memory_space<vmem>> -> memref<128xi32, #tpu.memory_space<vmem>>
      %dma_wait3A_126 = arith.constant 0 : i32
      %dma_wait3A_127 = arith.constant 0 : i32
      %dma_wait3A_128 = tpu.memref_slice %arg8[%dma_wait3A_126, %dma_wait3A_127] : memref<10240x128xf32, #tpu.memory_space<vmem_shared>> -> memref<10240x128xf32, #tpu.memory_space<vmem_shared>>
      tpu.wait_indirect_dma semaphore(%arg9 : memref<!tpu.dma_semaphore, #tpu.memory_space<semaphore_mem>>) src(%arg7 : memref<128x128xf32, #tpu.memory_space<vmem>>) dst(%dma_wait3A_128 : memref<10240x128xf32, #tpu.memory_space<vmem_shared>>)
      %mul3A_129 = arith.constant 8 : i32
      %mul3A_130 = arith.muli %scan3A_19, %mul3A_129 : i32
      %add3A_131 = arith.constant 3 : i32
      %add3A_132 = arith.addi %mul3A_130, %add3A_131 : i32
      %dma_wait3A_133 = arith.constant 0 : i32
      %dma_wait3A_134 = tpu.memref_slice %arg6[%add3A_132, %dma_wait3A_133] : memref<80x128xi32, #tpu.memory_space<vmem>> -> memref<1x128xi32, #tpu.memory_space<vmem>>
      %dma_wait3A_135 = tpu.memref_squeeze %dma_wait3A_134 : memref<1x128xi32, #tpu.memory_space<vmem>> -> memref<128xi32, #tpu.memory_space<vmem>>
      %dma_wait3A_136 = arith.constant 0 : i32
      %dma_wait3A_137 = arith.constant 0 : i32
      %dma_wait3A_138 = tpu.memref_slice %arg8[%dma_wait3A_136, %dma_wait3A_137] : memref<10240x128xf32, #tpu.memory_space<vmem_shared>> -> memref<10240x128xf32, #tpu.memory_space<vmem_shared>>
      tpu.wait_indirect_dma semaphore(%arg9 : memref<!tpu.dma_semaphore, #tpu.memory_space<semaphore_mem>>) src(%arg7 : memref<128x128xf32, #tpu.memory_space<vmem>>) dst(%dma_wait3A_138 : memref<10240x128xf32, #tpu.memory_space<vmem_shared>>)
      %mul3A_139 = arith.constant 8 : i32
      %mul3A_140 = arith.muli %scan3A_19, %mul3A_139 : i32
      %add3A_141 = arith.constant 4 : i32
      %add3A_142 = arith.addi %mul3A_140, %add3A_141 : i32
      %dma_wait3A_143 = arith.constant 0 : i32
      %dma_wait3A_144 = tpu.memref_slice %arg6[%add3A_142, %dma_wait3A_143] : memref<80x128xi32, #tpu.memory_space<vmem>> -> memref<1x128xi32, #tpu.memory_space<vmem>>
      %dma_wait3A_145 = tpu.memref_squeeze %dma_wait3A_144 : memref<1x128xi32, #tpu.memory_space<vmem>> -> memref<128xi32, #tpu.memory_space<vmem>>
      %dma_wait3A_146 = arith.constant 0 : i32
      %dma_wait3A_147 = arith.constant 0 : i32
      %dma_wait3A_148 = tpu.memref_slice %arg8[%dma_wait3A_146, %dma_wait3A_147] : memref<10240x128xf32, #tpu.memory_space<vmem_shared>> -> memref<10240x128xf32, #tpu.memory_space<vmem_shared>>
      tpu.wait_indirect_dma semaphore(%arg9 : memref<!tpu.dma_semaphore, #tpu.memory_space<semaphore_mem>>) src(%arg7 : memref<128x128xf32, #tpu.memory_space<vmem>>) dst(%dma_wait3A_148 : memref<10240x128xf32, #tpu.memory_space<vmem_shared>>)
      %mul3A_149 = arith.constant 8 : i32
      %mul3A_150 = arith.muli %scan3A_19, %mul3A_149 : i32
      %add3A_151 = arith.constant 5 : i32
      %add3A_152 = arith.addi %mul3A_150, %add3A_151 : i32
      %dma_wait3A_153 = arith.constant 0 : i32
      %dma_wait3A_154 = tpu.memref_slice %arg6[%add3A_152, %dma_wait3A_153] : memref<80x128xi32, #tpu.memory_space<vmem>> -> memref<1x128xi32, #tpu.memory_space<vmem>>
      %dma_wait3A_155 = tpu.memref_squeeze %dma_wait3A_154 : memref<1x128xi32, #tpu.memory_space<vmem>> -> memref<128xi32, #tpu.memory_space<vmem>>
      %dma_wait3A_156 = arith.constant 0 : i32
      %dma_wait3A_157 = arith.constant 0 : i32
      %dma_wait3A_158 = tpu.memref_slice %arg8[%dma_wait3A_156, %dma_wait3A_157] : memref<10240x128xf32, #tpu.memory_space<vmem_shared>> -> memref<10240x128xf32, #tpu.memory_space<vmem_shared>>
      tpu.wait_indirect_dma semaphore(%arg9 : memref<!tpu.dma_semaphore, #tpu.memory_space<semaphore_mem>>) src(%arg7 : memref<128x128xf32, #tpu.memory_space<vmem>>) dst(%dma_wait3A_158 : memref<10240x128xf32, #tpu.memory_space<vmem_shared>>)
      %mul3A_159 = arith.constant 8 : i32
      %mul3A_160 = arith.muli %scan3A_19, %mul3A_159 : i32
      %add3A_161 = arith.constant 6 : i32
      %add3A_162 = arith.addi %mul3A_160, %add3A_161 : i32
      %dma_wait3A_163 = arith.constant 0 : i32
      %dma_wait3A_164 = tpu.memref_slice %arg6[%add3A_162, %dma_wait3A_163] : memref<80x128xi32, #tpu.memory_space<vmem>> -> memref<1x128xi32, #tpu.memory_space<vmem>>
      %dma_wait3A_165 = tpu.memref_squeeze %dma_wait3A_164 : memref<1x128xi32, #tpu.memory_space<vmem>> -> memref<128xi32, #tpu.memory_space<vmem>>
      %dma_wait3A_166 = arith.constant 0 : i32
      %dma_wait3A_167 = arith.constant 0 : i32
      %dma_wait3A_168 = tpu.memref_slice %arg8[%dma_wait3A_166, %dma_wait3A_167] : memref<10240x128xf32, #tpu.memory_space<vmem_shared>> -> memref<10240x128xf32, #tpu.memory_space<vmem_shared>>
      tpu.wait_indirect_dma semaphore(%arg9 : memref<!tpu.dma_semaphore, #tpu.memory_space<semaphore_mem>>) src(%arg7 : memref<128x128xf32, #tpu.memory_space<vmem>>) dst(%dma_wait3A_168 : memref<10240x128xf32, #tpu.memory_space<vmem_shared>>)
      %mul3A_169 = arith.constant 8 : i32
      %mul3A_170 = arith.muli %scan3A_19, %mul3A_169 : i32
      %add3A_171 = arith.constant 7 : i32
      %add3A_172 = arith.addi %mul3A_170, %add3A_171 : i32
      %dma_wait3A_173 = arith.constant 0 : i32
      %dma_wait3A_174 = tpu.memref_slice %arg6[%add3A_172, %dma_wait3A_173] : memref<80x128xi32, #tpu.memory_space<vmem>> -> memref<1x128xi32, #tpu.memory_space<vmem>>
      %dma_wait3A_175 = tpu.memref_squeeze %dma_wait3A_174 : memref<1x128xi32, #tpu.memory_space<vmem>> -> memref<128xi32, #tpu.memory_space<vmem>>
      %dma_wait3A_176 = arith.constant 0 : i32
      %dma_wait3A_177 = arith.constant 0 : i32
      %dma_wait3A_178 = tpu.memref_slice %arg8[%dma_wait3A_176, %dma_wait3A_177] : memref<10240x128xf32, #tpu.memory_space<vmem_shared>> -> memref<10240x128xf32, #tpu.memory_space<vmem_shared>>
      tpu.wait_indirect_dma semaphore(%arg9 : memref<!tpu.dma_semaphore, #tpu.memory_space<semaphore_mem>>) src(%arg7 : memref<128x128xf32, #tpu.memory_space<vmem>>) dst(%dma_wait3A_178 : memref<10240x128xf32, #tpu.memory_space<vmem_shared>>)
      %scan3A_179 = arith.constant 0 : i32
      scf.yield %scan3A_179 : i32
    }
    %scan3A_10 = arith.constant 10 : i32
    %barrier3A_11 = arith.constant 0 : index
    tpu.barrier barrier_id(%barrier3A_11)
    %mul3A_12 = arith.constant 640 : i32
    %mul3A_13 = arith.muli %arg1, %mul3A_12 : i32
    %mul3A_14 = arith.constant 10240 : i32
    %mul3A_15 = arith.muli %arg0, %mul3A_14 : i32
    %mul3A_16 = arith.constant 640 : i32
    %mul3A_17 = arith.muli %arg1, %mul3A_16 : i32
    %add3A_18 = arith.addi %mul3A_15, %mul3A_17 : i32
    "tpu.region"() ({
      %run_scoped3A = tpu.sem_alloc : memref<!tpu.dma_semaphore, #tpu.memory_space<semaphore_mem>>
      %dma_start3A = arith.constant 0 : i32
      %dma_start3A_19 = tpu.memref_slice %arg5[%add3A_18, %dma_start3A] : memref<20480x128xf32, #tpu.memory_space<hbm>> -> memref<640x128xf32, #tpu.memory_space<hbm>>
      %dma_start3A_20 = arith.constant 0 : i32
      %dma_start3A_21 = tpu.memref_slice %arg8[%mul3A_13, %dma_start3A_20] : memref<10240x128xf32, #tpu.memory_space<vmem_shared>> -> memref<640x128xf32, #tpu.memory_space<vmem_shared>>
      tpu.enqueue_dma source(%dma_start3A_21 : memref<640x128xf32, #tpu.memory_space<vmem_shared>>) target(%dma_start3A_19 : memref<640x128xf32, #tpu.memory_space<hbm>>) target_semaphore(%run_scoped3A : memref<!tpu.dma_semaphore, #tpu.memory_space<semaphore_mem>>)
      %dma_wait3A = arith.constant 0 : i32
      %dma_wait3A_22 = tpu.memref_slice %arg5[%add3A_18, %dma_wait3A] : memref<20480x128xf32, #tpu.memory_space<hbm>> -> memref<640x128xf32, #tpu.memory_space<hbm>>
      %dma_wait3A_23 = arith.constant 0 : i32
      %dma_wait3A_24 = tpu.memref_slice %arg8[%mul3A_13, %dma_wait3A_23] : memref<10240x128xf32, #tpu.memory_space<vmem_shared>> -> memref<640x128xf32, #tpu.memory_space<vmem_shared>>
      tpu.wait_dma2 semaphore(%run_scoped3A : memref<!tpu.dma_semaphore, #tpu.memory_space<semaphore_mem>>) src(%dma_wait3A_24 : memref<640x128xf32, #tpu.memory_space<vmem_shared>>) dst(%dma_wait3A_22 : memref<640x128xf32, #tpu.memory_space<hbm>>)
      tpu.yield
    }) : () -> ()
    return
  }
}

#map = affine_map<(d0, d1) -> (0, 0)>
#map1 = affine_map<(d0, d1) -> (0)>
module attributes {stable_mosaic.version = 14 : i64} {
  func.func @_sc_mp(%arg0: i32, %arg1: i32, %arg2: memref<10000x128xf32, #tpu.memory_space<hbm>>, %arg3: memref<327680xi32, #tpu.memory_space<hbm>>, %arg4: memref<327680xi32, #tpu.memory_space<hbm>>, %arg5: memref<10240x128xf32, #tpu.memory_space<hbm>>, %arg6: memref<20480x128xf32, #tpu.memory_space<hbm>>, %arg7: memref<80xi32, #tpu.memory_space<vmem>>, %arg8: memref<80xi32, #tpu.memory_space<vmem>>, %arg9: memref<80xi32, #tpu.memory_space<vmem>>, %arg10: memref<80xi32, #tpu.memory_space<vmem>>, %arg11: memref<80x128xf32, #tpu.memory_space<vmem>>, %arg12: memref<80x128xf32, #tpu.memory_space<vmem>>, %arg13: memref<10240x128xf32, #tpu.memory_space<vmem_shared>>, %arg14: memref<!tpu.dma_semaphore, #tpu.memory_space<semaphore_mem>>, %arg15: memref<!tpu.dma_semaphore, #tpu.memory_space<semaphore_mem>>, %arg16: memref<!tpu.dma_semaphore, #tpu.memory_space<semaphore_mem>>, %arg17: memref<!tpu.dma_semaphore, #tpu.memory_space<semaphore_mem>>) attributes {dimension_semantics = [#tpu.dimension_semantics<core_parallel>, #tpu.dimension_semantics<subcore_parallel>], iteration_bounds = array<i64: 2, 16>, scalar_prefetch = 0 : i64, scratch_operands = 11 : i64, tpu.core_type = #tpu.core_type<sc_vector_subcore>, window_params = [{transform_indices = #map}, {transform_indices = #map1}, {transform_indices = #map1}, {transform_indices = #map}, {transform_indices = #map}]} {
    %mul3A = arith.constant 16 : i32
    %mul3A_0 = arith.muli %arg0, %mul3A : i32
    %add3A = arith.addi %mul3A_0, %arg1 : i32
    %mul3A_1 = arith.constant 640 : i32
    %mul3A_2 = arith.muli %arg1, %mul3A_1 : i32
    %mul3A_3 = arith.constant 640 : i32
    %mul3A_4 = arith.muli %arg1, %mul3A_3 : i32
    "tpu.region"() ({
      %run_scoped3A = tpu.sem_alloc : memref<!tpu.dma_semaphore, #tpu.memory_space<semaphore_mem>>
      %dma_start3A_44 = arith.constant 0 : i32
      %dma_start3A_45 = tpu.memref_slice %arg13[%mul3A_4, %dma_start3A_44] : memref<10240x128xf32, #tpu.memory_space<vmem_shared>> -> memref<640x128xf32, #tpu.memory_space<vmem_shared>>
      %dma_start3A_46 = arith.constant 0 : i32
      %dma_start3A_47 = tpu.memref_slice %arg5[%mul3A_2, %dma_start3A_46] : memref<10240x128xf32, #tpu.memory_space<hbm>> -> memref<640x128xf32, #tpu.memory_space<hbm>>
      tpu.enqueue_dma source(%dma_start3A_47 : memref<640x128xf32, #tpu.memory_space<hbm>>) target(%dma_start3A_45 : memref<640x128xf32, #tpu.memory_space<vmem_shared>>) target_semaphore(%run_scoped3A : memref<!tpu.dma_semaphore, #tpu.memory_space<semaphore_mem>>)
      %dma_wait3A_48 = arith.constant 0 : i32
      %dma_wait3A_49 = tpu.memref_slice %arg13[%mul3A_4, %dma_wait3A_48] : memref<10240x128xf32, #tpu.memory_space<vmem_shared>> -> memref<640x128xf32, #tpu.memory_space<vmem_shared>>
      %dma_wait3A_50 = arith.constant 0 : i32
      %dma_wait3A_51 = tpu.memref_slice %arg5[%mul3A_2, %dma_wait3A_50] : memref<10240x128xf32, #tpu.memory_space<hbm>> -> memref<640x128xf32, #tpu.memory_space<hbm>>
      tpu.wait_dma2 semaphore(%run_scoped3A : memref<!tpu.dma_semaphore, #tpu.memory_space<semaphore_mem>>) src(%dma_wait3A_51 : memref<640x128xf32, #tpu.memory_space<hbm>>) dst(%dma_wait3A_49 : memref<640x128xf32, #tpu.memory_space<vmem_shared>>)
      tpu.yield
    }) : () -> ()
    %barrier3A = arith.constant 0 : index
    tpu.barrier barrier_id(%barrier3A)
    %mul3A_5 = arith.constant 10240 : i32
    %mul3A_6 = arith.muli %add3A, %mul3A_5 : i32
    %add3A_7 = arith.constant 0 : i32
    %add3A_8 = arith.addi %mul3A_6, %add3A_7 : i32
    %dma_start3A = tpu.memref_slice %arg3[%add3A_8] : memref<327680xi32, #tpu.memory_space<hbm>> -> memref<80xi32, #tpu.memory_space<hbm>>
    %dma_start3A_9 = tpu.memref_slice %arg3[%add3A_8] : memref<327680xi32, #tpu.memory_space<hbm>> -> memref<80xi32, #tpu.memory_space<hbm>>
    tpu.enqueue_dma source(%dma_start3A_9 : memref<80xi32, #tpu.memory_space<hbm>>) target(%arg7 : memref<80xi32, #tpu.memory_space<vmem>>) target_semaphore(%arg14 : memref<!tpu.dma_semaphore, #tpu.memory_space<semaphore_mem>>)
    %dma_start3A_10 = tpu.memref_slice %arg4[%add3A_8] : memref<327680xi32, #tpu.memory_space<hbm>> -> memref<80xi32, #tpu.memory_space<hbm>>
    %dma_start3A_11 = tpu.memref_slice %arg4[%add3A_8] : memref<327680xi32, #tpu.memory_space<hbm>> -> memref<80xi32, #tpu.memory_space<hbm>>
    tpu.enqueue_dma source(%dma_start3A_11 : memref<80xi32, #tpu.memory_space<hbm>>) target(%arg9 : memref<80xi32, #tpu.memory_space<vmem>>) target_semaphore(%arg14 : memref<!tpu.dma_semaphore, #tpu.memory_space<semaphore_mem>>)
    %mul3A_12 = arith.constant 10240 : i32
    %mul3A_13 = arith.muli %add3A, %mul3A_12 : i32
    %add3A_14 = arith.constant 80 : i32
    %add3A_15 = arith.addi %mul3A_13, %add3A_14 : i32
    %dma_start3A_16 = tpu.memref_slice %arg3[%add3A_15] : memref<327680xi32, #tpu.memory_space<hbm>> -> memref<80xi32, #tpu.memory_space<hbm>>
    %dma_start3A_17 = tpu.memref_slice %arg3[%add3A_15] : memref<327680xi32, #tpu.memory_space<hbm>> -> memref<80xi32, #tpu.memory_space<hbm>>
    tpu.enqueue_dma source(%dma_start3A_17 : memref<80xi32, #tpu.memory_space<hbm>>) target(%arg8 : memref<80xi32, #tpu.memory_space<vmem>>) target_semaphore(%arg15 : memref<!tpu.dma_semaphore, #tpu.memory_space<semaphore_mem>>)
    %dma_start3A_18 = tpu.memref_slice %arg4[%add3A_15] : memref<327680xi32, #tpu.memory_space<hbm>> -> memref<80xi32, #tpu.memory_space<hbm>>
    %dma_start3A_19 = tpu.memref_slice %arg4[%add3A_15] : memref<327680xi32, #tpu.memory_space<hbm>> -> memref<80xi32, #tpu.memory_space<hbm>>
    tpu.enqueue_dma source(%dma_start3A_19 : memref<80xi32, #tpu.memory_space<hbm>>) target(%arg10 : memref<80xi32, #tpu.memory_space<vmem>>) target_semaphore(%arg15 : memref<!tpu.dma_semaphore, #tpu.memory_space<semaphore_mem>>)
    %mul3A_20 = arith.constant 10240 : i32
    %mul3A_21 = arith.muli %add3A, %mul3A_20 : i32
    %add3A_22 = arith.constant 0 : i32
    %add3A_23 = arith.addi %mul3A_21, %add3A_22 : i32
    %dma_wait3A = tpu.memref_slice %arg3[%add3A_23] : memref<327680xi32, #tpu.memory_space<hbm>> -> memref<80xi32, #tpu.memory_space<hbm>>
    %dma_wait3A_24 = tpu.memref_slice %arg3[%add3A_23] : memref<327680xi32, #tpu.memory_space<hbm>> -> memref<80xi32, #tpu.memory_space<hbm>>
    tpu.wait_dma2 semaphore(%arg14 : memref<!tpu.dma_semaphore, #tpu.memory_space<semaphore_mem>>) src(%dma_wait3A_24 : memref<80xi32, #tpu.memory_space<hbm>>) dst(%arg7 : memref<80xi32, #tpu.memory_space<vmem>>)
    %dma_wait3A_25 = tpu.memref_slice %arg4[%add3A_23] : memref<327680xi32, #tpu.memory_space<hbm>> -> memref<80xi32, #tpu.memory_space<hbm>>
    %dma_wait3A_26 = tpu.memref_slice %arg4[%add3A_23] : memref<327680xi32, #tpu.memory_space<hbm>> -> memref<80xi32, #tpu.memory_space<hbm>>
    tpu.wait_dma2 semaphore(%arg14 : memref<!tpu.dma_semaphore, #tpu.memory_space<semaphore_mem>>) src(%dma_wait3A_26 : memref<80xi32, #tpu.memory_space<hbm>>) dst(%arg9 : memref<80xi32, #tpu.memory_space<vmem>>)
    %dma_start3A_27 = arith.constant 0 : i32
    %dma_start3A_28 = arith.constant 0 : i32
    %dma_start3A_29 = tpu.memref_slice %arg2[%dma_start3A_27, %dma_start3A_28] : memref<10000x128xf32, #tpu.memory_space<hbm>> -> memref<10000x128xf32, #tpu.memory_space<hbm>>
    tpu.enqueue_indirect_dma source(%dma_start3A_29 : memref<10000x128xf32, #tpu.memory_space<hbm>>) target(%arg11 : memref<80x128xf32, #tpu.memory_space<vmem>>) offsets(%arg7 : memref<80xi32, #tpu.memory_space<vmem>>) semaphore(%arg16 : memref<!tpu.dma_semaphore, #tpu.memory_space<semaphore_mem>>)
    %scan3A = arith.constant 0 : i32
    %scan3A_30 = arith.constant 0 : i32
    %scan3A_31 = arith.constant 64 : i32
    %scan3A_32 = arith.addi %scan3A_30, %scan3A_31 : i32
    %scan3A_33 = arith.constant 1 : i32
    %scan3A_34 = scf.for %scan3A_44 = %scan3A_30 to %scan3A_32 step %scan3A_33 iter_args(%scan3A_45 = %scan3A) -> (i32)  : i32 {
      %mul3A_46 = arith.constant 2 : i32
      %mul3A_47 = arith.muli %mul3A_46, %scan3A_44 : i32
      %add3A_48 = arith.constant 1 : i32
      %add3A_49 = arith.addi %mul3A_47, %add3A_48 : i32
      %dma_wait3A_50 = arith.constant 0 : i32
      %dma_wait3A_51 = arith.constant 0 : i32
      %dma_wait3A_52 = tpu.memref_slice %arg2[%dma_wait3A_50, %dma_wait3A_51] : memref<10000x128xf32, #tpu.memory_space<hbm>> -> memref<10000x128xf32, #tpu.memory_space<hbm>>
      tpu.wait_indirect_dma semaphore(%arg16 : memref<!tpu.dma_semaphore, #tpu.memory_space<semaphore_mem>>) src(%dma_wait3A_52 : memref<10000x128xf32, #tpu.memory_space<hbm>>) dst(%arg11 : memref<80x128xf32, #tpu.memory_space<vmem>>)
      %mul3A_53 = arith.constant 10240 : i32
      %mul3A_54 = arith.muli %add3A, %mul3A_53 : i32
      %mul3A_55 = arith.constant 80 : i32
      %mul3A_56 = arith.muli %add3A_49, %mul3A_55 : i32
      %add3A_57 = arith.addi %mul3A_54, %mul3A_56 : i32
      %dma_wait3A_58 = tpu.memref_slice %arg3[%add3A_57] : memref<327680xi32, #tpu.memory_space<hbm>> -> memref<80xi32, #tpu.memory_space<hbm>>
      %dma_wait3A_59 = tpu.memref_slice %arg3[%add3A_57] : memref<327680xi32, #tpu.memory_space<hbm>> -> memref<80xi32, #tpu.memory_space<hbm>>
      tpu.wait_dma2 semaphore(%arg15 : memref<!tpu.dma_semaphore, #tpu.memory_space<semaphore_mem>>) src(%dma_wait3A_59 : memref<80xi32, #tpu.memory_space<hbm>>) dst(%arg8 : memref<80xi32, #tpu.memory_space<vmem>>)
      %dma_wait3A_60 = tpu.memref_slice %arg4[%add3A_57] : memref<327680xi32, #tpu.memory_space<hbm>> -> memref<80xi32, #tpu.memory_space<hbm>>
      %dma_wait3A_61 = tpu.memref_slice %arg4[%add3A_57] : memref<327680xi32, #tpu.memory_space<hbm>> -> memref<80xi32, #tpu.memory_space<hbm>>
      tpu.wait_dma2 semaphore(%arg15 : memref<!tpu.dma_semaphore, #tpu.memory_space<semaphore_mem>>) src(%dma_wait3A_61 : memref<80xi32, #tpu.memory_space<hbm>>) dst(%arg10 : memref<80xi32, #tpu.memory_space<vmem>>)
      %dma_start3A_62 = arith.constant 0 : i32
      %dma_start3A_63 = arith.constant 0 : i32
      %dma_start3A_64 = tpu.memref_slice %arg2[%dma_start3A_62, %dma_start3A_63] : memref<10000x128xf32, #tpu.memory_space<hbm>> -> memref<10000x128xf32, #tpu.memory_space<hbm>>
      tpu.enqueue_indirect_dma source(%dma_start3A_64 : memref<10000x128xf32, #tpu.memory_space<hbm>>) target(%arg12 : memref<80x128xf32, #tpu.memory_space<vmem>>) offsets(%arg8 : memref<80xi32, #tpu.memory_space<vmem>>) semaphore(%arg17 : memref<!tpu.dma_semaphore, #tpu.memory_space<semaphore_mem>>)
      "tpu.region"() ({
        %run_scoped3A = tpu.sem_alloc : memref<!tpu.dma_semaphore, #tpu.memory_space<semaphore_mem>>
        %dma_start3A_81 = arith.constant 0 : i32
        %dma_start3A_82 = arith.constant 0 : i32
        %dma_start3A_83 = tpu.memref_slice %arg13[%dma_start3A_81, %dma_start3A_82] : memref<10240x128xf32, #tpu.memory_space<vmem_shared>> -> memref<10240x128xf32, #tpu.memory_space<vmem_shared>>
        tpu.enqueue_indirect_dma source(%arg11 : memref<80x128xf32, #tpu.memory_space<vmem>>) target(%dma_start3A_83 : memref<10240x128xf32, #tpu.memory_space<vmem_shared>>) offsets(%arg9 : memref<80xi32, #tpu.memory_space<vmem>>) semaphore(%run_scoped3A : memref<!tpu.dma_semaphore, #tpu.memory_space<semaphore_mem>>) {add = true}
        %dma_wait3A_84 = arith.constant 0 : i32
        %dma_wait3A_85 = arith.constant 0 : i32
        %dma_wait3A_86 = tpu.memref_slice %arg13[%dma_wait3A_84, %dma_wait3A_85] : memref<10240x128xf32, #tpu.memory_space<vmem_shared>> -> memref<10240x128xf32, #tpu.memory_space<vmem_shared>>
        tpu.wait_indirect_dma semaphore(%run_scoped3A : memref<!tpu.dma_semaphore, #tpu.memory_space<semaphore_mem>>) src(%arg11 : memref<80x128xf32, #tpu.memory_space<vmem>>) dst(%dma_wait3A_86 : memref<10240x128xf32, #tpu.memory_space<vmem_shared>>)
        tpu.yield
      }) : () -> ()
      %lt3A = arith.constant 63 : i32
      %lt3A_65 = arith.cmpi slt, %scan3A_44, %lt3A : i32
      %convert_element_type3A = arith.extui %lt3A_65 : i1 to i32
      %cond3A = arith.constant 0 : i32
      %cond3A_66 = arith.cmpi ne, %convert_element_type3A, %cond3A : i32
      scf.if %cond3A_66 {
        %add3A_81 = arith.constant 2 : i32
        %add3A_82 = arith.addi %mul3A_47, %add3A_81 : i32
        %mul3A_83 = arith.constant 10240 : i32
        %mul3A_84 = arith.muli %add3A, %mul3A_83 : i32
        %mul3A_85 = arith.constant 80 : i32
        %mul3A_86 = arith.muli %add3A_82, %mul3A_85 : i32
        %add3A_87 = arith.addi %mul3A_84, %mul3A_86 : i32
        %dma_start3A_88 = tpu.memref_slice %arg3[%add3A_87] : memref<327680xi32, #tpu.memory_space<hbm>> -> memref<80xi32, #tpu.memory_space<hbm>>
        %dma_start3A_89 = tpu.memref_slice %arg3[%add3A_87] : memref<327680xi32, #tpu.memory_space<hbm>> -> memref<80xi32, #tpu.memory_space<hbm>>
        tpu.enqueue_dma source(%dma_start3A_89 : memref<80xi32, #tpu.memory_space<hbm>>) target(%arg7 : memref<80xi32, #tpu.memory_space<vmem>>) target_semaphore(%arg14 : memref<!tpu.dma_semaphore, #tpu.memory_space<semaphore_mem>>)
        %dma_start3A_90 = tpu.memref_slice %arg4[%add3A_87] : memref<327680xi32, #tpu.memory_space<hbm>> -> memref<80xi32, #tpu.memory_space<hbm>>
        %dma_start3A_91 = tpu.memref_slice %arg4[%add3A_87] : memref<327680xi32, #tpu.memory_space<hbm>> -> memref<80xi32, #tpu.memory_space<hbm>>
        tpu.enqueue_dma source(%dma_start3A_91 : memref<80xi32, #tpu.memory_space<hbm>>) target(%arg9 : memref<80xi32, #tpu.memory_space<vmem>>) target_semaphore(%arg14 : memref<!tpu.dma_semaphore, #tpu.memory_space<semaphore_mem>>)
      } else {
      }
      %dma_wait3A_67 = arith.constant 0 : i32
      %dma_wait3A_68 = arith.constant 0 : i32
      %dma_wait3A_69 = tpu.memref_slice %arg2[%dma_wait3A_67, %dma_wait3A_68] : memref<10000x128xf32, #tpu.memory_space<hbm>> -> memref<10000x128xf32, #tpu.memory_space<hbm>>
      tpu.wait_indirect_dma semaphore(%arg17 : memref<!tpu.dma_semaphore, #tpu.memory_space<semaphore_mem>>) src(%dma_wait3A_69 : memref<10000x128xf32, #tpu.memory_space<hbm>>) dst(%arg12 : memref<80x128xf32, #tpu.memory_space<vmem>>)
      %lt3A_70 = arith.constant 63 : i32
      %lt3A_71 = arith.cmpi slt, %scan3A_44, %lt3A_70 : i32
      %convert_element_type3A_72 = arith.extui %lt3A_71 : i1 to i32
      %cond3A_73 = arith.constant 0 : i32
      %cond3A_74 = arith.cmpi ne, %convert_element_type3A_72, %cond3A_73 : i32
      scf.if %cond3A_74 {
        %add3A_81 = arith.constant 2 : i32
        %add3A_82 = arith.addi %mul3A_47, %add3A_81 : i32
        %mul3A_83 = arith.constant 10240 : i32
        %mul3A_84 = arith.muli %add3A, %mul3A_83 : i32
        %mul3A_85 = arith.constant 80 : i32
        %mul3A_86 = arith.muli %add3A_82, %mul3A_85 : i32
        %add3A_87 = arith.addi %mul3A_84, %mul3A_86 : i32
        %dma_wait3A_88 = tpu.memref_slice %arg3[%add3A_87] : memref<327680xi32, #tpu.memory_space<hbm>> -> memref<80xi32, #tpu.memory_space<hbm>>
        %dma_wait3A_89 = tpu.memref_slice %arg3[%add3A_87] : memref<327680xi32, #tpu.memory_space<hbm>> -> memref<80xi32, #tpu.memory_space<hbm>>
        tpu.wait_dma2 semaphore(%arg14 : memref<!tpu.dma_semaphore, #tpu.memory_space<semaphore_mem>>) src(%dma_wait3A_89 : memref<80xi32, #tpu.memory_space<hbm>>) dst(%arg7 : memref<80xi32, #tpu.memory_space<vmem>>)
        %dma_wait3A_90 = tpu.memref_slice %arg4[%add3A_87] : memref<327680xi32, #tpu.memory_space<hbm>> -> memref<80xi32, #tpu.memory_space<hbm>>
        %dma_wait3A_91 = tpu.memref_slice %arg4[%add3A_87] : memref<327680xi32, #tpu.memory_space<hbm>> -> memref<80xi32, #tpu.memory_space<hbm>>
        tpu.wait_dma2 semaphore(%arg14 : memref<!tpu.dma_semaphore, #tpu.memory_space<semaphore_mem>>) src(%dma_wait3A_91 : memref<80xi32, #tpu.memory_space<hbm>>) dst(%arg9 : memref<80xi32, #tpu.memory_space<vmem>>)
        %dma_start3A_92 = arith.constant 0 : i32
        %dma_start3A_93 = arith.constant 0 : i32
        %dma_start3A_94 = tpu.memref_slice %arg2[%dma_start3A_92, %dma_start3A_93] : memref<10000x128xf32, #tpu.memory_space<hbm>> -> memref<10000x128xf32, #tpu.memory_space<hbm>>
        tpu.enqueue_indirect_dma source(%dma_start3A_94 : memref<10000x128xf32, #tpu.memory_space<hbm>>) target(%arg11 : memref<80x128xf32, #tpu.memory_space<vmem>>) offsets(%arg7 : memref<80xi32, #tpu.memory_space<vmem>>) semaphore(%arg16 : memref<!tpu.dma_semaphore, #tpu.memory_space<semaphore_mem>>)
      } else {
      }
      "tpu.region"() ({
        %run_scoped3A = tpu.sem_alloc : memref<!tpu.dma_semaphore, #tpu.memory_space<semaphore_mem>>
        %dma_start3A_81 = arith.constant 0 : i32
        %dma_start3A_82 = arith.constant 0 : i32
        %dma_start3A_83 = tpu.memref_slice %arg13[%dma_start3A_81, %dma_start3A_82] : memref<10240x128xf32, #tpu.memory_space<vmem_shared>> -> memref<10240x128xf32, #tpu.memory_space<vmem_shared>>
        tpu.enqueue_indirect_dma source(%arg12 : memref<80x128xf32, #tpu.memory_space<vmem>>) target(%dma_start3A_83 : memref<10240x128xf32, #tpu.memory_space<vmem_shared>>) offsets(%arg10 : memref<80xi32, #tpu.memory_space<vmem>>) semaphore(%run_scoped3A : memref<!tpu.dma_semaphore, #tpu.memory_space<semaphore_mem>>) {add = true}
        %dma_wait3A_84 = arith.constant 0 : i32
        %dma_wait3A_85 = arith.constant 0 : i32
        %dma_wait3A_86 = tpu.memref_slice %arg13[%dma_wait3A_84, %dma_wait3A_85] : memref<10240x128xf32, #tpu.memory_space<vmem_shared>> -> memref<10240x128xf32, #tpu.memory_space<vmem_shared>>
        tpu.wait_indirect_dma semaphore(%run_scoped3A : memref<!tpu.dma_semaphore, #tpu.memory_space<semaphore_mem>>) src(%arg12 : memref<80x128xf32, #tpu.memory_space<vmem>>) dst(%dma_wait3A_86 : memref<10240x128xf32, #tpu.memory_space<vmem_shared>>)
        tpu.yield
      }) : () -> ()
      %lt3A_75 = arith.constant 63 : i32
      %lt3A_76 = arith.cmpi slt, %scan3A_44, %lt3A_75 : i32
      %convert_element_type3A_77 = arith.extui %lt3A_76 : i1 to i32
      %cond3A_78 = arith.constant 0 : i32
      %cond3A_79 = arith.cmpi ne, %convert_element_type3A_77, %cond3A_78 : i32
      scf.if %cond3A_79 {
        %add3A_81 = arith.constant 2 : i32
        %add3A_82 = arith.addi %add3A_49, %add3A_81 : i32
        %mul3A_83 = arith.constant 10240 : i32
        %mul3A_84 = arith.muli %add3A, %mul3A_83 : i32
        %mul3A_85 = arith.constant 80 : i32
        %mul3A_86 = arith.muli %add3A_82, %mul3A_85 : i32
        %add3A_87 = arith.addi %mul3A_84, %mul3A_86 : i32
        %dma_start3A_88 = tpu.memref_slice %arg3[%add3A_87] : memref<327680xi32, #tpu.memory_space<hbm>> -> memref<80xi32, #tpu.memory_space<hbm>>
        %dma_start3A_89 = tpu.memref_slice %arg3[%add3A_87] : memref<327680xi32, #tpu.memory_space<hbm>> -> memref<80xi32, #tpu.memory_space<hbm>>
        tpu.enqueue_dma source(%dma_start3A_89 : memref<80xi32, #tpu.memory_space<hbm>>) target(%arg8 : memref<80xi32, #tpu.memory_space<vmem>>) target_semaphore(%arg15 : memref<!tpu.dma_semaphore, #tpu.memory_space<semaphore_mem>>)
        %dma_start3A_90 = tpu.memref_slice %arg4[%add3A_87] : memref<327680xi32, #tpu.memory_space<hbm>> -> memref<80xi32, #tpu.memory_space<hbm>>
        %dma_start3A_91 = tpu.memref_slice %arg4[%add3A_87] : memref<327680xi32, #tpu.memory_space<hbm>> -> memref<80xi32, #tpu.memory_space<hbm>>
        tpu.enqueue_dma source(%dma_start3A_91 : memref<80xi32, #tpu.memory_space<hbm>>) target(%arg10 : memref<80xi32, #tpu.memory_space<vmem>>) target_semaphore(%arg15 : memref<!tpu.dma_semaphore, #tpu.memory_space<semaphore_mem>>)
      } else {
      }
      %scan3A_80 = arith.constant 0 : i32
      scf.yield %scan3A_80 : i32
    }
    %scan3A_35 = arith.constant 64 : i32
    %barrier3A_36 = arith.constant 0 : index
    tpu.barrier barrier_id(%barrier3A_36)
    %mul3A_37 = arith.constant 640 : i32
    %mul3A_38 = arith.muli %arg1, %mul3A_37 : i32
    %mul3A_39 = arith.constant 10240 : i32
    %mul3A_40 = arith.muli %arg0, %mul3A_39 : i32
    %mul3A_41 = arith.constant 640 : i32
    %mul3A_42 = arith.muli %arg1, %mul3A_41 : i32
    %add3A_43 = arith.addi %mul3A_40, %mul3A_42 : i32
    "tpu.region"() ({
      %run_scoped3A = tpu.sem_alloc : memref<!tpu.dma_semaphore, #tpu.memory_space<semaphore_mem>>
      %dma_start3A_44 = arith.constant 0 : i32
      %dma_start3A_45 = tpu.memref_slice %arg6[%add3A_43, %dma_start3A_44] : memref<20480x128xf32, #tpu.memory_space<hbm>> -> memref<640x128xf32, #tpu.memory_space<hbm>>
      %dma_start3A_46 = arith.constant 0 : i32
      %dma_start3A_47 = tpu.memref_slice %arg13[%mul3A_38, %dma_start3A_46] : memref<10240x128xf32, #tpu.memory_space<vmem_shared>> -> memref<640x128xf32, #tpu.memory_space<vmem_shared>>
      tpu.enqueue_dma source(%dma_start3A_47 : memref<640x128xf32, #tpu.memory_space<vmem_shared>>) target(%dma_start3A_45 : memref<640x128xf32, #tpu.memory_space<hbm>>) target_semaphore(%run_scoped3A : memref<!tpu.dma_semaphore, #tpu.memory_space<semaphore_mem>>)
      %dma_wait3A_48 = arith.constant 0 : i32
      %dma_wait3A_49 = tpu.memref_slice %arg6[%add3A_43, %dma_wait3A_48] : memref<20480x128xf32, #tpu.memory_space<hbm>> -> memref<640x128xf32, #tpu.memory_space<hbm>>
      %dma_wait3A_50 = arith.constant 0 : i32
      %dma_wait3A_51 = tpu.memref_slice %arg13[%mul3A_38, %dma_wait3A_50] : memref<10240x128xf32, #tpu.memory_space<vmem_shared>> -> memref<640x128xf32, #tpu.memory_space<vmem_shared>>
      tpu.wait_dma2 semaphore(%run_scoped3A : memref<!tpu.dma_semaphore, #tpu.memory_space<semaphore_mem>>) src(%dma_wait3A_51 : memref<640x128xf32, #tpu.memory_space<vmem_shared>>) dst(%dma_wait3A_49 : memref<640x128xf32, #tpu.memory_space<hbm>>)
      tpu.yield
    }) : () -> ()
    return
  }
}

#map = affine_map<(d0, d1) -> (0, 0)>
#map1 = affine_map<(d0, d1) -> (0)>
module attributes {stable_mosaic.version = 14 : i64} {
  func.func @_sc_mp(%arg0: i32, %arg1: i32, %arg2: memref<10000x128xf32, #tpu.memory_space<hbm>>, %arg3: memref<327680xi32, #tpu.memory_space<hbm>>, %arg4: memref<327680xi32, #tpu.memory_space<hbm>>, %arg5: memref<10240x128xf32, #tpu.memory_space<hbm>>, %arg6: memref<20480x128xf32, #tpu.memory_space<hbm>>, %arg7: memref<80xi32, #tpu.memory_space<vmem>>, %arg8: memref<80xi32, #tpu.memory_space<vmem>>, %arg9: memref<80xi32, #tpu.memory_space<vmem>>, %arg10: memref<80xi32, #tpu.memory_space<vmem>>, %arg11: memref<80x128xf32, #tpu.memory_space<vmem>>, %arg12: memref<80x128xf32, #tpu.memory_space<vmem>>, %arg13: memref<10240x128xf32, #tpu.memory_space<vmem_shared>>, %arg14: memref<!tpu.dma_semaphore, #tpu.memory_space<semaphore_mem>>, %arg15: memref<!tpu.dma_semaphore, #tpu.memory_space<semaphore_mem>>, %arg16: memref<!tpu.dma_semaphore, #tpu.memory_space<semaphore_mem>>, %arg17: memref<!tpu.dma_semaphore, #tpu.memory_space<semaphore_mem>>) attributes {dimension_semantics = [#tpu.dimension_semantics<core_parallel>, #tpu.dimension_semantics<subcore_parallel>], iteration_bounds = array<i64: 2, 16>, scalar_prefetch = 0 : i64, scratch_operands = 11 : i64, tpu.core_type = #tpu.core_type<sc_vector_subcore>, window_params = [{transform_indices = #map}, {transform_indices = #map1}, {transform_indices = #map1}, {transform_indices = #map}, {transform_indices = #map}]} {
    %mul3A = arith.constant 16 : i32
    %mul3A_0 = arith.muli %arg0, %mul3A : i32
    %add3A = arith.addi %mul3A_0, %arg1 : i32
    %mul3A_1 = arith.constant 640 : i32
    %mul3A_2 = arith.muli %arg1, %mul3A_1 : i32
    %mul3A_3 = arith.constant 640 : i32
    %mul3A_4 = arith.muli %arg1, %mul3A_3 : i32
    "tpu.region"() ({
      %run_scoped3A = tpu.sem_alloc : memref<!tpu.dma_semaphore, #tpu.memory_space<semaphore_mem>>
      %dma_start3A_44 = arith.constant 0 : i32
      %dma_start3A_45 = tpu.memref_slice %arg13[%mul3A_4, %dma_start3A_44] : memref<10240x128xf32, #tpu.memory_space<vmem_shared>> -> memref<640x128xf32, #tpu.memory_space<vmem_shared>>
      %dma_start3A_46 = arith.constant 0 : i32
      %dma_start3A_47 = tpu.memref_slice %arg5[%mul3A_2, %dma_start3A_46] : memref<10240x128xf32, #tpu.memory_space<hbm>> -> memref<640x128xf32, #tpu.memory_space<hbm>>
      tpu.enqueue_dma source(%dma_start3A_47 : memref<640x128xf32, #tpu.memory_space<hbm>>) target(%dma_start3A_45 : memref<640x128xf32, #tpu.memory_space<vmem_shared>>) target_semaphore(%run_scoped3A : memref<!tpu.dma_semaphore, #tpu.memory_space<semaphore_mem>>)
      %dma_wait3A_48 = arith.constant 0 : i32
      %dma_wait3A_49 = tpu.memref_slice %arg13[%mul3A_4, %dma_wait3A_48] : memref<10240x128xf32, #tpu.memory_space<vmem_shared>> -> memref<640x128xf32, #tpu.memory_space<vmem_shared>>
      %dma_wait3A_50 = arith.constant 0 : i32
      %dma_wait3A_51 = tpu.memref_slice %arg5[%mul3A_2, %dma_wait3A_50] : memref<10240x128xf32, #tpu.memory_space<hbm>> -> memref<640x128xf32, #tpu.memory_space<hbm>>
      tpu.wait_dma2 semaphore(%run_scoped3A : memref<!tpu.dma_semaphore, #tpu.memory_space<semaphore_mem>>) src(%dma_wait3A_51 : memref<640x128xf32, #tpu.memory_space<hbm>>) dst(%dma_wait3A_49 : memref<640x128xf32, #tpu.memory_space<vmem_shared>>)
      tpu.yield
    }) : () -> ()
    %barrier3A = arith.constant 0 : index
    tpu.barrier barrier_id(%barrier3A)
    %mul3A_5 = arith.constant 10240 : i32
    %mul3A_6 = arith.muli %add3A, %mul3A_5 : i32
    %add3A_7 = arith.constant 0 : i32
    %add3A_8 = arith.addi %mul3A_6, %add3A_7 : i32
    %dma_start3A = tpu.memref_slice %arg3[%add3A_8] : memref<327680xi32, #tpu.memory_space<hbm>> -> memref<80xi32, #tpu.memory_space<hbm>>
    %dma_start3A_9 = tpu.memref_slice %arg3[%add3A_8] : memref<327680xi32, #tpu.memory_space<hbm>> -> memref<80xi32, #tpu.memory_space<hbm>>
    tpu.enqueue_dma source(%dma_start3A_9 : memref<80xi32, #tpu.memory_space<hbm>>) target(%arg7 : memref<80xi32, #tpu.memory_space<vmem>>) target_semaphore(%arg14 : memref<!tpu.dma_semaphore, #tpu.memory_space<semaphore_mem>>)
    %dma_start3A_10 = tpu.memref_slice %arg4[%add3A_8] : memref<327680xi32, #tpu.memory_space<hbm>> -> memref<80xi32, #tpu.memory_space<hbm>>
    %dma_start3A_11 = tpu.memref_slice %arg4[%add3A_8] : memref<327680xi32, #tpu.memory_space<hbm>> -> memref<80xi32, #tpu.memory_space<hbm>>
    tpu.enqueue_dma source(%dma_start3A_11 : memref<80xi32, #tpu.memory_space<hbm>>) target(%arg9 : memref<80xi32, #tpu.memory_space<vmem>>) target_semaphore(%arg14 : memref<!tpu.dma_semaphore, #tpu.memory_space<semaphore_mem>>)
    %mul3A_12 = arith.constant 10240 : i32
    %mul3A_13 = arith.muli %add3A, %mul3A_12 : i32
    %add3A_14 = arith.constant 80 : i32
    %add3A_15 = arith.addi %mul3A_13, %add3A_14 : i32
    %dma_start3A_16 = tpu.memref_slice %arg3[%add3A_15] : memref<327680xi32, #tpu.memory_space<hbm>> -> memref<80xi32, #tpu.memory_space<hbm>>
    %dma_start3A_17 = tpu.memref_slice %arg3[%add3A_15] : memref<327680xi32, #tpu.memory_space<hbm>> -> memref<80xi32, #tpu.memory_space<hbm>>
    tpu.enqueue_dma source(%dma_start3A_17 : memref<80xi32, #tpu.memory_space<hbm>>) target(%arg8 : memref<80xi32, #tpu.memory_space<vmem>>) target_semaphore(%arg15 : memref<!tpu.dma_semaphore, #tpu.memory_space<semaphore_mem>>)
    %dma_start3A_18 = tpu.memref_slice %arg4[%add3A_15] : memref<327680xi32, #tpu.memory_space<hbm>> -> memref<80xi32, #tpu.memory_space<hbm>>
    %dma_start3A_19 = tpu.memref_slice %arg4[%add3A_15] : memref<327680xi32, #tpu.memory_space<hbm>> -> memref<80xi32, #tpu.memory_space<hbm>>
    tpu.enqueue_dma source(%dma_start3A_19 : memref<80xi32, #tpu.memory_space<hbm>>) target(%arg10 : memref<80xi32, #tpu.memory_space<vmem>>) target_semaphore(%arg15 : memref<!tpu.dma_semaphore, #tpu.memory_space<semaphore_mem>>)
    %mul3A_20 = arith.constant 10240 : i32
    %mul3A_21 = arith.muli %add3A, %mul3A_20 : i32
    %add3A_22 = arith.constant 0 : i32
    %add3A_23 = arith.addi %mul3A_21, %add3A_22 : i32
    %dma_wait3A = tpu.memref_slice %arg3[%add3A_23] : memref<327680xi32, #tpu.memory_space<hbm>> -> memref<80xi32, #tpu.memory_space<hbm>>
    %dma_wait3A_24 = tpu.memref_slice %arg3[%add3A_23] : memref<327680xi32, #tpu.memory_space<hbm>> -> memref<80xi32, #tpu.memory_space<hbm>>
    tpu.wait_dma2 semaphore(%arg14 : memref<!tpu.dma_semaphore, #tpu.memory_space<semaphore_mem>>) src(%dma_wait3A_24 : memref<80xi32, #tpu.memory_space<hbm>>) dst(%arg7 : memref<80xi32, #tpu.memory_space<vmem>>)
    %dma_wait3A_25 = tpu.memref_slice %arg4[%add3A_23] : memref<327680xi32, #tpu.memory_space<hbm>> -> memref<80xi32, #tpu.memory_space<hbm>>
    %dma_wait3A_26 = tpu.memref_slice %arg4[%add3A_23] : memref<327680xi32, #tpu.memory_space<hbm>> -> memref<80xi32, #tpu.memory_space<hbm>>
    tpu.wait_dma2 semaphore(%arg14 : memref<!tpu.dma_semaphore, #tpu.memory_space<semaphore_mem>>) src(%dma_wait3A_26 : memref<80xi32, #tpu.memory_space<hbm>>) dst(%arg9 : memref<80xi32, #tpu.memory_space<vmem>>)
    %dma_start3A_27 = arith.constant 0 : i32
    %dma_start3A_28 = arith.constant 0 : i32
    %dma_start3A_29 = tpu.memref_slice %arg2[%dma_start3A_27, %dma_start3A_28] : memref<10000x128xf32, #tpu.memory_space<hbm>> -> memref<10000x128xf32, #tpu.memory_space<hbm>>
    tpu.enqueue_indirect_dma source(%dma_start3A_29 : memref<10000x128xf32, #tpu.memory_space<hbm>>) target(%arg11 : memref<80x128xf32, #tpu.memory_space<vmem>>) offsets(%arg7 : memref<80xi32, #tpu.memory_space<vmem>>) semaphore(%arg16 : memref<!tpu.dma_semaphore, #tpu.memory_space<semaphore_mem>>)
    %scan3A = arith.constant 0 : i32
    %scan3A_30 = arith.constant 0 : i32
    %scan3A_31 = arith.constant 64 : i32
    %scan3A_32 = arith.addi %scan3A_30, %scan3A_31 : i32
    %scan3A_33 = arith.constant 1 : i32
    %scan3A_34 = scf.for %scan3A_44 = %scan3A_30 to %scan3A_32 step %scan3A_33 iter_args(%scan3A_45 = %scan3A) -> (i32)  : i32 {
      %mul3A_46 = arith.constant 2 : i32
      %mul3A_47 = arith.muli %mul3A_46, %scan3A_44 : i32
      %add3A_48 = arith.constant 1 : i32
      %add3A_49 = arith.addi %mul3A_47, %add3A_48 : i32
      %dma_wait3A_50 = arith.constant 0 : i32
      %dma_wait3A_51 = arith.constant 0 : i32
      %dma_wait3A_52 = tpu.memref_slice %arg2[%dma_wait3A_50, %dma_wait3A_51] : memref<10000x128xf32, #tpu.memory_space<hbm>> -> memref<10000x128xf32, #tpu.memory_space<hbm>>
      tpu.wait_indirect_dma semaphore(%arg16 : memref<!tpu.dma_semaphore, #tpu.memory_space<semaphore_mem>>) src(%dma_wait3A_52 : memref<10000x128xf32, #tpu.memory_space<hbm>>) dst(%arg11 : memref<80x128xf32, #tpu.memory_space<vmem>>)
      %mul3A_53 = arith.constant 10240 : i32
      %mul3A_54 = arith.muli %add3A, %mul3A_53 : i32
      %mul3A_55 = arith.constant 80 : i32
      %mul3A_56 = arith.muli %add3A_49, %mul3A_55 : i32
      %add3A_57 = arith.addi %mul3A_54, %mul3A_56 : i32
      %dma_wait3A_58 = tpu.memref_slice %arg3[%add3A_57] : memref<327680xi32, #tpu.memory_space<hbm>> -> memref<80xi32, #tpu.memory_space<hbm>>
      %dma_wait3A_59 = tpu.memref_slice %arg3[%add3A_57] : memref<327680xi32, #tpu.memory_space<hbm>> -> memref<80xi32, #tpu.memory_space<hbm>>
      tpu.wait_dma2 semaphore(%arg15 : memref<!tpu.dma_semaphore, #tpu.memory_space<semaphore_mem>>) src(%dma_wait3A_59 : memref<80xi32, #tpu.memory_space<hbm>>) dst(%arg8 : memref<80xi32, #tpu.memory_space<vmem>>)
      %dma_wait3A_60 = tpu.memref_slice %arg4[%add3A_57] : memref<327680xi32, #tpu.memory_space<hbm>> -> memref<80xi32, #tpu.memory_space<hbm>>
      %dma_wait3A_61 = tpu.memref_slice %arg4[%add3A_57] : memref<327680xi32, #tpu.memory_space<hbm>> -> memref<80xi32, #tpu.memory_space<hbm>>
      tpu.wait_dma2 semaphore(%arg15 : memref<!tpu.dma_semaphore, #tpu.memory_space<semaphore_mem>>) src(%dma_wait3A_61 : memref<80xi32, #tpu.memory_space<hbm>>) dst(%arg10 : memref<80xi32, #tpu.memory_space<vmem>>)
      %dma_start3A_62 = arith.constant 0 : i32
      %dma_start3A_63 = arith.constant 0 : i32
      %dma_start3A_64 = tpu.memref_slice %arg2[%dma_start3A_62, %dma_start3A_63] : memref<10000x128xf32, #tpu.memory_space<hbm>> -> memref<10000x128xf32, #tpu.memory_space<hbm>>
      tpu.enqueue_indirect_dma source(%dma_start3A_64 : memref<10000x128xf32, #tpu.memory_space<hbm>>) target(%arg12 : memref<80x128xf32, #tpu.memory_space<vmem>>) offsets(%arg8 : memref<80xi32, #tpu.memory_space<vmem>>) semaphore(%arg17 : memref<!tpu.dma_semaphore, #tpu.memory_space<semaphore_mem>>)
      "tpu.region"() ({
        %run_scoped3A = tpu.sem_alloc : memref<!tpu.dma_semaphore, #tpu.memory_space<semaphore_mem>>
        %dma_start3A_81 = arith.constant 0 : i32
        %dma_start3A_82 = arith.constant 0 : i32
        %dma_start3A_83 = tpu.memref_slice %arg13[%dma_start3A_81, %dma_start3A_82] : memref<10240x128xf32, #tpu.memory_space<vmem_shared>> -> memref<10240x128xf32, #tpu.memory_space<vmem_shared>>
        tpu.enqueue_indirect_dma source(%arg11 : memref<80x128xf32, #tpu.memory_space<vmem>>) target(%dma_start3A_83 : memref<10240x128xf32, #tpu.memory_space<vmem_shared>>) offsets(%arg9 : memref<80xi32, #tpu.memory_space<vmem>>) semaphore(%run_scoped3A : memref<!tpu.dma_semaphore, #tpu.memory_space<semaphore_mem>>) {add = true}
        %dma_wait3A_84 = arith.constant 0 : i32
        %dma_wait3A_85 = arith.constant 0 : i32
        %dma_wait3A_86 = tpu.memref_slice %arg13[%dma_wait3A_84, %dma_wait3A_85] : memref<10240x128xf32, #tpu.memory_space<vmem_shared>> -> memref<10240x128xf32, #tpu.memory_space<vmem_shared>>
        tpu.wait_indirect_dma semaphore(%run_scoped3A : memref<!tpu.dma_semaphore, #tpu.memory_space<semaphore_mem>>) src(%arg11 : memref<80x128xf32, #tpu.memory_space<vmem>>) dst(%dma_wait3A_86 : memref<10240x128xf32, #tpu.memory_space<vmem_shared>>)
        tpu.yield
      }) : () -> ()
      %lt3A = arith.constant 63 : i32
      %lt3A_65 = arith.cmpi slt, %scan3A_44, %lt3A : i32
      %convert_element_type3A = arith.extui %lt3A_65 : i1 to i32
      %cond3A = arith.constant 0 : i32
      %cond3A_66 = arith.cmpi ne, %convert_element_type3A, %cond3A : i32
      scf.if %cond3A_66 {
        %add3A_81 = arith.constant 2 : i32
        %add3A_82 = arith.addi %mul3A_47, %add3A_81 : i32
        %mul3A_83 = arith.constant 10240 : i32
        %mul3A_84 = arith.muli %add3A, %mul3A_83 : i32
        %mul3A_85 = arith.constant 80 : i32
        %mul3A_86 = arith.muli %add3A_82, %mul3A_85 : i32
        %add3A_87 = arith.addi %mul3A_84, %mul3A_86 : i32
        %dma_start3A_88 = tpu.memref_slice %arg3[%add3A_87] : memref<327680xi32, #tpu.memory_space<hbm>> -> memref<80xi32, #tpu.memory_space<hbm>>
        %dma_start3A_89 = tpu.memref_slice %arg3[%add3A_87] : memref<327680xi32, #tpu.memory_space<hbm>> -> memref<80xi32, #tpu.memory_space<hbm>>
        tpu.enqueue_dma source(%dma_start3A_89 : memref<80xi32, #tpu.memory_space<hbm>>) target(%arg7 : memref<80xi32, #tpu.memory_space<vmem>>) target_semaphore(%arg14 : memref<!tpu.dma_semaphore, #tpu.memory_space<semaphore_mem>>)
        %dma_start3A_90 = tpu.memref_slice %arg4[%add3A_87] : memref<327680xi32, #tpu.memory_space<hbm>> -> memref<80xi32, #tpu.memory_space<hbm>>
        %dma_start3A_91 = tpu.memref_slice %arg4[%add3A_87] : memref<327680xi32, #tpu.memory_space<hbm>> -> memref<80xi32, #tpu.memory_space<hbm>>
        tpu.enqueue_dma source(%dma_start3A_91 : memref<80xi32, #tpu.memory_space<hbm>>) target(%arg9 : memref<80xi32, #tpu.memory_space<vmem>>) target_semaphore(%arg14 : memref<!tpu.dma_semaphore, #tpu.memory_space<semaphore_mem>>)
      } else {
      }
      %dma_wait3A_67 = arith.constant 0 : i32
      %dma_wait3A_68 = arith.constant 0 : i32
      %dma_wait3A_69 = tpu.memref_slice %arg2[%dma_wait3A_67, %dma_wait3A_68] : memref<10000x128xf32, #tpu.memory_space<hbm>> -> memref<10000x128xf32, #tpu.memory_space<hbm>>
      tpu.wait_indirect_dma semaphore(%arg17 : memref<!tpu.dma_semaphore, #tpu.memory_space<semaphore_mem>>) src(%dma_wait3A_69 : memref<10000x128xf32, #tpu.memory_space<hbm>>) dst(%arg12 : memref<80x128xf32, #tpu.memory_space<vmem>>)
      %lt3A_70 = arith.constant 63 : i32
      %lt3A_71 = arith.cmpi slt, %scan3A_44, %lt3A_70 : i32
      %convert_element_type3A_72 = arith.extui %lt3A_71 : i1 to i32
      %cond3A_73 = arith.constant 0 : i32
      %cond3A_74 = arith.cmpi ne, %convert_element_type3A_72, %cond3A_73 : i32
      scf.if %cond3A_74 {
        %add3A_81 = arith.constant 2 : i32
        %add3A_82 = arith.addi %mul3A_47, %add3A_81 : i32
        %mul3A_83 = arith.constant 10240 : i32
        %mul3A_84 = arith.muli %add3A, %mul3A_83 : i32
        %mul3A_85 = arith.constant 80 : i32
        %mul3A_86 = arith.muli %add3A_82, %mul3A_85 : i32
        %add3A_87 = arith.addi %mul3A_84, %mul3A_86 : i32
        %dma_wait3A_88 = tpu.memref_slice %arg3[%add3A_87] : memref<327680xi32, #tpu.memory_space<hbm>> -> memref<80xi32, #tpu.memory_space<hbm>>
        %dma_wait3A_89 = tpu.memref_slice %arg3[%add3A_87] : memref<327680xi32, #tpu.memory_space<hbm>> -> memref<80xi32, #tpu.memory_space<hbm>>
        tpu.wait_dma2 semaphore(%arg14 : memref<!tpu.dma_semaphore, #tpu.memory_space<semaphore_mem>>) src(%dma_wait3A_89 : memref<80xi32, #tpu.memory_space<hbm>>) dst(%arg7 : memref<80xi32, #tpu.memory_space<vmem>>)
        %dma_wait3A_90 = tpu.memref_slice %arg4[%add3A_87] : memref<327680xi32, #tpu.memory_space<hbm>> -> memref<80xi32, #tpu.memory_space<hbm>>
        %dma_wait3A_91 = tpu.memref_slice %arg4[%add3A_87] : memref<327680xi32, #tpu.memory_space<hbm>> -> memref<80xi32, #tpu.memory_space<hbm>>
        tpu.wait_dma2 semaphore(%arg14 : memref<!tpu.dma_semaphore, #tpu.memory_space<semaphore_mem>>) src(%dma_wait3A_91 : memref<80xi32, #tpu.memory_space<hbm>>) dst(%arg9 : memref<80xi32, #tpu.memory_space<vmem>>)
        %dma_start3A_92 = arith.constant 0 : i32
        %dma_start3A_93 = arith.constant 0 : i32
        %dma_start3A_94 = tpu.memref_slice %arg2[%dma_start3A_92, %dma_start3A_93] : memref<10000x128xf32, #tpu.memory_space<hbm>> -> memref<10000x128xf32, #tpu.memory_space<hbm>>
        tpu.enqueue_indirect_dma source(%dma_start3A_94 : memref<10000x128xf32, #tpu.memory_space<hbm>>) target(%arg11 : memref<80x128xf32, #tpu.memory_space<vmem>>) offsets(%arg7 : memref<80xi32, #tpu.memory_space<vmem>>) semaphore(%arg16 : memref<!tpu.dma_semaphore, #tpu.memory_space<semaphore_mem>>)
      } else {
      }
      "tpu.region"() ({
        %run_scoped3A = tpu.sem_alloc : memref<!tpu.dma_semaphore, #tpu.memory_space<semaphore_mem>>
        %dma_start3A_81 = arith.constant 0 : i32
        %dma_start3A_82 = arith.constant 0 : i32
        %dma_start3A_83 = tpu.memref_slice %arg13[%dma_start3A_81, %dma_start3A_82] : memref<10240x128xf32, #tpu.memory_space<vmem_shared>> -> memref<10240x128xf32, #tpu.memory_space<vmem_shared>>
        tpu.enqueue_indirect_dma source(%arg12 : memref<80x128xf32, #tpu.memory_space<vmem>>) target(%dma_start3A_83 : memref<10240x128xf32, #tpu.memory_space<vmem_shared>>) offsets(%arg10 : memref<80xi32, #tpu.memory_space<vmem>>) semaphore(%run_scoped3A : memref<!tpu.dma_semaphore, #tpu.memory_space<semaphore_mem>>) {add = true}
        %dma_wait3A_84 = arith.constant 0 : i32
        %dma_wait3A_85 = arith.constant 0 : i32
        %dma_wait3A_86 = tpu.memref_slice %arg13[%dma_wait3A_84, %dma_wait3A_85] : memref<10240x128xf32, #tpu.memory_space<vmem_shared>> -> memref<10240x128xf32, #tpu.memory_space<vmem_shared>>
        tpu.wait_indirect_dma semaphore(%run_scoped3A : memref<!tpu.dma_semaphore, #tpu.memory_space<semaphore_mem>>) src(%arg12 : memref<80x128xf32, #tpu.memory_space<vmem>>) dst(%dma_wait3A_86 : memref<10240x128xf32, #tpu.memory_space<vmem_shared>>)
        tpu.yield
      }) : () -> ()
      %lt3A_75 = arith.constant 63 : i32
      %lt3A_76 = arith.cmpi slt, %scan3A_44, %lt3A_75 : i32
      %convert_element_type3A_77 = arith.extui %lt3A_76 : i1 to i32
      %cond3A_78 = arith.constant 0 : i32
      %cond3A_79 = arith.cmpi ne, %convert_element_type3A_77, %cond3A_78 : i32
      scf.if %cond3A_79 {
        %add3A_81 = arith.constant 2 : i32
        %add3A_82 = arith.addi %add3A_49, %add3A_81 : i32
        %mul3A_83 = arith.constant 10240 : i32
        %mul3A_84 = arith.muli %add3A, %mul3A_83 : i32
        %mul3A_85 = arith.constant 80 : i32
        %mul3A_86 = arith.muli %add3A_82, %mul3A_85 : i32
        %add3A_87 = arith.addi %mul3A_84, %mul3A_86 : i32
        %dma_start3A_88 = tpu.memref_slice %arg3[%add3A_87] : memref<327680xi32, #tpu.memory_space<hbm>> -> memref<80xi32, #tpu.memory_space<hbm>>
        %dma_start3A_89 = tpu.memref_slice %arg3[%add3A_87] : memref<327680xi32, #tpu.memory_space<hbm>> -> memref<80xi32, #tpu.memory_space<hbm>>
        tpu.enqueue_dma source(%dma_start3A_89 : memref<80xi32, #tpu.memory_space<hbm>>) target(%arg8 : memref<80xi32, #tpu.memory_space<vmem>>) target_semaphore(%arg15 : memref<!tpu.dma_semaphore, #tpu.memory_space<semaphore_mem>>)
        %dma_start3A_90 = tpu.memref_slice %arg4[%add3A_87] : memref<327680xi32, #tpu.memory_space<hbm>> -> memref<80xi32, #tpu.memory_space<hbm>>
        %dma_start3A_91 = tpu.memref_slice %arg4[%add3A_87] : memref<327680xi32, #tpu.memory_space<hbm>> -> memref<80xi32, #tpu.memory_space<hbm>>
        tpu.enqueue_dma source(%dma_start3A_91 : memref<80xi32, #tpu.memory_space<hbm>>) target(%arg10 : memref<80xi32, #tpu.memory_space<vmem>>) target_semaphore(%arg15 : memref<!tpu.dma_semaphore, #tpu.memory_space<semaphore_mem>>)
      } else {
      }
      %scan3A_80 = arith.constant 0 : i32
      scf.yield %scan3A_80 : i32
    }
    %scan3A_35 = arith.constant 64 : i32
    %barrier3A_36 = arith.constant 0 : index
    tpu.barrier barrier_id(%barrier3A_36)
    %mul3A_37 = arith.constant 640 : i32
    %mul3A_38 = arith.muli %arg1, %mul3A_37 : i32
    %mul3A_39 = arith.constant 10240 : i32
    %mul3A_40 = arith.muli %arg0, %mul3A_39 : i32
    %mul3A_41 = arith.constant 640 : i32
    %mul3A_42 = arith.muli %arg1, %mul3A_41 : i32
    %add3A_43 = arith.addi %mul3A_40, %mul3A_42 : i32
    "tpu.region"() ({
      %run_scoped3A = tpu.sem_alloc : memref<!tpu.dma_semaphore, #tpu.memory_space<semaphore_mem>>
      %dma_start3A_44 = arith.constant 0 : i32
      %dma_start3A_45 = tpu.memref_slice %arg6[%add3A_43, %dma_start3A_44] : memref<20480x128xf32, #tpu.memory_space<hbm>> -> memref<640x128xf32, #tpu.memory_space<hbm>>
      %dma_start3A_46 = arith.constant 0 : i32
      %dma_start3A_47 = tpu.memref_slice %arg13[%mul3A_38, %dma_start3A_46] : memref<10240x128xf32, #tpu.memory_space<vmem_shared>> -> memref<640x128xf32, #tpu.memory_space<vmem_shared>>
      tpu.enqueue_dma source(%dma_start3A_47 : memref<640x128xf32, #tpu.memory_space<vmem_shared>>) target(%dma_start3A_45 : memref<640x128xf32, #tpu.memory_space<hbm>>) target_semaphore(%run_scoped3A : memref<!tpu.dma_semaphore, #tpu.memory_space<semaphore_mem>>)
      %dma_wait3A_48 = arith.constant 0 : i32
      %dma_wait3A_49 = tpu.memref_slice %arg6[%add3A_43, %dma_wait3A_48] : memref<20480x128xf32, #tpu.memory_space<hbm>> -> memref<640x128xf32, #tpu.memory_space<hbm>>
      %dma_wait3A_50 = arith.constant 0 : i32
      %dma_wait3A_51 = tpu.memref_slice %arg13[%mul3A_38, %dma_wait3A_50] : memref<10240x128xf32, #tpu.memory_space<vmem_shared>> -> memref<640x128xf32, #tpu.memory_space<vmem_shared>>
      tpu.wait_dma2 semaphore(%run_scoped3A : memref<!tpu.dma_semaphore, #tpu.memory_space<semaphore_mem>>) src(%dma_wait3A_51 : memref<640x128xf32, #tpu.memory_space<vmem_shared>>) dst(%dma_wait3A_49 : memref<640x128xf32, #tpu.memory_space<hbm>>)
      tpu.yield
    }) : () -> ()
    return
  }
}

module attributes {stable_mosaic.version = 14 : i64} {
  func.func @_tc1_body(%arg0: memref<10000x2xf32, #tpu.memory_space<vmem>>, %arg1: memref<10000x128xf32, #tpu.memory_space<vmem>>, %arg2: memref<10000x128xf32, #tpu.memory_space<vmem>>) attributes {dimension_semantics = [], scalar_prefetch = 0 : i64, scratch_operands = 0 : i64, tpu.core_type = #tpu.core_type<tc>} {
    %get3A = arith.constant 0 : index
    %get3A_0 = arith.constant 0 : index
    %get3A_1 = vector.load %arg0[%get3A, %get3A_0] : memref<10000x2xf32, #tpu.memory_space<vmem>>, vector<10000x2xf32>
    %reduce_sum3A = arith.constant dense<0.000000e+00> : vector<10000xf32>
    %reduce_sum3A_2 = vector.multi_reduction <add>, %get3A_1, %reduce_sum3A [1] : vector<10000x2xf32> to vector<10000xf32>
    %broadcast_in_dim3A = vector.shape_cast %reduce_sum3A_2 : vector<10000xf32> to vector<10000x1xf32>
    %add3A = arith.constant 1.000000e+00 : f32
    %add3A_3 = vector.broadcast %add3A : f32 to vector<10000x1xf32>
    %add3A_4 = arith.addf %broadcast_in_dim3A, %add3A_3 : vector<10000x1xf32>
    %max3A = arith.constant 1.000000e+00 : f32
    %max3A_5 = vector.broadcast %max3A : f32 to vector<10000x1xf32>
    %max3A_6 = arith.maximumf %add3A_4, %max3A_5 : vector<10000x1xf32>
    %rsqrt3A = math.rsqrt %max3A_6 : vector<10000x1xf32>
    %get3A_7 = arith.constant 0 : index
    %get3A_8 = arith.constant 0 : index
    %get3A_9 = vector.load %arg1[%get3A_7, %get3A_8] : memref<10000x128xf32, #tpu.memory_space<vmem>>, vector<10000x128xf32>
    %mul3A = vector.broadcast %rsqrt3A : vector<10000x1xf32> to vector<10000x128xf32>
    %mul3A_10 = arith.mulf %get3A_9, %mul3A : vector<10000x128xf32>
    %swap3A = arith.constant 0 : index
    %swap3A_11 = arith.constant 0 : index
    %swap3A_12 = vector.load %arg2[%swap3A, %swap3A_11] : memref<10000x128xf32, #tpu.memory_space<vmem>>, vector<10000x128xf32>
    tpu.vector_store %arg2[%swap3A, %swap3A_11], %mul3A_10 {strides = array<i32>} : memref<10000x128xf32, #tpu.memory_space<vmem>>, vector<10000x128xf32>,
    return
  }
}

module attributes {stable_mosaic.version = 14 : i64} {
  func.func @_tc2_body(%arg0: memref<20480x128xf32, #tpu.memory_space<vmem>>, %arg1: memref<10000x128xf32, #tpu.memory_space<vmem>>, %arg2: memref<10000x2xf32, #tpu.memory_space<vmem>>, %arg3: memref<128x128xf32, #tpu.memory_space<vmem>>, %arg4: memref<1x128xf32, #tpu.memory_space<vmem>>, %arg5: memref<1x128xf32, #tpu.memory_space<vmem>>, %arg6: memref<1x128xf32, #tpu.memory_space<vmem>>, %arg7: memref<10000x128xf32, #tpu.memory_space<vmem>>) attributes {dimension_semantics = [], scalar_prefetch = 0 : i64, scratch_operands = 0 : i64, tpu.core_type = #tpu.core_type<tc>} {
    %get3A = arith.constant 0 : index
    %get3A_0 = arith.constant 0 : index
    %get3A_1 = vector.load %arg2[%get3A, %get3A_0] : memref<10000x2xf32, #tpu.memory_space<vmem>>, vector<10000x2xf32>
    %reduce_sum3A = arith.constant dense<0.000000e+00> : vector<10000xf32>
    %reduce_sum3A_2 = vector.multi_reduction <add>, %get3A_1, %reduce_sum3A [1] : vector<10000x2xf32> to vector<10000xf32>
    %broadcast_in_dim3A = vector.shape_cast %reduce_sum3A_2 : vector<10000xf32> to vector<10000x1xf32>
    %add3A = arith.constant 1.000000e+00 : f32
    %add3A_3 = vector.broadcast %add3A : f32 to vector<10000x1xf32>
    %add3A_4 = arith.addf %broadcast_in_dim3A, %add3A_3 : vector<10000x1xf32>
    %max3A = arith.constant 1.000000e+00 : f32
    %max3A_5 = vector.broadcast %max3A : f32 to vector<10000x1xf32>
    %max3A_6 = arith.maximumf %add3A_4, %max3A_5 : vector<10000x1xf32>
    %rsqrt3A = math.rsqrt %max3A_6 : vector<10000x1xf32>
    %get3A_7 = arith.constant 0 : index
    %get3A_8 = arith.constant 0 : index
    %get3A_9 = vector.load %arg0[%get3A_7, %get3A_8] : memref<20480x128xf32, #tpu.memory_space<vmem>>, vector<10000x128xf32>
    %get3A_10 = arith.constant 10240 : index
    %get3A_11 = arith.constant 0 : index
    %get3A_12 = vector.load %arg0[%get3A_10, %get3A_11] : memref<20480x128xf32, #tpu.memory_space<vmem>>, vector<10000x128xf32>
    %add3A_13 = arith.addf %get3A_9, %get3A_12 : vector<10000x128xf32>
    %get3A_14 = arith.constant 0 : index
    %get3A_15 = arith.constant 0 : index
    %get3A_16 = vector.load %arg1[%get3A_14, %get3A_15] : memref<10000x128xf32, #tpu.memory_space<vmem>>, vector<10000x128xf32>
    %add3A_17 = arith.addf %add3A_13, %get3A_16 : vector<10000x128xf32>
    %mul3A = vector.broadcast %rsqrt3A : vector<10000x1xf32> to vector<10000x128xf32>
    %mul3A_18 = arith.mulf %add3A_17, %mul3A : vector<10000x128xf32>
    %get3A_19 = arith.constant 0 : index
    %get3A_20 = arith.constant 0 : index
    %get3A_21 = vector.load %arg3[%get3A_19, %get3A_20] : memref<128x128xf32, #tpu.memory_space<vmem>>, vector<128x128xf32>
    %dot_general3A = arith.constant dense<0.000000e+00> : vector<10000x128xf32>
    %dot_general3A_22 = tpu.matmul %mul3A_18, %get3A_21, %dot_general3A {dimension_numbers = #tpu.dot_dimension_numbers<[1], [0], [0], [1], [0, 0, 1, 1], [], []>, transpose_lhs_hint = false} : vector<10000x128xf32>, vector<128x128xf32>, vector<10000x128xf32> -> vector<10000x128xf32>
    %get3A_23 = arith.constant 0 : index
    %get3A_24 = arith.constant 0 : index
    %get3A_25 = vector.load %arg4[%get3A_23, %get3A_24] : memref<1x128xf32, #tpu.memory_space<vmem>>, vector<1x128xf32>
    %add3A_26 = vector.broadcast %get3A_25 : vector<1x128xf32> to vector<10000x128xf32>
    %add3A_27 = arith.addf %dot_general3A_22, %add3A_26 : vector<10000x128xf32>
    %max3A_28 = arith.constant 0.000000e+00 : f32
    %max3A_29 = vector.broadcast %max3A_28 : f32 to vector<10000x128xf32>
    %max3A_30 = arith.maximumf %add3A_27, %max3A_29 : vector<10000x128xf32>
    %reduce_sum3A_31 = arith.constant dense<0.000000e+00> : vector<128xf32>
    %reduce_sum3A_32 = vector.multi_reduction <add>, %max3A_30, %reduce_sum3A_31 [0] : vector<10000x128xf32> to vector<128xf32>
    %broadcast_in_dim3A_33 = vector.shape_cast %reduce_sum3A_32 : vector<128xf32> to vector<1x128xf32>
    %div3A = arith.constant 1.000000e+04 : f32
    %div3A_34 = vector.broadcast %div3A : f32 to vector<1x128xf32>
    %div3A_35 = arith.divf %broadcast_in_dim3A_33, %div3A_34 : vector<1x128xf32>
    %sub3A = vector.broadcast %div3A_35 : vector<1x128xf32> to vector<10000x128xf32>
    %sub3A_36 = arith.subf %max3A_30, %sub3A : vector<10000x128xf32>
    %integer_pow3A = arith.mulf %sub3A_36, %sub3A_36 : vector<10000x128xf32>
    %reduce_sum3A_37 = arith.constant dense<0.000000e+00> : vector<128xf32>
    %reduce_sum3A_38 = vector.multi_reduction <add>, %integer_pow3A, %reduce_sum3A_37 [0] : vector<10000x128xf32> to vector<128xf32>
    %broadcast_in_dim3A_39 = vector.shape_cast %reduce_sum3A_38 : vector<128xf32> to vector<1x128xf32>
    %div3A_40 = arith.constant 1.000000e+04 : f32
    %div3A_41 = vector.broadcast %div3A_40 : f32 to vector<1x128xf32>
    %div3A_42 = arith.divf %broadcast_in_dim3A_39, %div3A_41 : vector<1x128xf32>
    %sub3A_43 = vector.broadcast %div3A_35 : vector<1x128xf32> to vector<10000x128xf32>
    %sub3A_44 = arith.subf %max3A_30, %sub3A_43 : vector<10000x128xf32>
    %add3A_45 = arith.constant 9.99999974E-6 : f32
    %add3A_46 = vector.broadcast %add3A_45 : f32 to vector<1x128xf32>
    %add3A_47 = arith.addf %div3A_42, %add3A_46 : vector<1x128xf32>
    %rsqrt3A_48 = math.rsqrt %add3A_47 : vector<1x128xf32>
    %mul3A_49 = vector.broadcast %rsqrt3A_48 : vector<1x128xf32> to vector<10000x128xf32>
    %mul3A_50 = arith.mulf %sub3A_44, %mul3A_49 : vector<10000x128xf32>
    %get3A_51 = arith.constant 0 : index
    %get3A_52 = arith.constant 0 : index
    %get3A_53 = vector.load %arg5[%get3A_51, %get3A_52] : memref<1x128xf32, #tpu.memory_space<vmem>>, vector<1x128xf32>
    %mul3A_54 = vector.broadcast %get3A_53 : vector<1x128xf32> to vector<10000x128xf32>
    %mul3A_55 = arith.mulf %mul3A_50, %mul3A_54 : vector<10000x128xf32>
    %get3A_56 = arith.constant 0 : index
    %get3A_57 = arith.constant 0 : index
    %get3A_58 = vector.load %arg6[%get3A_56, %get3A_57] : memref<1x128xf32, #tpu.memory_space<vmem>>, vector<1x128xf32>
    %add3A_59 = vector.broadcast %get3A_58 : vector<1x128xf32> to vector<10000x128xf32>
    %add3A_60 = arith.addf %mul3A_55, %add3A_59 : vector<10000x128xf32>
    %mul3A_61 = vector.broadcast %rsqrt3A : vector<10000x1xf32> to vector<10000x128xf32>
    %mul3A_62 = arith.mulf %add3A_60, %mul3A_61 : vector<10000x128xf32>
    %swap3A = arith.constant 0 : index
    %swap3A_63 = arith.constant 0 : index
    %swap3A_64 = vector.load %arg7[%swap3A, %swap3A_63] : memref<10000x128xf32, #tpu.memory_space<vmem>>, vector<10000x128xf32>
    tpu.vector_store %arg7[%swap3A, %swap3A_63], %mul3A_62 {strides = array<i32>} : memref<10000x128xf32, #tpu.memory_space<vmem>>, vector<10000x128xf32>,
    return
  }
}

module attributes {stable_mosaic.version = 14 : i64} {
  func.func @_tc3_body(%arg0: memref<10000xi32, #tpu.memory_space<smem>>, %arg1: memref<20480x128xf32, #tpu.memory_space<vmem>>, %arg2: memref<10000x128xf32, #tpu.memory_space<vmem>>, %arg3: memref<10000x2xf32, #tpu.memory_space<vmem>>, %arg4: memref<128x256xf32, #tpu.memory_space<vmem>>, %arg5: memref<1x256xf32, #tpu.memory_space<vmem>>, %arg6: memref<1x256xf32, #tpu.memory_space<vmem>>, %arg7: memref<1x256xf32, #tpu.memory_space<vmem>>, %arg8: memref<128x954xf32, #tpu.memory_space<vmem>>, %arg9: memref<954x128xf32, #tpu.memory_space<vmem>>, %arg10: memref<1x128xf32, #tpu.memory_space<vmem>>, %arg11: memref<1x128xf32, #tpu.memory_space<vmem>>, %arg12: memref<1x128xf32, #tpu.memory_space<vmem>>, %arg13: memref<128x256xf32, #tpu.memory_space<vmem>>, %arg14: memref<1x256xf32, #tpu.memory_space<vmem>>, %arg15: memref<128x256xf32, #tpu.memory_space<vmem>>, %arg16: memref<128x256xf32, #tpu.memory_space<vmem>>, %arg17: memref<10128x256xf32, #tpu.memory_space<vmem>>) attributes {dimension_semantics = [], scalar_prefetch = 0 : i64, scratch_operands = 1 : i64, tpu.core_type = #tpu.core_type<tc>} {
    %get3A = arith.constant 0 : index
    %get3A_0 = arith.constant 0 : index
    %get3A_1 = vector.load %arg3[%get3A, %get3A_0] : memref<10000x2xf32, #tpu.memory_space<vmem>>, vector<10000x2xf32>
    %reduce_sum3A = arith.constant dense<0.000000e+00> : vector<10000xf32>
    %reduce_sum3A_2 = vector.multi_reduction <add>, %get3A_1, %reduce_sum3A [1] : vector<10000x2xf32> to vector<10000xf32>
    %broadcast_in_dim3A = vector.shape_cast %reduce_sum3A_2 : vector<10000xf32> to vector<10000x1xf32>
    %add3A = arith.constant 1.000000e+00 : f32
    %add3A_3 = vector.broadcast %add3A : f32 to vector<10000x1xf32>
    %add3A_4 = arith.addf %broadcast_in_dim3A, %add3A_3 : vector<10000x1xf32>
    %max3A = arith.constant 1.000000e+00 : f32
    %max3A_5 = vector.broadcast %max3A : f32 to vector<10000x1xf32>
    %max3A_6 = arith.maximumf %add3A_4, %max3A_5 : vector<10000x1xf32>
    %rsqrt3A = math.rsqrt %max3A_6 : vector<10000x1xf32>
    %get3A_7 = arith.constant 0 : index
    %get3A_8 = arith.constant 0 : index
    %get3A_9 = vector.load %arg1[%get3A_7, %get3A_8] : memref<20480x128xf32, #tpu.memory_space<vmem>>, vector<10000x128xf32>
    %get3A_10 = arith.constant 10240 : index
    %get3A_11 = arith.constant 0 : index
    %get3A_12 = vector.load %arg1[%get3A_10, %get3A_11] : memref<20480x128xf32, #tpu.memory_space<vmem>>, vector<10000x128xf32>
    %add3A_13 = arith.addf %get3A_9, %get3A_12 : vector<10000x128xf32>
    %get3A_14 = arith.constant 0 : index
    %get3A_15 = arith.constant 0 : index
    %get3A_16 = vector.load %arg2[%get3A_14, %get3A_15] : memref<10000x128xf32, #tpu.memory_space<vmem>>, vector<10000x128xf32>
    %add3A_17 = arith.addf %add3A_13, %get3A_16 : vector<10000x128xf32>
    %mul3A = vector.broadcast %rsqrt3A : vector<10000x1xf32> to vector<10000x128xf32>
    %mul3A_18 = arith.mulf %add3A_17, %mul3A : vector<10000x128xf32>
    %get3A_19 = arith.constant 0 : index
    %get3A_20 = arith.constant 0 : index
    %get3A_21 = vector.load %arg4[%get3A_19, %get3A_20] : memref<128x256xf32, #tpu.memory_space<vmem>>, vector<128x256xf32>
    %dot_general3A = arith.constant dense<0.000000e+00> : vector<10000x256xf32>
    %dot_general3A_22 = tpu.matmul %mul3A_18, %get3A_21, %dot_general3A {dimension_numbers = #tpu.dot_dimension_numbers<[1], [0], [0], [1], [0, 0, 1, 1], [], []>, transpose_lhs_hint = false} : vector<10000x128xf32>, vector<128x256xf32>, vector<10000x256xf32> -> vector<10000x256xf32>
    %get3A_23 = arith.constant 0 : index
    %get3A_24 = arith.constant 0 : index
    %get3A_25 = vector.load %arg5[%get3A_23, %get3A_24] : memref<1x256xf32, #tpu.memory_space<vmem>>, vector<1x256xf32>
    %add3A_26 = vector.broadcast %get3A_25 : vector<1x256xf32> to vector<10000x256xf32>
    %add3A_27 = arith.addf %dot_general3A_22, %add3A_26 : vector<10000x256xf32>
    %max3A_28 = arith.constant 0.000000e+00 : f32
    %max3A_29 = vector.broadcast %max3A_28 : f32 to vector<10000x256xf32>
    %max3A_30 = arith.maximumf %add3A_27, %max3A_29 : vector<10000x256xf32>
    %reduce_sum3A_31 = arith.constant dense<0.000000e+00> : vector<256xf32>
    %reduce_sum3A_32 = vector.multi_reduction <add>, %max3A_30, %reduce_sum3A_31 [0] : vector<10000x256xf32> to vector<256xf32>
    %broadcast_in_dim3A_33 = vector.shape_cast %reduce_sum3A_32 : vector<256xf32> to vector<1x256xf32>
    %div3A = arith.constant 1.000000e+04 : f32
    %div3A_34 = vector.broadcast %div3A : f32 to vector<1x256xf32>
    %div3A_35 = arith.divf %broadcast_in_dim3A_33, %div3A_34 : vector<1x256xf32>
    %sub3A = vector.broadcast %div3A_35 : vector<1x256xf32> to vector<10000x256xf32>
    %sub3A_36 = arith.subf %max3A_30, %sub3A : vector<10000x256xf32>
    %integer_pow3A = arith.mulf %sub3A_36, %sub3A_36 : vector<10000x256xf32>
    %reduce_sum3A_37 = arith.constant dense<0.000000e+00> : vector<256xf32>
    %reduce_sum3A_38 = vector.multi_reduction <add>, %integer_pow3A, %reduce_sum3A_37 [0] : vector<10000x256xf32> to vector<256xf32>
    %broadcast_in_dim3A_39 = vector.shape_cast %reduce_sum3A_38 : vector<256xf32> to vector<1x256xf32>
    %div3A_40 = arith.constant 1.000000e+04 : f32
    %div3A_41 = vector.broadcast %div3A_40 : f32 to vector<1x256xf32>
    %div3A_42 = arith.divf %broadcast_in_dim3A_39, %div3A_41 : vector<1x256xf32>
    %sub3A_43 = vector.broadcast %div3A_35 : vector<1x256xf32> to vector<10000x256xf32>
    %sub3A_44 = arith.subf %max3A_30, %sub3A_43 : vector<10000x256xf32>
    %add3A_45 = arith.constant 9.99999974E-6 : f32
    %add3A_46 = vector.broadcast %add3A_45 : f32 to vector<1x256xf32>
    %add3A_47 = arith.addf %div3A_42, %add3A_46 : vector<1x256xf32>
    %rsqrt3A_48 = math.rsqrt %add3A_47 : vector<1x256xf32>
    %mul3A_49 = vector.broadcast %rsqrt3A_48 : vector<1x256xf32> to vector<10000x256xf32>
    %mul3A_50 = arith.mulf %sub3A_44, %mul3A_49 : vector<10000x256xf32>
    %get3A_51 = arith.constant 0 : index
    %get3A_52 = arith.constant 0 : index
    %get3A_53 = vector.load %arg6[%get3A_51, %get3A_52] : memref<1x256xf32, #tpu.memory_space<vmem>>, vector<1x256xf32>
    %mul3A_54 = vector.broadcast %get3A_53 : vector<1x256xf32> to vector<10000x256xf32>
    %mul3A_55 = arith.mulf %mul3A_50, %mul3A_54 : vector<10000x256xf32>
    %get3A_56 = arith.constant 0 : index
    %get3A_57 = arith.constant 0 : index
    %get3A_58 = vector.load %arg7[%get3A_56, %get3A_57] : memref<1x256xf32, #tpu.memory_space<vmem>>, vector<1x256xf32>
    %add3A_59 = vector.broadcast %get3A_58 : vector<1x256xf32> to vector<10000x256xf32>
    %add3A_60 = arith.addf %mul3A_55, %add3A_59 : vector<10000x256xf32>
    %swap3A = arith.constant 0 : index
    %swap3A_61 = arith.constant 0 : index
    %swap3A_62 = vector.load %arg17[%swap3A, %swap3A_61] : memref<10128x256xf32, #tpu.memory_space<vmem>>, vector<10000x256xf32>
    tpu.vector_store %arg17[%swap3A, %swap3A_61], %add3A_60 {strides = array<i32>} : memref<10128x256xf32, #tpu.memory_space<vmem>>, vector<10000x256xf32>,
    %iota3A = tpu.iota {dimensions = array<i32: 0>} : vector<128x256xi32>
    %scan3A = arith.constant 0xFF800000 : f32
    %scan3A_63 = arith.constant 0 : i32
    %scan3A_64 = arith.constant 16 : i32
    %scan3A_65 = arith.addi %scan3A_63, %scan3A_64 : i32
    %scan3A_66 = arith.constant 1 : i32
    scf.for %scan3A_130 = %scan3A_63 to %scan3A_65 step %scan3A_66  : i32 {
      %mul3A_131 = arith.constant 8 : i32
      %mul3A_132 = arith.muli %scan3A_130, %mul3A_131 : i32
      %add3A_133 = arith.constant 0 : i32
      %add3A_134 = arith.addi %mul3A_132, %add3A_133 : i32
      %scan3A_135 = arith.constant 0 : i32
      %scan3A_136 = arith.constant 10000 : i32
      %scan3A_137 = arith.constant 0 : i32
      %scan3A_138 = arith.constant 14 : i32
      %scan3A_139 = arith.addi %scan3A_137, %scan3A_138 : i32
      %scan3A_140 = arith.constant 1 : i32
      %scan3A_141:2 = scf.for %scan3A_544 = %scan3A_137 to %scan3A_139 step %scan3A_140 iter_args(%scan3A_545 = %scan3A_135, %scan3A_546 = %scan3A_136) -> (i32, i32)  : i32 {
        %add3A_547 = arith.addi %scan3A_545, %scan3A_546 : i32
        %jit3A_548 = arith.constant 2 : i32
        %div3A_549 = arith.divsi %add3A_547, %jit3A_548 : i32
        %sign3A_550 = arith.constant 0 : i32
        %sign3A_551 = arith.cmpi sgt, %add3A_547, %sign3A_550 : i32
        %sign3A_552 = arith.extui %sign3A_551 : i1 to i32
        %sign3A_553 = arith.constant 0 : i32
        %sign3A_554 = arith.cmpi slt, %add3A_547, %sign3A_553 : i32
        %sign3A_555 = arith.extui %sign3A_554 : i1 to i32
        %sign3A_556 = arith.subi %sign3A_552, %sign3A_555 : i32
        %sign3A_557 = arith.constant 0 : i32
        %sign3A_558 = arith.cmpi sgt, %jit3A_548, %sign3A_557 : i32
        %sign3A_559 = arith.extui %sign3A_558 : i1 to i32
        %sign3A_560 = arith.constant 0 : i32
        %sign3A_561 = arith.cmpi slt, %jit3A_548, %sign3A_560 : i32
        %sign3A_562 = arith.extui %sign3A_561 : i1 to i32
        %sign3A_563 = arith.subi %sign3A_559, %sign3A_562 : i32
        %ne3A_564 = arith.cmpi ne, %sign3A_556, %sign3A_563 : i32
        %rem3A_565 = arith.remsi %add3A_547, %jit3A_548 : i32
        %ne3A_566 = arith.constant 0 : i32
        %ne3A_567 = arith.cmpi ne, %rem3A_565, %ne3A_566 : i32
        %and3A_568 = arith.andi %ne3A_564, %ne3A_567 : i1
        %sub3A_569 = arith.constant 1 : i32
        %sub3A_570 = arith.subi %div3A_549, %sub3A_569 : i32
        %select_n3A_571 = arith.select %and3A_568, %sub3A_570, %div3A_549 : i32
        %min3A = arith.constant 9999 : i32
        %min3A_572 = arith.minsi %select_n3A_571, %min3A : i32
        %get3A_573 = arith.index_cast %min3A_572 : i32 to index
        %get3A_574 = memref.load %arg0[%get3A_573] : memref<10000xi32, #tpu.memory_space<smem>>
        %lt3A = arith.cmpi slt, %scan3A_545, %scan3A_546 : i32
        %lt3A_575 = arith.cmpi slt, %get3A_574, %add3A_134 : i32
        %and3A_576 = arith.andi %lt3A, %lt3A_575 : i1
        %convert_element_type3A = arith.extui %and3A_576 : i1 to i32
        %cond3A = arith.constant 0 : i32
        %cond3A_577 = arith.cmpi ne, %convert_element_type3A, %cond3A : i32
        %cond3A_578:2 = scf.if %cond3A_577 -> (i32, i32) {
          %add3A_579 = arith.constant 1 : i32
          %add3A_580 = arith.addi %select_n3A_571, %add3A_579 : i32
          scf.yield %add3A_580, %scan3A_546 : i32, i32
        } else {
          scf.yield %scan3A_545, %select_n3A_571 : i32, i32
        }
        scf.yield %cond3A_578#0, %cond3A_578#1 : i32, i32
      }
      %add3A_142 = arith.constant 1 : i32
      %add3A_143 = arith.addi %add3A_134, %add3A_142 : i32
      %scan3A_144 = arith.constant 0 : i32
      %scan3A_145 = arith.constant 10000 : i32
      %scan3A_146 = arith.constant 0 : i32
      %scan3A_147 = arith.constant 14 : i32
      %scan3A_148 = arith.addi %scan3A_146, %scan3A_147 : i32
      %scan3A_149 = arith.constant 1 : i32
      %scan3A_150:2 = scf.for %scan3A_544 = %scan3A_146 to %scan3A_148 step %scan3A_149 iter_args(%scan3A_545 = %scan3A_144, %scan3A_546 = %scan3A_145) -> (i32, i32)  : i32 {
        %add3A_547 = arith.addi %scan3A_545, %scan3A_546 : i32
        %jit3A_548 = arith.constant 2 : i32
        %div3A_549 = arith.divsi %add3A_547, %jit3A_548 : i32
        %sign3A_550 = arith.constant 0 : i32
        %sign3A_551 = arith.cmpi sgt, %add3A_547, %sign3A_550 : i32
        %sign3A_552 = arith.extui %sign3A_551 : i1 to i32
        %sign3A_553 = arith.constant 0 : i32
        %sign3A_554 = arith.cmpi slt, %add3A_547, %sign3A_553 : i32
        %sign3A_555 = arith.extui %sign3A_554 : i1 to i32
        %sign3A_556 = arith.subi %sign3A_552, %sign3A_555 : i32
        %sign3A_557 = arith.constant 0 : i32
        %sign3A_558 = arith.cmpi sgt, %jit3A_548, %sign3A_557 : i32
        %sign3A_559 = arith.extui %sign3A_558 : i1 to i32
        %sign3A_560 = arith.constant 0 : i32
        %sign3A_561 = arith.cmpi slt, %jit3A_548, %sign3A_560 : i32
        %sign3A_562 = arith.extui %sign3A_561 : i1 to i32
        %sign3A_563 = arith.subi %sign3A_559, %sign3A_562 : i32
        %ne3A_564 = arith.cmpi ne, %sign3A_556, %sign3A_563 : i32
        %rem3A_565 = arith.remsi %add3A_547, %jit3A_548 : i32
        %ne3A_566 = arith.constant 0 : i32
        %ne3A_567 = arith.cmpi ne, %rem3A_565, %ne3A_566 : i32
        %and3A_568 = arith.andi %ne3A_564, %ne3A_567 : i1
        %sub3A_569 = arith.constant 1 : i32
        %sub3A_570 = arith.subi %div3A_549, %sub3A_569 : i32
        %select_n3A_571 = arith.select %and3A_568, %sub3A_570, %div3A_549 : i32
        %min3A = arith.constant 9999 : i32
        %min3A_572 = arith.minsi %select_n3A_571, %min3A : i32
        %get3A_573 = arith.index_cast %min3A_572 : i32 to index
        %get3A_574 = memref.load %arg0[%get3A_573] : memref<10000xi32, #tpu.memory_space<smem>>
        %lt3A = arith.cmpi slt, %scan3A_545, %scan3A_546 : i32
        %lt3A_575 = arith.cmpi slt, %get3A_574, %add3A_143 : i32
        %and3A_576 = arith.andi %lt3A, %lt3A_575 : i1
        %convert_element_type3A = arith.extui %and3A_576 : i1 to i32
        %cond3A = arith.constant 0 : i32
        %cond3A_577 = arith.cmpi ne, %convert_element_type3A, %cond3A : i32
        %cond3A_578:2 = scf.if %cond3A_577 -> (i32, i32) {
          %add3A_579 = arith.constant 1 : i32
          %add3A_580 = arith.addi %select_n3A_571, %add3A_579 : i32
          scf.yield %add3A_580, %scan3A_546 : i32, i32
        } else {
          scf.yield %scan3A_545, %select_n3A_571 : i32, i32
        }
        scf.yield %cond3A_578#0, %cond3A_578#1 : i32, i32
      }
      %jit3A = arith.constant 8 : i32
      %div3A_151 = arith.divsi %scan3A_141#0, %jit3A : i32
      %sign3A = arith.constant 0 : i32
      %sign3A_152 = arith.cmpi sgt, %scan3A_141#0, %sign3A : i32
      %sign3A_153 = arith.extui %sign3A_152 : i1 to i32
      %sign3A_154 = arith.constant 0 : i32
      %sign3A_155 = arith.cmpi slt, %scan3A_141#0, %sign3A_154 : i32
      %sign3A_156 = arith.extui %sign3A_155 : i1 to i32
      %sign3A_157 = arith.subi %sign3A_153, %sign3A_156 : i32
      %sign3A_158 = arith.constant 0 : i32
      %sign3A_159 = arith.cmpi sgt, %jit3A, %sign3A_158 : i32
      %sign3A_160 = arith.extui %sign3A_159 : i1 to i32
      %sign3A_161 = arith.constant 0 : i32
      %sign3A_162 = arith.cmpi slt, %jit3A, %sign3A_161 : i32
      %sign3A_163 = arith.extui %sign3A_162 : i1 to i32
      %sign3A_164 = arith.subi %sign3A_160, %sign3A_163 : i32
      %ne3A = arith.cmpi ne, %sign3A_157, %sign3A_164 : i32
      %rem3A = arith.remsi %scan3A_141#0, %jit3A : i32
      %ne3A_165 = arith.constant 0 : i32
      %ne3A_166 = arith.cmpi ne, %rem3A, %ne3A_165 : i32
      %and3A = arith.andi %ne3A, %ne3A_166 : i1
      %sub3A_167 = arith.constant 1 : i32
      %sub3A_168 = arith.subi %div3A_151, %sub3A_167 : i32
      %select_n3A = arith.select %and3A, %sub3A_168, %div3A_151 : i32
      %mul3A_169 = arith.constant 8 : i32
      %mul3A_170 = arith.muli %select_n3A, %mul3A_169 : i32
      %broadcast_in_dim3A_171 = vector.broadcast %scan3A : f32 to vector<128x256xf32>
      %while3A = arith.constant 0 : i32
      %while3A_172:2 = scf.while (%while3A_544 = %while3A, %while3A_545 = %broadcast_in_dim3A_171) : (i32, vector<128x256xf32>) -> (i32, vector<128x256xf32>) {
        %mul3A_546 = arith.constant 128 : i32
        %mul3A_547 = arith.muli %while3A_544, %mul3A_546 : i32
        %add3A_548 = arith.addi %mul3A_170, %mul3A_547 : i32
        %lt3A = arith.cmpi slt, %add3A_548, %scan3A_150#0 : i32
        scf.condition(%lt3A) %while3A_544, %while3A_545 : i32, vector<128x256xf32>
      } do {
      ^bb0(%while3A_544: i32, %while3A_545: vector<128x256xf32>):
        %mul3A_546 = arith.constant 128 : i32
        %mul3A_547 = arith.muli %while3A_544, %mul3A_546 : i32
        %add3A_548 = arith.addi %mul3A_170, %mul3A_547 : i32
        %multiple_of3A_549 = tpu.assume_multiple %add3A_548, 8 : i32
        %get3A_550 = arith.index_cast %multiple_of3A_549 : i32 to index
        %get3A_551 = arith.constant 0 : index
        %get3A_552 = vector.load %arg17[%get3A_550, %get3A_551] : memref<10128x256xf32, #tpu.memory_space<vmem>>, vector<128x256xf32>
        %add3A_553 = vector.broadcast %multiple_of3A_549 : i32 to vector<128x256xi32>
        %add3A_554 = arith.addi %add3A_553, %iota3A : vector<128x256xi32>
        %ge3A = vector.broadcast %scan3A_141#0 : i32 to vector<128x256xi32>
        %ge3A_555 = arith.cmpi sge, %add3A_554, %ge3A : vector<128x256xi32>
        %lt3A = vector.broadcast %scan3A_150#0 : i32 to vector<128x256xi32>
        %lt3A_556 = arith.cmpi slt, %add3A_554, %lt3A : vector<128x256xi32>
        %and3A_557 = arith.andi %ge3A_555, %lt3A_556 : vector<128x256xi1>
        %add3A_558 = arith.constant 1 : i32
        %add3A_559 = arith.addi %while3A_544, %add3A_558 : i32
        %broadcast_in_dim3A_560 = vector.broadcast %scan3A : f32 to vector<128x256xf32>
        %select_n3A_561 = arith.select %and3A_557, %get3A_552, %broadcast_in_dim3A_560 : vector<128x256xi1>, vector<128x256xf32>
        %max3A_562 = arith.maximumf %while3A_545, %select_n3A_561 : vector<128x256xf32>
        scf.yield %add3A_559, %max3A_562 : i32, vector<128x256xf32>
      }
      %reduce_max3A = arith.constant dense<0xFF800000> : vector<256xf32>
      %reduce_max3A_173 = vector.multi_reduction <maximumf>, %while3A_172#1, %reduce_max3A [0] : vector<128x256xf32> to vector<256xf32>
      %broadcast_in_dim3A_174 = vector.shape_cast %reduce_max3A_173 : vector<256xf32> to vector<1x256xf32>
      %mul3A_175 = arith.constant 8 : i32
      %mul3A_176 = arith.muli %scan3A_130, %mul3A_175 : i32
      %add3A_177 = arith.constant 1 : i32
      %add3A_178 = arith.addi %mul3A_176, %add3A_177 : i32
      %scan3A_179 = arith.constant 0 : i32
      %scan3A_180 = arith.constant 10000 : i32
      %scan3A_181 = arith.constant 0 : i32
      %scan3A_182 = arith.constant 14 : i32
      %scan3A_183 = arith.addi %scan3A_181, %scan3A_182 : i32
      %scan3A_184 = arith.constant 1 : i32
      %scan3A_185:2 = scf.for %scan3A_544 = %scan3A_181 to %scan3A_183 step %scan3A_184 iter_args(%scan3A_545 = %scan3A_179, %scan3A_546 = %scan3A_180) -> (i32, i32)  : i32 {
        %add3A_547 = arith.addi %scan3A_545, %scan3A_546 : i32
        %jit3A_548 = arith.constant 2 : i32
        %div3A_549 = arith.divsi %add3A_547, %jit3A_548 : i32
        %sign3A_550 = arith.constant 0 : i32
        %sign3A_551 = arith.cmpi sgt, %add3A_547, %sign3A_550 : i32
        %sign3A_552 = arith.extui %sign3A_551 : i1 to i32
        %sign3A_553 = arith.constant 0 : i32
        %sign3A_554 = arith.cmpi slt, %add3A_547, %sign3A_553 : i32
        %sign3A_555 = arith.extui %sign3A_554 : i1 to i32
        %sign3A_556 = arith.subi %sign3A_552, %sign3A_555 : i32
        %sign3A_557 = arith.constant 0 : i32
        %sign3A_558 = arith.cmpi sgt, %jit3A_548, %sign3A_557 : i32
        %sign3A_559 = arith.extui %sign3A_558 : i1 to i32
        %sign3A_560 = arith.constant 0 : i32
        %sign3A_561 = arith.cmpi slt, %jit3A_548, %sign3A_560 : i32
        %sign3A_562 = arith.extui %sign3A_561 : i1 to i32
        %sign3A_563 = arith.subi %sign3A_559, %sign3A_562 : i32
        %ne3A_564 = arith.cmpi ne, %sign3A_556, %sign3A_563 : i32
        %rem3A_565 = arith.remsi %add3A_547, %jit3A_548 : i32
        %ne3A_566 = arith.constant 0 : i32
        %ne3A_567 = arith.cmpi ne, %rem3A_565, %ne3A_566 : i32
        %and3A_568 = arith.andi %ne3A_564, %ne3A_567 : i1
        %sub3A_569 = arith.constant 1 : i32
        %sub3A_570 = arith.subi %div3A_549, %sub3A_569 : i32
        %select_n3A_571 = arith.select %and3A_568, %sub3A_570, %div3A_549 : i32
        %min3A = arith.constant 9999 : i32
        %min3A_572 = arith.minsi %select_n3A_571, %min3A : i32
        %get3A_573 = arith.index_cast %min3A_572 : i32 to index
        %get3A_574 = memref.load %arg0[%get3A_573] : memref<10000xi32, #tpu.memory_space<smem>>
        %lt3A = arith.cmpi slt, %scan3A_545, %scan3A_546 : i32
        %lt3A_575 = arith.cmpi slt, %get3A_574, %add3A_178 : i32
        %and3A_576 = arith.andi %lt3A, %lt3A_575 : i1
        %convert_element_type3A = arith.extui %and3A_576 : i1 to i32
        %cond3A = arith.constant 0 : i32
        %cond3A_577 = arith.cmpi ne, %convert_element_type3A, %cond3A : i32
        %cond3A_578:2 = scf.if %cond3A_577 -> (i32, i32) {
          %add3A_579 = arith.constant 1 : i32
          %add3A_580 = arith.addi %select_n3A_571, %add3A_579 : i32
          scf.yield %add3A_580, %scan3A_546 : i32, i32
        } else {
          scf.yield %scan3A_545, %select_n3A_571 : i32, i32
        }
        scf.yield %cond3A_578#0, %cond3A_578#1 : i32, i32
      }
      %add3A_186 = arith.constant 1 : i32
      %add3A_187 = arith.addi %add3A_178, %add3A_186 : i32
      %scan3A_188 = arith.constant 0 : i32
      %scan3A_189 = arith.constant 10000 : i32
      %scan3A_190 = arith.constant 0 : i32
      %scan3A_191 = arith.constant 14 : i32
      %scan3A_192 = arith.addi %scan3A_190, %scan3A_191 : i32
      %scan3A_193 = arith.constant 1 : i32
      %scan3A_194:2 = scf.for %scan3A_544 = %scan3A_190 to %scan3A_192 step %scan3A_193 iter_args(%scan3A_545 = %scan3A_188, %scan3A_546 = %scan3A_189) -> (i32, i32)  : i32 {
        %add3A_547 = arith.addi %scan3A_545, %scan3A_546 : i32
        %jit3A_548 = arith.constant 2 : i32
        %div3A_549 = arith.divsi %add3A_547, %jit3A_548 : i32
        %sign3A_550 = arith.constant 0 : i32
        %sign3A_551 = arith.cmpi sgt, %add3A_547, %sign3A_550 : i32
        %sign3A_552 = arith.extui %sign3A_551 : i1 to i32
        %sign3A_553 = arith.constant 0 : i32
        %sign3A_554 = arith.cmpi slt, %add3A_547, %sign3A_553 : i32
        %sign3A_555 = arith.extui %sign3A_554 : i1 to i32
        %sign3A_556 = arith.subi %sign3A_552, %sign3A_555 : i32
        %sign3A_557 = arith.constant 0 : i32
        %sign3A_558 = arith.cmpi sgt, %jit3A_548, %sign3A_557 : i32
        %sign3A_559 = arith.extui %sign3A_558 : i1 to i32
        %sign3A_560 = arith.constant 0 : i32
        %sign3A_561 = arith.cmpi slt, %jit3A_548, %sign3A_560 : i32
        %sign3A_562 = arith.extui %sign3A_561 : i1 to i32
        %sign3A_563 = arith.subi %sign3A_559, %sign3A_562 : i32
        %ne3A_564 = arith.cmpi ne, %sign3A_556, %sign3A_563 : i32
        %rem3A_565 = arith.remsi %add3A_547, %jit3A_548 : i32
        %ne3A_566 = arith.constant 0 : i32
        %ne3A_567 = arith.cmpi ne, %rem3A_565, %ne3A_566 : i32
        %and3A_568 = arith.andi %ne3A_564, %ne3A_567 : i1
        %sub3A_569 = arith.constant 1 : i32
        %sub3A_570 = arith.subi %div3A_549, %sub3A_569 : i32
        %select_n3A_571 = arith.select %and3A_568, %sub3A_570, %div3A_549 : i32
        %min3A = arith.constant 9999 : i32
        %min3A_572 = arith.minsi %select_n3A_571, %min3A : i32
        %get3A_573 = arith.index_cast %min3A_572 : i32 to index
        %get3A_574 = memref.load %arg0[%get3A_573] : memref<10000xi32, #tpu.memory_space<smem>>
        %lt3A = arith.cmpi slt, %scan3A_545, %scan3A_546 : i32
        %lt3A_575 = arith.cmpi slt, %get3A_574, %add3A_187 : i32
        %and3A_576 = arith.andi %lt3A, %lt3A_575 : i1
        %convert_element_type3A = arith.extui %and3A_576 : i1 to i32
        %cond3A = arith.constant 0 : i32
        %cond3A_577 = arith.cmpi ne, %convert_element_type3A, %cond3A : i32
        %cond3A_578:2 = scf.if %cond3A_577 -> (i32, i32) {
          %add3A_579 = arith.constant 1 : i32
          %add3A_580 = arith.addi %select_n3A_571, %add3A_579 : i32
          scf.yield %add3A_580, %scan3A_546 : i32, i32
        } else {
          scf.yield %scan3A_545, %select_n3A_571 : i32, i32
        }
        scf.yield %cond3A_578#0, %cond3A_578#1 : i32, i32
      }
      %jit3A_195 = arith.constant 8 : i32
      %div3A_196 = arith.divsi %scan3A_185#0, %jit3A_195 : i32
      %sign3A_197 = arith.constant 0 : i32
      %sign3A_198 = arith.cmpi sgt, %scan3A_185#0, %sign3A_197 : i32
      %sign3A_199 = arith.extui %sign3A_198 : i1 to i32
      %sign3A_200 = arith.constant 0 : i32
      %sign3A_201 = arith.cmpi slt, %scan3A_185#0, %sign3A_200 : i32
      %sign3A_202 = arith.extui %sign3A_201 : i1 to i32
      %sign3A_203 = arith.subi %sign3A_199, %sign3A_202 : i32
      %sign3A_204 = arith.constant 0 : i32
      %sign3A_205 = arith.cmpi sgt, %jit3A_195, %sign3A_204 : i32
      %sign3A_206 = arith.extui %sign3A_205 : i1 to i32
      %sign3A_207 = arith.constant 0 : i32
      %sign3A_208 = arith.cmpi slt, %jit3A_195, %sign3A_207 : i32
      %sign3A_209 = arith.extui %sign3A_208 : i1 to i32
      %sign3A_210 = arith.subi %sign3A_206, %sign3A_209 : i32
      %ne3A_211 = arith.cmpi ne, %sign3A_203, %sign3A_210 : i32
      %rem3A_212 = arith.remsi %scan3A_185#0, %jit3A_195 : i32
      %ne3A_213 = arith.constant 0 : i32
      %ne3A_214 = arith.cmpi ne, %rem3A_212, %ne3A_213 : i32
      %and3A_215 = arith.andi %ne3A_211, %ne3A_214 : i1
      %sub3A_216 = arith.constant 1 : i32
      %sub3A_217 = arith.subi %div3A_196, %sub3A_216 : i32
      %select_n3A_218 = arith.select %and3A_215, %sub3A_217, %div3A_196 : i32
      %mul3A_219 = arith.constant 8 : i32
      %mul3A_220 = arith.muli %select_n3A_218, %mul3A_219 : i32
      %broadcast_in_dim3A_221 = vector.broadcast %scan3A : f32 to vector<128x256xf32>
      %while3A_222 = arith.constant 0 : i32
      %while3A_223:2 = scf.while (%while3A_544 = %while3A_222, %while3A_545 = %broadcast_in_dim3A_221) : (i32, vector<128x256xf32>) -> (i32, vector<128x256xf32>) {
        %mul3A_546 = arith.constant 128 : i32
        %mul3A_547 = arith.muli %while3A_544, %mul3A_546 : i32
        %add3A_548 = arith.addi %mul3A_220, %mul3A_547 : i32
        %lt3A = arith.cmpi slt, %add3A_548, %scan3A_194#0 : i32
        scf.condition(%lt3A) %while3A_544, %while3A_545 : i32, vector<128x256xf32>
      } do {
      ^bb0(%while3A_544: i32, %while3A_545: vector<128x256xf32>):
        %mul3A_546 = arith.constant 128 : i32
        %mul3A_547 = arith.muli %while3A_544, %mul3A_546 : i32
        %add3A_548 = arith.addi %mul3A_220, %mul3A_547 : i32
        %multiple_of3A_549 = tpu.assume_multiple %add3A_548, 8 : i32
        %get3A_550 = arith.index_cast %multiple_of3A_549 : i32 to index
        %get3A_551 = arith.constant 0 : index
        %get3A_552 = vector.load %arg17[%get3A_550, %get3A_551] : memref<10128x256xf32, #tpu.memory_space<vmem>>, vector<128x256xf32>
        %add3A_553 = vector.broadcast %multiple_of3A_549 : i32 to vector<128x256xi32>
        %add3A_554 = arith.addi %add3A_553, %iota3A : vector<128x256xi32>
        %ge3A = vector.broadcast %scan3A_185#0 : i32 to vector<128x256xi32>
        %ge3A_555 = arith.cmpi sge, %add3A_554, %ge3A : vector<128x256xi32>
        %lt3A = vector.broadcast %scan3A_194#0 : i32 to vector<128x256xi32>
        %lt3A_556 = arith.cmpi slt, %add3A_554, %lt3A : vector<128x256xi32>
        %and3A_557 = arith.andi %ge3A_555, %lt3A_556 : vector<128x256xi1>
        %add3A_558 = arith.constant 1 : i32
        %add3A_559 = arith.addi %while3A_544, %add3A_558 : i32
        %broadcast_in_dim3A_560 = vector.broadcast %scan3A : f32 to vector<128x256xf32>
        %select_n3A_561 = arith.select %and3A_557, %get3A_552, %broadcast_in_dim3A_560 : vector<128x256xi1>, vector<128x256xf32>
        %max3A_562 = arith.maximumf %while3A_545, %select_n3A_561 : vector<128x256xf32>
        scf.yield %add3A_559, %max3A_562 : i32, vector<128x256xf32>
      }
      %reduce_max3A_224 = arith.constant dense<0xFF800000> : vector<256xf32>
      %reduce_max3A_225 = vector.multi_reduction <maximumf>, %while3A_223#1, %reduce_max3A_224 [0] : vector<128x256xf32> to vector<256xf32>
      %broadcast_in_dim3A_226 = vector.shape_cast %reduce_max3A_225 : vector<256xf32> to vector<1x256xf32>
      %mul3A_227 = arith.constant 8 : i32
      %mul3A_228 = arith.muli %scan3A_130, %mul3A_227 : i32
      %add3A_229 = arith.constant 2 : i32
      %add3A_230 = arith.addi %mul3A_228, %add3A_229 : i32
      %scan3A_231 = arith.constant 0 : i32
      %scan3A_232 = arith.constant 10000 : i32
      %scan3A_233 = arith.constant 0 : i32
      %scan3A_234 = arith.constant 14 : i32
      %scan3A_235 = arith.addi %scan3A_233, %scan3A_234 : i32
      %scan3A_236 = arith.constant 1 : i32
      %scan3A_237:2 = scf.for %scan3A_544 = %scan3A_233 to %scan3A_235 step %scan3A_236 iter_args(%scan3A_545 = %scan3A_231, %scan3A_546 = %scan3A_232) -> (i32, i32)  : i32 {
        %add3A_547 = arith.addi %scan3A_545, %scan3A_546 : i32
        %jit3A_548 = arith.constant 2 : i32
        %div3A_549 = arith.divsi %add3A_547, %jit3A_548 : i32
        %sign3A_550 = arith.constant 0 : i32
        %sign3A_551 = arith.cmpi sgt, %add3A_547, %sign3A_550 : i32
        %sign3A_552 = arith.extui %sign3A_551 : i1 to i32
        %sign3A_553 = arith.constant 0 : i32
        %sign3A_554 = arith.cmpi slt, %add3A_547, %sign3A_553 : i32
        %sign3A_555 = arith.extui %sign3A_554 : i1 to i32
        %sign3A_556 = arith.subi %sign3A_552, %sign3A_555 : i32
        %sign3A_557 = arith.constant 0 : i32
        %sign3A_558 = arith.cmpi sgt, %jit3A_548, %sign3A_557 : i32
        %sign3A_559 = arith.extui %sign3A_558 : i1 to i32
        %sign3A_560 = arith.constant 0 : i32
        %sign3A_561 = arith.cmpi slt, %jit3A_548, %sign3A_560 : i32
        %sign3A_562 = arith.extui %sign3A_561 : i1 to i32
        %sign3A_563 = arith.subi %sign3A_559, %sign3A_562 : i32
        %ne3A_564 = arith.cmpi ne, %sign3A_556, %sign3A_563 : i32
        %rem3A_565 = arith.remsi %add3A_547, %jit3A_548 : i32
        %ne3A_566 = arith.constant 0 : i32
        %ne3A_567 = arith.cmpi ne, %rem3A_565, %ne3A_566 : i32
        %and3A_568 = arith.andi %ne3A_564, %ne3A_567 : i1
        %sub3A_569 = arith.constant 1 : i32
        %sub3A_570 = arith.subi %div3A_549, %sub3A_569 : i32
        %select_n3A_571 = arith.select %and3A_568, %sub3A_570, %div3A_549 : i32
        %min3A = arith.constant 9999 : i32
        %min3A_572 = arith.minsi %select_n3A_571, %min3A : i32
        %get3A_573 = arith.index_cast %min3A_572 : i32 to index
        %get3A_574 = memref.load %arg0[%get3A_573] : memref<10000xi32, #tpu.memory_space<smem>>
        %lt3A = arith.cmpi slt, %scan3A_545, %scan3A_546 : i32
        %lt3A_575 = arith.cmpi slt, %get3A_574, %add3A_230 : i32
        %and3A_576 = arith.andi %lt3A, %lt3A_575 : i1
        %convert_element_type3A = arith.extui %and3A_576 : i1 to i32
        %cond3A = arith.constant 0 : i32
        %cond3A_577 = arith.cmpi ne, %convert_element_type3A, %cond3A : i32
        %cond3A_578:2 = scf.if %cond3A_577 -> (i32, i32) {
          %add3A_579 = arith.constant 1 : i32
          %add3A_580 = arith.addi %select_n3A_571, %add3A_579 : i32
          scf.yield %add3A_580, %scan3A_546 : i32, i32
        } else {
          scf.yield %scan3A_545, %select_n3A_571 : i32, i32
        }
        scf.yield %cond3A_578#0, %cond3A_578#1 : i32, i32
      }
      %add3A_238 = arith.constant 1 : i32
      %add3A_239 = arith.addi %add3A_230, %add3A_238 : i32
      %scan3A_240 = arith.constant 0 : i32
      %scan3A_241 = arith.constant 10000 : i32
      %scan3A_242 = arith.constant 0 : i32
      %scan3A_243 = arith.constant 14 : i32
      %scan3A_244 = arith.addi %scan3A_242, %scan3A_243 : i32
      %scan3A_245 = arith.constant 1 : i32
      %scan3A_246:2 = scf.for %scan3A_544 = %scan3A_242 to %scan3A_244 step %scan3A_245 iter_args(%scan3A_545 = %scan3A_240, %scan3A_546 = %scan3A_241) -> (i32, i32)  : i32 {
        %add3A_547 = arith.addi %scan3A_545, %scan3A_546 : i32
        %jit3A_548 = arith.constant 2 : i32
        %div3A_549 = arith.divsi %add3A_547, %jit3A_548 : i32
        %sign3A_550 = arith.constant 0 : i32
        %sign3A_551 = arith.cmpi sgt, %add3A_547, %sign3A_550 : i32
        %sign3A_552 = arith.extui %sign3A_551 : i1 to i32
        %sign3A_553 = arith.constant 0 : i32
        %sign3A_554 = arith.cmpi slt, %add3A_547, %sign3A_553 : i32
        %sign3A_555 = arith.extui %sign3A_554 : i1 to i32
        %sign3A_556 = arith.subi %sign3A_552, %sign3A_555 : i32
        %sign3A_557 = arith.constant 0 : i32
        %sign3A_558 = arith.cmpi sgt, %jit3A_548, %sign3A_557 : i32
        %sign3A_559 = arith.extui %sign3A_558 : i1 to i32
        %sign3A_560 = arith.constant 0 : i32
        %sign3A_561 = arith.cmpi slt, %jit3A_548, %sign3A_560 : i32
        %sign3A_562 = arith.extui %sign3A_561 : i1 to i32
        %sign3A_563 = arith.subi %sign3A_559, %sign3A_562 : i32
        %ne3A_564 = arith.cmpi ne, %sign3A_556, %sign3A_563 : i32
        %rem3A_565 = arith.remsi %add3A_547, %jit3A_548 : i32
        %ne3A_566 = arith.constant 0 : i32
        %ne3A_567 = arith.cmpi ne, %rem3A_565, %ne3A_566 : i32
        %and3A_568 = arith.andi %ne3A_564, %ne3A_567 : i1
        %sub3A_569 = arith.constant 1 : i32
        %sub3A_570 = arith.subi %div3A_549, %sub3A_569 : i32
        %select_n3A_571 = arith.select %and3A_568, %sub3A_570, %div3A_549 : i32
        %min3A = arith.constant 9999 : i32
        %min3A_572 = arith.minsi %select_n3A_571, %min3A : i32
        %get3A_573 = arith.index_cast %min3A_572 : i32 to index
        %get3A_574 = memref.load %arg0[%get3A_573] : memref<10000xi32, #tpu.memory_space<smem>>
        %lt3A = arith.cmpi slt, %scan3A_545, %scan3A_546 : i32
        %lt3A_575 = arith.cmpi slt, %get3A_574, %add3A_239 : i32
        %and3A_576 = arith.andi %lt3A, %lt3A_575 : i1
        %convert_element_type3A = arith.extui %and3A_576 : i1 to i32
        %cond3A = arith.constant 0 : i32
        %cond3A_577 = arith.cmpi ne, %convert_element_type3A, %cond3A : i32
        %cond3A_578:2 = scf.if %cond3A_577 -> (i32, i32) {
          %add3A_579 = arith.constant 1 : i32
          %add3A_580 = arith.addi %select_n3A_571, %add3A_579 : i32
          scf.yield %add3A_580, %scan3A_546 : i32, i32
        } else {
          scf.yield %scan3A_545, %select_n3A_571 : i32, i32
        }
        scf.yield %cond3A_578#0, %cond3A_578#1 : i32, i32
      }
      %jit3A_247 = arith.constant 8 : i32
      %div3A_248 = arith.divsi %scan3A_237#0, %jit3A_247 : i32
      %sign3A_249 = arith.constant 0 : i32
      %sign3A_250 = arith.cmpi sgt, %scan3A_237#0, %sign3A_249 : i32
      %sign3A_251 = arith.extui %sign3A_250 : i1 to i32
      %sign3A_252 = arith.constant 0 : i32
      %sign3A_253 = arith.cmpi slt, %scan3A_237#0, %sign3A_252 : i32
      %sign3A_254 = arith.extui %sign3A_253 : i1 to i32
      %sign3A_255 = arith.subi %sign3A_251, %sign3A_254 : i32
      %sign3A_256 = arith.constant 0 : i32
      %sign3A_257 = arith.cmpi sgt, %jit3A_247, %sign3A_256 : i32
      %sign3A_258 = arith.extui %sign3A_257 : i1 to i32
      %sign3A_259 = arith.constant 0 : i32
      %sign3A_260 = arith.cmpi slt, %jit3A_247, %sign3A_259 : i32
      %sign3A_261 = arith.extui %sign3A_260 : i1 to i32
      %sign3A_262 = arith.subi %sign3A_258, %sign3A_261 : i32
      %ne3A_263 = arith.cmpi ne, %sign3A_255, %sign3A_262 : i32
      %rem3A_264 = arith.remsi %scan3A_237#0, %jit3A_247 : i32
      %ne3A_265 = arith.constant 0 : i32
      %ne3A_266 = arith.cmpi ne, %rem3A_264, %ne3A_265 : i32
      %and3A_267 = arith.andi %ne3A_263, %ne3A_266 : i1
      %sub3A_268 = arith.constant 1 : i32
      %sub3A_269 = arith.subi %div3A_248, %sub3A_268 : i32
      %select_n3A_270 = arith.select %and3A_267, %sub3A_269, %div3A_248 : i32
      %mul3A_271 = arith.constant 8 : i32
      %mul3A_272 = arith.muli %select_n3A_270, %mul3A_271 : i32
      %broadcast_in_dim3A_273 = vector.broadcast %scan3A : f32 to vector<128x256xf32>
      %while3A_274 = arith.constant 0 : i32
      %while3A_275:2 = scf.while (%while3A_544 = %while3A_274, %while3A_545 = %broadcast_in_dim3A_273) : (i32, vector<128x256xf32>) -> (i32, vector<128x256xf32>) {
        %mul3A_546 = arith.constant 128 : i32
        %mul3A_547 = arith.muli %while3A_544, %mul3A_546 : i32
        %add3A_548 = arith.addi %mul3A_272, %mul3A_547 : i32
        %lt3A = arith.cmpi slt, %add3A_548, %scan3A_246#0 : i32
        scf.condition(%lt3A) %while3A_544, %while3A_545 : i32, vector<128x256xf32>
      } do {
      ^bb0(%while3A_544: i32, %while3A_545: vector<128x256xf32>):
        %mul3A_546 = arith.constant 128 : i32
        %mul3A_547 = arith.muli %while3A_544, %mul3A_546 : i32
        %add3A_548 = arith.addi %mul3A_272, %mul3A_547 : i32
        %multiple_of3A_549 = tpu.assume_multiple %add3A_548, 8 : i32
        %get3A_550 = arith.index_cast %multiple_of3A_549 : i32 to index
        %get3A_551 = arith.constant 0 : index
        %get3A_552 = vector.load %arg17[%get3A_550, %get3A_551] : memref<10128x256xf32, #tpu.memory_space<vmem>>, vector<128x256xf32>
        %add3A_553 = vector.broadcast %multiple_of3A_549 : i32 to vector<128x256xi32>
        %add3A_554 = arith.addi %add3A_553, %iota3A : vector<128x256xi32>
        %ge3A = vector.broadcast %scan3A_237#0 : i32 to vector<128x256xi32>
        %ge3A_555 = arith.cmpi sge, %add3A_554, %ge3A : vector<128x256xi32>
        %lt3A = vector.broadcast %scan3A_246#0 : i32 to vector<128x256xi32>
        %lt3A_556 = arith.cmpi slt, %add3A_554, %lt3A : vector<128x256xi32>
        %and3A_557 = arith.andi %ge3A_555, %lt3A_556 : vector<128x256xi1>
        %add3A_558 = arith.constant 1 : i32
        %add3A_559 = arith.addi %while3A_544, %add3A_558 : i32
        %broadcast_in_dim3A_560 = vector.broadcast %scan3A : f32 to vector<128x256xf32>
        %select_n3A_561 = arith.select %and3A_557, %get3A_552, %broadcast_in_dim3A_560 : vector<128x256xi1>, vector<128x256xf32>
        %max3A_562 = arith.maximumf %while3A_545, %select_n3A_561 : vector<128x256xf32>
        scf.yield %add3A_559, %max3A_562 : i32, vector<128x256xf32>
      }
      %reduce_max3A_276 = arith.constant dense<0xFF800000> : vector<256xf32>
      %reduce_max3A_277 = vector.multi_reduction <maximumf>, %while3A_275#1, %reduce_max3A_276 [0] : vector<128x256xf32> to vector<256xf32>
      %broadcast_in_dim3A_278 = vector.shape_cast %reduce_max3A_277 : vector<256xf32> to vector<1x256xf32>
      %mul3A_279 = arith.constant 8 : i32
      %mul3A_280 = arith.muli %scan3A_130, %mul3A_279 : i32
      %add3A_281 = arith.constant 3 : i32
      %add3A_282 = arith.addi %mul3A_280, %add3A_281 : i32
      %scan3A_283 = arith.constant 0 : i32
      %scan3A_284 = arith.constant 10000 : i32
      %scan3A_285 = arith.constant 0 : i32
      %scan3A_286 = arith.constant 14 : i32
      %scan3A_287 = arith.addi %scan3A_285, %scan3A_286 : i32
      %scan3A_288 = arith.constant 1 : i32
      %scan3A_289:2 = scf.for %scan3A_544 = %scan3A_285 to %scan3A_287 step %scan3A_288 iter_args(%scan3A_545 = %scan3A_283, %scan3A_546 = %scan3A_284) -> (i32, i32)  : i32 {
        %add3A_547 = arith.addi %scan3A_545, %scan3A_546 : i32
        %jit3A_548 = arith.constant 2 : i32
        %div3A_549 = arith.divsi %add3A_547, %jit3A_548 : i32
        %sign3A_550 = arith.constant 0 : i32
        %sign3A_551 = arith.cmpi sgt, %add3A_547, %sign3A_550 : i32
        %sign3A_552 = arith.extui %sign3A_551 : i1 to i32
        %sign3A_553 = arith.constant 0 : i32
        %sign3A_554 = arith.cmpi slt, %add3A_547, %sign3A_553 : i32
        %sign3A_555 = arith.extui %sign3A_554 : i1 to i32
        %sign3A_556 = arith.subi %sign3A_552, %sign3A_555 : i32
        %sign3A_557 = arith.constant 0 : i32
        %sign3A_558 = arith.cmpi sgt, %jit3A_548, %sign3A_557 : i32
        %sign3A_559 = arith.extui %sign3A_558 : i1 to i32
        %sign3A_560 = arith.constant 0 : i32
        %sign3A_561 = arith.cmpi slt, %jit3A_548, %sign3A_560 : i32
        %sign3A_562 = arith.extui %sign3A_561 : i1 to i32
        %sign3A_563 = arith.subi %sign3A_559, %sign3A_562 : i32
        %ne3A_564 = arith.cmpi ne, %sign3A_556, %sign3A_563 : i32
        %rem3A_565 = arith.remsi %add3A_547, %jit3A_548 : i32
        %ne3A_566 = arith.constant 0 : i32
        %ne3A_567 = arith.cmpi ne, %rem3A_565, %ne3A_566 : i32
        %and3A_568 = arith.andi %ne3A_564, %ne3A_567 : i1
        %sub3A_569 = arith.constant 1 : i32
        %sub3A_570 = arith.subi %div3A_549, %sub3A_569 : i32
        %select_n3A_571 = arith.select %and3A_568, %sub3A_570, %div3A_549 : i32
        %min3A = arith.constant 9999 : i32
        %min3A_572 = arith.minsi %select_n3A_571, %min3A : i32
        %get3A_573 = arith.index_cast %min3A_572 : i32 to index
        %get3A_574 = memref.load %arg0[%get3A_573] : memref<10000xi32, #tpu.memory_space<smem>>
        %lt3A = arith.cmpi slt, %scan3A_545, %scan3A_546 : i32
        %lt3A_575 = arith.cmpi slt, %get3A_574, %add3A_282 : i32
        %and3A_576 = arith.andi %lt3A, %lt3A_575 : i1
        %convert_element_type3A = arith.extui %and3A_576 : i1 to i32
        %cond3A = arith.constant 0 : i32
        %cond3A_577 = arith.cmpi ne, %convert_element_type3A, %cond3A : i32
        %cond3A_578:2 = scf.if %cond3A_577 -> (i32, i32) {
          %add3A_579 = arith.constant 1 : i32
          %add3A_580 = arith.addi %select_n3A_571, %add3A_579 : i32
          scf.yield %add3A_580, %scan3A_546 : i32, i32
        } else {
          scf.yield %scan3A_545, %select_n3A_571 : i32, i32
        }
        scf.yield %cond3A_578#0, %cond3A_578#1 : i32, i32
      }
      %add3A_290 = arith.constant 1 : i32
      %add3A_291 = arith.addi %add3A_282, %add3A_290 : i32
      %scan3A_292 = arith.constant 0 : i32
      %scan3A_293 = arith.constant 10000 : i32
      %scan3A_294 = arith.constant 0 : i32
      %scan3A_295 = arith.constant 14 : i32
      %scan3A_296 = arith.addi %scan3A_294, %scan3A_295 : i32
      %scan3A_297 = arith.constant 1 : i32
      %scan3A_298:2 = scf.for %scan3A_544 = %scan3A_294 to %scan3A_296 step %scan3A_297 iter_args(%scan3A_545 = %scan3A_292, %scan3A_546 = %scan3A_293) -> (i32, i32)  : i32 {
        %add3A_547 = arith.addi %scan3A_545, %scan3A_546 : i32
        %jit3A_548 = arith.constant 2 : i32
        %div3A_549 = arith.divsi %add3A_547, %jit3A_548 : i32
        %sign3A_550 = arith.constant 0 : i32
        %sign3A_551 = arith.cmpi sgt, %add3A_547, %sign3A_550 : i32
        %sign3A_552 = arith.extui %sign3A_551 : i1 to i32
        %sign3A_553 = arith.constant 0 : i32
        %sign3A_554 = arith.cmpi slt, %add3A_547, %sign3A_553 : i32
        %sign3A_555 = arith.extui %sign3A_554 : i1 to i32
        %sign3A_556 = arith.subi %sign3A_552, %sign3A_555 : i32
        %sign3A_557 = arith.constant 0 : i32
        %sign3A_558 = arith.cmpi sgt, %jit3A_548, %sign3A_557 : i32
        %sign3A_559 = arith.extui %sign3A_558 : i1 to i32
        %sign3A_560 = arith.constant 0 : i32
        %sign3A_561 = arith.cmpi slt, %jit3A_548, %sign3A_560 : i32
        %sign3A_562 = arith.extui %sign3A_561 : i1 to i32
        %sign3A_563 = arith.subi %sign3A_559, %sign3A_562 : i32
        %ne3A_564 = arith.cmpi ne, %sign3A_556, %sign3A_563 : i32
        %rem3A_565 = arith.remsi %add3A_547, %jit3A_548 : i32
        %ne3A_566 = arith.constant 0 : i32
        %ne3A_567 = arith.cmpi ne, %rem3A_565, %ne3A_566 : i32
        %and3A_568 = arith.andi %ne3A_564, %ne3A_567 : i1
        %sub3A_569 = arith.constant 1 : i32
        %sub3A_570 = arith.subi %div3A_549, %sub3A_569 : i32
        %select_n3A_571 = arith.select %and3A_568, %sub3A_570, %div3A_549 : i32
        %min3A = arith.constant 9999 : i32
        %min3A_572 = arith.minsi %select_n3A_571, %min3A : i32
        %get3A_573 = arith.index_cast %min3A_572 : i32 to index
        %get3A_574 = memref.load %arg0[%get3A_573] : memref<10000xi32, #tpu.memory_space<smem>>
        %lt3A = arith.cmpi slt, %scan3A_545, %scan3A_546 : i32
        %lt3A_575 = arith.cmpi slt, %get3A_574, %add3A_291 : i32
        %and3A_576 = arith.andi %lt3A, %lt3A_575 : i1
        %convert_element_type3A = arith.extui %and3A_576 : i1 to i32
        %cond3A = arith.constant 0 : i32
        %cond3A_577 = arith.cmpi ne, %convert_element_type3A, %cond3A : i32
        %cond3A_578:2 = scf.if %cond3A_577 -> (i32, i32) {
          %add3A_579 = arith.constant 1 : i32
          %add3A_580 = arith.addi %select_n3A_571, %add3A_579 : i32
          scf.yield %add3A_580, %scan3A_546 : i32, i32
        } else {
          scf.yield %scan3A_545, %select_n3A_571 : i32, i32
        }
        scf.yield %cond3A_578#0, %cond3A_578#1 : i32, i32
      }
      %jit3A_299 = arith.constant 8 : i32
      %div3A_300 = arith.divsi %scan3A_289#0, %jit3A_299 : i32
      %sign3A_301 = arith.constant 0 : i32
      %sign3A_302 = arith.cmpi sgt, %scan3A_289#0, %sign3A_301 : i32
      %sign3A_303 = arith.extui %sign3A_302 : i1 to i32
      %sign3A_304 = arith.constant 0 : i32
      %sign3A_305 = arith.cmpi slt, %scan3A_289#0, %sign3A_304 : i32
      %sign3A_306 = arith.extui %sign3A_305 : i1 to i32
      %sign3A_307 = arith.subi %sign3A_303, %sign3A_306 : i32
      %sign3A_308 = arith.constant 0 : i32
      %sign3A_309 = arith.cmpi sgt, %jit3A_299, %sign3A_308 : i32
      %sign3A_310 = arith.extui %sign3A_309 : i1 to i32
      %sign3A_311 = arith.constant 0 : i32
      %sign3A_312 = arith.cmpi slt, %jit3A_299, %sign3A_311 : i32
      %sign3A_313 = arith.extui %sign3A_312 : i1 to i32
      %sign3A_314 = arith.subi %sign3A_310, %sign3A_313 : i32
      %ne3A_315 = arith.cmpi ne, %sign3A_307, %sign3A_314 : i32
      %rem3A_316 = arith.remsi %scan3A_289#0, %jit3A_299 : i32
      %ne3A_317 = arith.constant 0 : i32
      %ne3A_318 = arith.cmpi ne, %rem3A_316, %ne3A_317 : i32
      %and3A_319 = arith.andi %ne3A_315, %ne3A_318 : i1
      %sub3A_320 = arith.constant 1 : i32
      %sub3A_321 = arith.subi %div3A_300, %sub3A_320 : i32
      %select_n3A_322 = arith.select %and3A_319, %sub3A_321, %div3A_300 : i32
      %mul3A_323 = arith.constant 8 : i32
      %mul3A_324 = arith.muli %select_n3A_322, %mul3A_323 : i32
      %broadcast_in_dim3A_325 = vector.broadcast %scan3A : f32 to vector<128x256xf32>
      %while3A_326 = arith.constant 0 : i32
      %while3A_327:2 = scf.while (%while3A_544 = %while3A_326, %while3A_545 = %broadcast_in_dim3A_325) : (i32, vector<128x256xf32>) -> (i32, vector<128x256xf32>) {
        %mul3A_546 = arith.constant 128 : i32
        %mul3A_547 = arith.muli %while3A_544, %mul3A_546 : i32
        %add3A_548 = arith.addi %mul3A_324, %mul3A_547 : i32
        %lt3A = arith.cmpi slt, %add3A_548, %scan3A_298#0 : i32
        scf.condition(%lt3A) %while3A_544, %while3A_545 : i32, vector<128x256xf32>
      } do {
      ^bb0(%while3A_544: i32, %while3A_545: vector<128x256xf32>):
        %mul3A_546 = arith.constant 128 : i32
        %mul3A_547 = arith.muli %while3A_544, %mul3A_546 : i32
        %add3A_548 = arith.addi %mul3A_324, %mul3A_547 : i32
        %multiple_of3A_549 = tpu.assume_multiple %add3A_548, 8 : i32
        %get3A_550 = arith.index_cast %multiple_of3A_549 : i32 to index
        %get3A_551 = arith.constant 0 : index
        %get3A_552 = vector.load %arg17[%get3A_550, %get3A_551] : memref<10128x256xf32, #tpu.memory_space<vmem>>, vector<128x256xf32>
        %add3A_553 = vector.broadcast %multiple_of3A_549 : i32 to vector<128x256xi32>
        %add3A_554 = arith.addi %add3A_553, %iota3A : vector<128x256xi32>
        %ge3A = vector.broadcast %scan3A_289#0 : i32 to vector<128x256xi32>
        %ge3A_555 = arith.cmpi sge, %add3A_554, %ge3A : vector<128x256xi32>
        %lt3A = vector.broadcast %scan3A_298#0 : i32 to vector<128x256xi32>
        %lt3A_556 = arith.cmpi slt, %add3A_554, %lt3A : vector<128x256xi32>
        %and3A_557 = arith.andi %ge3A_555, %lt3A_556 : vector<128x256xi1>
        %add3A_558 = arith.constant 1 : i32
        %add3A_559 = arith.addi %while3A_544, %add3A_558 : i32
        %broadcast_in_dim3A_560 = vector.broadcast %scan3A : f32 to vector<128x256xf32>
        %select_n3A_561 = arith.select %and3A_557, %get3A_552, %broadcast_in_dim3A_560 : vector<128x256xi1>, vector<128x256xf32>
        %max3A_562 = arith.maximumf %while3A_545, %select_n3A_561 : vector<128x256xf32>
        scf.yield %add3A_559, %max3A_562 : i32, vector<128x256xf32>
      }
      %reduce_max3A_328 = arith.constant dense<0xFF800000> : vector<256xf32>
      %reduce_max3A_329 = vector.multi_reduction <maximumf>, %while3A_327#1, %reduce_max3A_328 [0] : vector<128x256xf32> to vector<256xf32>
      %broadcast_in_dim3A_330 = vector.shape_cast %reduce_max3A_329 : vector<256xf32> to vector<1x256xf32>
      %mul3A_331 = arith.constant 8 : i32
      %mul3A_332 = arith.muli %scan3A_130, %mul3A_331 : i32
      %add3A_333 = arith.constant 4 : i32
      %add3A_334 = arith.addi %mul3A_332, %add3A_333 : i32
      %scan3A_335 = arith.constant 0 : i32
      %scan3A_336 = arith.constant 10000 : i32
      %scan3A_337 = arith.constant 0 : i32
      %scan3A_338 = arith.constant 14 : i32
      %scan3A_339 = arith.addi %scan3A_337, %scan3A_338 : i32
      %scan3A_340 = arith.constant 1 : i32
      %scan3A_341:2 = scf.for %scan3A_544 = %scan3A_337 to %scan3A_339 step %scan3A_340 iter_args(%scan3A_545 = %scan3A_335, %scan3A_546 = %scan3A_336) -> (i32, i32)  : i32 {
        %add3A_547 = arith.addi %scan3A_545, %scan3A_546 : i32
        %jit3A_548 = arith.constant 2 : i32
        %div3A_549 = arith.divsi %add3A_547, %jit3A_548 : i32
        %sign3A_550 = arith.constant 0 : i32
        %sign3A_551 = arith.cmpi sgt, %add3A_547, %sign3A_550 : i32
        %sign3A_552 = arith.extui %sign3A_551 : i1 to i32
        %sign3A_553 = arith.constant 0 : i32
        %sign3A_554 = arith.cmpi slt, %add3A_547, %sign3A_553 : i32
        %sign3A_555 = arith.extui %sign3A_554 : i1 to i32
        %sign3A_556 = arith.subi %sign3A_552, %sign3A_555 : i32
        %sign3A_557 = arith.constant 0 : i32
        %sign3A_558 = arith.cmpi sgt, %jit3A_548, %sign3A_557 : i32
        %sign3A_559 = arith.extui %sign3A_558 : i1 to i32
        %sign3A_560 = arith.constant 0 : i32
        %sign3A_561 = arith.cmpi slt, %jit3A_548, %sign3A_560 : i32
        %sign3A_562 = arith.extui %sign3A_561 : i1 to i32
        %sign3A_563 = arith.subi %sign3A_559, %sign3A_562 : i32
        %ne3A_564 = arith.cmpi ne, %sign3A_556, %sign3A_563 : i32
        %rem3A_565 = arith.remsi %add3A_547, %jit3A_548 : i32
        %ne3A_566 = arith.constant 0 : i32
        %ne3A_567 = arith.cmpi ne, %rem3A_565, %ne3A_566 : i32
        %and3A_568 = arith.andi %ne3A_564, %ne3A_567 : i1
        %sub3A_569 = arith.constant 1 : i32
        %sub3A_570 = arith.subi %div3A_549, %sub3A_569 : i32
        %select_n3A_571 = arith.select %and3A_568, %sub3A_570, %div3A_549 : i32
        %min3A = arith.constant 9999 : i32
        %min3A_572 = arith.minsi %select_n3A_571, %min3A : i32
        %get3A_573 = arith.index_cast %min3A_572 : i32 to index
        %get3A_574 = memref.load %arg0[%get3A_573] : memref<10000xi32, #tpu.memory_space<smem>>
        %lt3A = arith.cmpi slt, %scan3A_545, %scan3A_546 : i32
        %lt3A_575 = arith.cmpi slt, %get3A_574, %add3A_334 : i32
        %and3A_576 = arith.andi %lt3A, %lt3A_575 : i1
        %convert_element_type3A = arith.extui %and3A_576 : i1 to i32
        %cond3A = arith.constant 0 : i32
        %cond3A_577 = arith.cmpi ne, %convert_element_type3A, %cond3A : i32
        %cond3A_578:2 = scf.if %cond3A_577 -> (i32, i32) {
          %add3A_579 = arith.constant 1 : i32
          %add3A_580 = arith.addi %select_n3A_571, %add3A_579 : i32
          scf.yield %add3A_580, %scan3A_546 : i32, i32
        } else {
          scf.yield %scan3A_545, %select_n3A_571 : i32, i32
        }
        scf.yield %cond3A_578#0, %cond3A_578#1 : i32, i32
      }
      %add3A_342 = arith.constant 1 : i32
      %add3A_343 = arith.addi %add3A_334, %add3A_342 : i32
      %scan3A_344 = arith.constant 0 : i32
      %scan3A_345 = arith.constant 10000 : i32
      %scan3A_346 = arith.constant 0 : i32
      %scan3A_347 = arith.constant 14 : i32
      %scan3A_348 = arith.addi %scan3A_346, %scan3A_347 : i32
      %scan3A_349 = arith.constant 1 : i32
      %scan3A_350:2 = scf.for %scan3A_544 = %scan3A_346 to %scan3A_348 step %scan3A_349 iter_args(%scan3A_545 = %scan3A_344, %scan3A_546 = %scan3A_345) -> (i32, i32)  : i32 {
        %add3A_547 = arith.addi %scan3A_545, %scan3A_546 : i32
        %jit3A_548 = arith.constant 2 : i32
        %div3A_549 = arith.divsi %add3A_547, %jit3A_548 : i32
        %sign3A_550 = arith.constant 0 : i32
        %sign3A_551 = arith.cmpi sgt, %add3A_547, %sign3A_550 : i32
        %sign3A_552 = arith.extui %sign3A_551 : i1 to i32
        %sign3A_553 = arith.constant 0 : i32
        %sign3A_554 = arith.cmpi slt, %add3A_547, %sign3A_553 : i32
        %sign3A_555 = arith.extui %sign3A_554 : i1 to i32
        %sign3A_556 = arith.subi %sign3A_552, %sign3A_555 : i32
        %sign3A_557 = arith.constant 0 : i32
        %sign3A_558 = arith.cmpi sgt, %jit3A_548, %sign3A_557 : i32
        %sign3A_559 = arith.extui %sign3A_558 : i1 to i32
        %sign3A_560 = arith.constant 0 : i32
        %sign3A_561 = arith.cmpi slt, %jit3A_548, %sign3A_560 : i32
        %sign3A_562 = arith.extui %sign3A_561 : i1 to i32
        %sign3A_563 = arith.subi %sign3A_559, %sign3A_562 : i32
        %ne3A_564 = arith.cmpi ne, %sign3A_556, %sign3A_563 : i32
        %rem3A_565 = arith.remsi %add3A_547, %jit3A_548 : i32
        %ne3A_566 = arith.constant 0 : i32
        %ne3A_567 = arith.cmpi ne, %rem3A_565, %ne3A_566 : i32
        %and3A_568 = arith.andi %ne3A_564, %ne3A_567 : i1
        %sub3A_569 = arith.constant 1 : i32
        %sub3A_570 = arith.subi %div3A_549, %sub3A_569 : i32
        %select_n3A_571 = arith.select %and3A_568, %sub3A_570, %div3A_549 : i32
        %min3A = arith.constant 9999 : i32
        %min3A_572 = arith.minsi %select_n3A_571, %min3A : i32
        %get3A_573 = arith.index_cast %min3A_572 : i32 to index
        %get3A_574 = memref.load %arg0[%get3A_573] : memref<10000xi32, #tpu.memory_space<smem>>
        %lt3A = arith.cmpi slt, %scan3A_545, %scan3A_546 : i32
        %lt3A_575 = arith.cmpi slt, %get3A_574, %add3A_343 : i32
        %and3A_576 = arith.andi %lt3A, %lt3A_575 : i1
        %convert_element_type3A = arith.extui %and3A_576 : i1 to i32
        %cond3A = arith.constant 0 : i32
        %cond3A_577 = arith.cmpi ne, %convert_element_type3A, %cond3A : i32
        %cond3A_578:2 = scf.if %cond3A_577 -> (i32, i32) {
          %add3A_579 = arith.constant 1 : i32
          %add3A_580 = arith.addi %select_n3A_571, %add3A_579 : i32
          scf.yield %add3A_580, %scan3A_546 : i32, i32
        } else {
          scf.yield %scan3A_545, %select_n3A_571 : i32, i32
        }
        scf.yield %cond3A_578#0, %cond3A_578#1 : i32, i32
      }
      %jit3A_351 = arith.constant 8 : i32
      %div3A_352 = arith.divsi %scan3A_341#0, %jit3A_351 : i32
      %sign3A_353 = arith.constant 0 : i32
      %sign3A_354 = arith.cmpi sgt, %scan3A_341#0, %sign3A_353 : i32
      %sign3A_355 = arith.extui %sign3A_354 : i1 to i32
      %sign3A_356 = arith.constant 0 : i32
      %sign3A_357 = arith.cmpi slt, %scan3A_341#0, %sign3A_356 : i32
      %sign3A_358 = arith.extui %sign3A_357 : i1 to i32
      %sign3A_359 = arith.subi %sign3A_355, %sign3A_358 : i32
      %sign3A_360 = arith.constant 0 : i32
      %sign3A_361 = arith.cmpi sgt, %jit3A_351, %sign3A_360 : i32
      %sign3A_362 = arith.extui %sign3A_361 : i1 to i32
      %sign3A_363 = arith.constant 0 : i32
      %sign3A_364 = arith.cmpi slt, %jit3A_351, %sign3A_363 : i32
      %sign3A_365 = arith.extui %sign3A_364 : i1 to i32
      %sign3A_366 = arith.subi %sign3A_362, %sign3A_365 : i32
      %ne3A_367 = arith.cmpi ne, %sign3A_359, %sign3A_366 : i32
      %rem3A_368 = arith.remsi %scan3A_341#0, %jit3A_351 : i32
      %ne3A_369 = arith.constant 0 : i32
      %ne3A_370 = arith.cmpi ne, %rem3A_368, %ne3A_369 : i32
      %and3A_371 = arith.andi %ne3A_367, %ne3A_370 : i1
      %sub3A_372 = arith.constant 1 : i32
      %sub3A_373 = arith.subi %div3A_352, %sub3A_372 : i32
      %select_n3A_374 = arith.select %and3A_371, %sub3A_373, %div3A_352 : i32
      %mul3A_375 = arith.constant 8 : i32
      %mul3A_376 = arith.muli %select_n3A_374, %mul3A_375 : i32
      %broadcast_in_dim3A_377 = vector.broadcast %scan3A : f32 to vector<128x256xf32>
      %while3A_378 = arith.constant 0 : i32
      %while3A_379:2 = scf.while (%while3A_544 = %while3A_378, %while3A_545 = %broadcast_in_dim3A_377) : (i32, vector<128x256xf32>) -> (i32, vector<128x256xf32>) {
        %mul3A_546 = arith.constant 128 : i32
        %mul3A_547 = arith.muli %while3A_544, %mul3A_546 : i32
        %add3A_548 = arith.addi %mul3A_376, %mul3A_547 : i32
        %lt3A = arith.cmpi slt, %add3A_548, %scan3A_350#0 : i32
        scf.condition(%lt3A) %while3A_544, %while3A_545 : i32, vector<128x256xf32>
      } do {
      ^bb0(%while3A_544: i32, %while3A_545: vector<128x256xf32>):
        %mul3A_546 = arith.constant 128 : i32
        %mul3A_547 = arith.muli %while3A_544, %mul3A_546 : i32
        %add3A_548 = arith.addi %mul3A_376, %mul3A_547 : i32
        %multiple_of3A_549 = tpu.assume_multiple %add3A_548, 8 : i32
        %get3A_550 = arith.index_cast %multiple_of3A_549 : i32 to index
        %get3A_551 = arith.constant 0 : index
        %get3A_552 = vector.load %arg17[%get3A_550, %get3A_551] : memref<10128x256xf32, #tpu.memory_space<vmem>>, vector<128x256xf32>
        %add3A_553 = vector.broadcast %multiple_of3A_549 : i32 to vector<128x256xi32>
        %add3A_554 = arith.addi %add3A_553, %iota3A : vector<128x256xi32>
        %ge3A = vector.broadcast %scan3A_341#0 : i32 to vector<128x256xi32>
        %ge3A_555 = arith.cmpi sge, %add3A_554, %ge3A : vector<128x256xi32>
        %lt3A = vector.broadcast %scan3A_350#0 : i32 to vector<128x256xi32>
        %lt3A_556 = arith.cmpi slt, %add3A_554, %lt3A : vector<128x256xi32>
        %and3A_557 = arith.andi %ge3A_555, %lt3A_556 : vector<128x256xi1>
        %add3A_558 = arith.constant 1 : i32
        %add3A_559 = arith.addi %while3A_544, %add3A_558 : i32
        %broadcast_in_dim3A_560 = vector.broadcast %scan3A : f32 to vector<128x256xf32>
        %select_n3A_561 = arith.select %and3A_557, %get3A_552, %broadcast_in_dim3A_560 : vector<128x256xi1>, vector<128x256xf32>
        %max3A_562 = arith.maximumf %while3A_545, %select_n3A_561 : vector<128x256xf32>
        scf.yield %add3A_559, %max3A_562 : i32, vector<128x256xf32>
      }
      %reduce_max3A_380 = arith.constant dense<0xFF800000> : vector<256xf32>
      %reduce_max3A_381 = vector.multi_reduction <maximumf>, %while3A_379#1, %reduce_max3A_380 [0] : vector<128x256xf32> to vector<256xf32>
      %broadcast_in_dim3A_382 = vector.shape_cast %reduce_max3A_381 : vector<256xf32> to vector<1x256xf32>
      %mul3A_383 = arith.constant 8 : i32
      %mul3A_384 = arith.muli %scan3A_130, %mul3A_383 : i32
      %add3A_385 = arith.constant 5 : i32
      %add3A_386 = arith.addi %mul3A_384, %add3A_385 : i32
      %scan3A_387 = arith.constant 0 : i32
      %scan3A_388 = arith.constant 10000 : i32
      %scan3A_389 = arith.constant 0 : i32
      %scan3A_390 = arith.constant 14 : i32
      %scan3A_391 = arith.addi %scan3A_389, %scan3A_390 : i32
      %scan3A_392 = arith.constant 1 : i32
      %scan3A_393:2 = scf.for %scan3A_544 = %scan3A_389 to %scan3A_391 step %scan3A_392 iter_args(%scan3A_545 = %scan3A_387, %scan3A_546 = %scan3A_388) -> (i32, i32)  : i32 {
        %add3A_547 = arith.addi %scan3A_545, %scan3A_546 : i32
        %jit3A_548 = arith.constant 2 : i32
        %div3A_549 = arith.divsi %add3A_547, %jit3A_548 : i32
        %sign3A_550 = arith.constant 0 : i32
        %sign3A_551 = arith.cmpi sgt, %add3A_547, %sign3A_550 : i32
        %sign3A_552 = arith.extui %sign3A_551 : i1 to i32
        %sign3A_553 = arith.constant 0 : i32
        %sign3A_554 = arith.cmpi slt, %add3A_547, %sign3A_553 : i32
        %sign3A_555 = arith.extui %sign3A_554 : i1 to i32
        %sign3A_556 = arith.subi %sign3A_552, %sign3A_555 : i32
        %sign3A_557 = arith.constant 0 : i32
        %sign3A_558 = arith.cmpi sgt, %jit3A_548, %sign3A_557 : i32
        %sign3A_559 = arith.extui %sign3A_558 : i1 to i32
        %sign3A_560 = arith.constant 0 : i32
        %sign3A_561 = arith.cmpi slt, %jit3A_548, %sign3A_560 : i32
        %sign3A_562 = arith.extui %sign3A_561 : i1 to i32
        %sign3A_563 = arith.subi %sign3A_559, %sign3A_562 : i32
        %ne3A_564 = arith.cmpi ne, %sign3A_556, %sign3A_563 : i32
        %rem3A_565 = arith.remsi %add3A_547, %jit3A_548 : i32
        %ne3A_566 = arith.constant 0 : i32
        %ne3A_567 = arith.cmpi ne, %rem3A_565, %ne3A_566 : i32
        %and3A_568 = arith.andi %ne3A_564, %ne3A_567 : i1
        %sub3A_569 = arith.constant 1 : i32
        %sub3A_570 = arith.subi %div3A_549, %sub3A_569 : i32
        %select_n3A_571 = arith.select %and3A_568, %sub3A_570, %div3A_549 : i32
        %min3A = arith.constant 9999 : i32
        %min3A_572 = arith.minsi %select_n3A_571, %min3A : i32
        %get3A_573 = arith.index_cast %min3A_572 : i32 to index
        %get3A_574 = memref.load %arg0[%get3A_573] : memref<10000xi32, #tpu.memory_space<smem>>
        %lt3A = arith.cmpi slt, %scan3A_545, %scan3A_546 : i32
        %lt3A_575 = arith.cmpi slt, %get3A_574, %add3A_386 : i32
        %and3A_576 = arith.andi %lt3A, %lt3A_575 : i1
        %convert_element_type3A = arith.extui %and3A_576 : i1 to i32
        %cond3A = arith.constant 0 : i32
        %cond3A_577 = arith.cmpi ne, %convert_element_type3A, %cond3A : i32
        %cond3A_578:2 = scf.if %cond3A_577 -> (i32, i32) {
          %add3A_579 = arith.constant 1 : i32
          %add3A_580 = arith.addi %select_n3A_571, %add3A_579 : i32
          scf.yield %add3A_580, %scan3A_546 : i32, i32
        } else {
          scf.yield %scan3A_545, %select_n3A_571 : i32, i32
        }
        scf.yield %cond3A_578#0, %cond3A_578#1 : i32, i32
      }
      %add3A_394 = arith.constant 1 : i32
      %add3A_395 = arith.addi %add3A_386, %add3A_394 : i32
      %scan3A_396 = arith.constant 0 : i32
      %scan3A_397 = arith.constant 10000 : i32
      %scan3A_398 = arith.constant 0 : i32
      %scan3A_399 = arith.constant 14 : i32
      %scan3A_400 = arith.addi %scan3A_398, %scan3A_399 : i32
      %scan3A_401 = arith.constant 1 : i32
      %scan3A_402:2 = scf.for %scan3A_544 = %scan3A_398 to %scan3A_400 step %scan3A_401 iter_args(%scan3A_545 = %scan3A_396, %scan3A_546 = %scan3A_397) -> (i32, i32)  : i32 {
        %add3A_547 = arith.addi %scan3A_545, %scan3A_546 : i32
        %jit3A_548 = arith.constant 2 : i32
        %div3A_549 = arith.divsi %add3A_547, %jit3A_548 : i32
        %sign3A_550 = arith.constant 0 : i32
        %sign3A_551 = arith.cmpi sgt, %add3A_547, %sign3A_550 : i32
        %sign3A_552 = arith.extui %sign3A_551 : i1 to i32
        %sign3A_553 = arith.constant 0 : i32
        %sign3A_554 = arith.cmpi slt, %add3A_547, %sign3A_553 : i32
        %sign3A_555 = arith.extui %sign3A_554 : i1 to i32
        %sign3A_556 = arith.subi %sign3A_552, %sign3A_555 : i32
        %sign3A_557 = arith.constant 0 : i32
        %sign3A_558 = arith.cmpi sgt, %jit3A_548, %sign3A_557 : i32
        %sign3A_559 = arith.extui %sign3A_558 : i1 to i32
        %sign3A_560 = arith.constant 0 : i32
        %sign3A_561 = arith.cmpi slt, %jit3A_548, %sign3A_560 : i32
        %sign3A_562 = arith.extui %sign3A_561 : i1 to i32
        %sign3A_563 = arith.subi %sign3A_559, %sign3A_562 : i32
        %ne3A_564 = arith.cmpi ne, %sign3A_556, %sign3A_563 : i32
        %rem3A_565 = arith.remsi %add3A_547, %jit3A_548 : i32
        %ne3A_566 = arith.constant 0 : i32
        %ne3A_567 = arith.cmpi ne, %rem3A_565, %ne3A_566 : i32
        %and3A_568 = arith.andi %ne3A_564, %ne3A_567 : i1
        %sub3A_569 = arith.constant 1 : i32
        %sub3A_570 = arith.subi %div3A_549, %sub3A_569 : i32
        %select_n3A_571 = arith.select %and3A_568, %sub3A_570, %div3A_549 : i32
        %min3A = arith.constant 9999 : i32
        %min3A_572 = arith.minsi %select_n3A_571, %min3A : i32
        %get3A_573 = arith.index_cast %min3A_572 : i32 to index
        %get3A_574 = memref.load %arg0[%get3A_573] : memref<10000xi32, #tpu.memory_space<smem>>
        %lt3A = arith.cmpi slt, %scan3A_545, %scan3A_546 : i32
        %lt3A_575 = arith.cmpi slt, %get3A_574, %add3A_395 : i32
        %and3A_576 = arith.andi %lt3A, %lt3A_575 : i1
        %convert_element_type3A = arith.extui %and3A_576 : i1 to i32
        %cond3A = arith.constant 0 : i32
        %cond3A_577 = arith.cmpi ne, %convert_element_type3A, %cond3A : i32
        %cond3A_578:2 = scf.if %cond3A_577 -> (i32, i32) {
          %add3A_579 = arith.constant 1 : i32
          %add3A_580 = arith.addi %select_n3A_571, %add3A_579 : i32
          scf.yield %add3A_580, %scan3A_546 : i32, i32
        } else {
          scf.yield %scan3A_545, %select_n3A_571 : i32, i32
        }
        scf.yield %cond3A_578#0, %cond3A_578#1 : i32, i32
      }
      %jit3A_403 = arith.constant 8 : i32
      %div3A_404 = arith.divsi %scan3A_393#0, %jit3A_403 : i32
      %sign3A_405 = arith.constant 0 : i32
      %sign3A_406 = arith.cmpi sgt, %scan3A_393#0, %sign3A_405 : i32
      %sign3A_407 = arith.extui %sign3A_406 : i1 to i32
      %sign3A_408 = arith.constant 0 : i32
      %sign3A_409 = arith.cmpi slt, %scan3A_393#0, %sign3A_408 : i32
      %sign3A_410 = arith.extui %sign3A_409 : i1 to i32
      %sign3A_411 = arith.subi %sign3A_407, %sign3A_410 : i32
      %sign3A_412 = arith.constant 0 : i32
      %sign3A_413 = arith.cmpi sgt, %jit3A_403, %sign3A_412 : i32
      %sign3A_414 = arith.extui %sign3A_413 : i1 to i32
      %sign3A_415 = arith.constant 0 : i32
      %sign3A_416 = arith.cmpi slt, %jit3A_403, %sign3A_415 : i32
      %sign3A_417 = arith.extui %sign3A_416 : i1 to i32
      %sign3A_418 = arith.subi %sign3A_414, %sign3A_417 : i32
      %ne3A_419 = arith.cmpi ne, %sign3A_411, %sign3A_418 : i32
      %rem3A_420 = arith.remsi %scan3A_393#0, %jit3A_403 : i32
      %ne3A_421 = arith.constant 0 : i32
      %ne3A_422 = arith.cmpi ne, %rem3A_420, %ne3A_421 : i32
      %and3A_423 = arith.andi %ne3A_419, %ne3A_422 : i1
      %sub3A_424 = arith.constant 1 : i32
      %sub3A_425 = arith.subi %div3A_404, %sub3A_424 : i32
      %select_n3A_426 = arith.select %and3A_423, %sub3A_425, %div3A_404 : i32
      %mul3A_427 = arith.constant 8 : i32
      %mul3A_428 = arith.muli %select_n3A_426, %mul3A_427 : i32
      %broadcast_in_dim3A_429 = vector.broadcast %scan3A : f32 to vector<128x256xf32>
      %while3A_430 = arith.constant 0 : i32
      %while3A_431:2 = scf.while (%while3A_544 = %while3A_430, %while3A_545 = %broadcast_in_dim3A_429) : (i32, vector<128x256xf32>) -> (i32, vector<128x256xf32>) {
        %mul3A_546 = arith.constant 128 : i32
        %mul3A_547 = arith.muli %while3A_544, %mul3A_546 : i32
        %add3A_548 = arith.addi %mul3A_428, %mul3A_547 : i32
        %lt3A = arith.cmpi slt, %add3A_548, %scan3A_402#0 : i32
        scf.condition(%lt3A) %while3A_544, %while3A_545 : i32, vector<128x256xf32>
      } do {
      ^bb0(%while3A_544: i32, %while3A_545: vector<128x256xf32>):
        %mul3A_546 = arith.constant 128 : i32
        %mul3A_547 = arith.muli %while3A_544, %mul3A_546 : i32
        %add3A_548 = arith.addi %mul3A_428, %mul3A_547 : i32
        %multiple_of3A_549 = tpu.assume_multiple %add3A_548, 8 : i32
        %get3A_550 = arith.index_cast %multiple_of3A_549 : i32 to index
        %get3A_551 = arith.constant 0 : index
        %get3A_552 = vector.load %arg17[%get3A_550, %get3A_551] : memref<10128x256xf32, #tpu.memory_space<vmem>>, vector<128x256xf32>
        %add3A_553 = vector.broadcast %multiple_of3A_549 : i32 to vector<128x256xi32>
        %add3A_554 = arith.addi %add3A_553, %iota3A : vector<128x256xi32>
        %ge3A = vector.broadcast %scan3A_393#0 : i32 to vector<128x256xi32>
        %ge3A_555 = arith.cmpi sge, %add3A_554, %ge3A : vector<128x256xi32>
        %lt3A = vector.broadcast %scan3A_402#0 : i32 to vector<128x256xi32>
        %lt3A_556 = arith.cmpi slt, %add3A_554, %lt3A : vector<128x256xi32>
        %and3A_557 = arith.andi %ge3A_555, %lt3A_556 : vector<128x256xi1>
        %add3A_558 = arith.constant 1 : i32
        %add3A_559 = arith.addi %while3A_544, %add3A_558 : i32
        %broadcast_in_dim3A_560 = vector.broadcast %scan3A : f32 to vector<128x256xf32>
        %select_n3A_561 = arith.select %and3A_557, %get3A_552, %broadcast_in_dim3A_560 : vector<128x256xi1>, vector<128x256xf32>
        %max3A_562 = arith.maximumf %while3A_545, %select_n3A_561 : vector<128x256xf32>
        scf.yield %add3A_559, %max3A_562 : i32, vector<128x256xf32>
      }
      %reduce_max3A_432 = arith.constant dense<0xFF800000> : vector<256xf32>
      %reduce_max3A_433 = vector.multi_reduction <maximumf>, %while3A_431#1, %reduce_max3A_432 [0] : vector<128x256xf32> to vector<256xf32>
      %broadcast_in_dim3A_434 = vector.shape_cast %reduce_max3A_433 : vector<256xf32> to vector<1x256xf32>
      %mul3A_435 = arith.constant 8 : i32
      %mul3A_436 = arith.muli %scan3A_130, %mul3A_435 : i32
      %add3A_437 = arith.constant 6 : i32
      %add3A_438 = arith.addi %mul3A_436, %add3A_437 : i32
      %scan3A_439 = arith.constant 0 : i32
      %scan3A_440 = arith.constant 10000 : i32
      %scan3A_441 = arith.constant 0 : i32
      %scan3A_442 = arith.constant 14 : i32
      %scan3A_443 = arith.addi %scan3A_441, %scan3A_442 : i32
      %scan3A_444 = arith.constant 1 : i32
      %scan3A_445:2 = scf.for %scan3A_544 = %scan3A_441 to %scan3A_443 step %scan3A_444 iter_args(%scan3A_545 = %scan3A_439, %scan3A_546 = %scan3A_440) -> (i32, i32)  : i32 {
        %add3A_547 = arith.addi %scan3A_545, %scan3A_546 : i32
        %jit3A_548 = arith.constant 2 : i32
        %div3A_549 = arith.divsi %add3A_547, %jit3A_548 : i32
        %sign3A_550 = arith.constant 0 : i32
        %sign3A_551 = arith.cmpi sgt, %add3A_547, %sign3A_550 : i32
        %sign3A_552 = arith.extui %sign3A_551 : i1 to i32
        %sign3A_553 = arith.constant 0 : i32
        %sign3A_554 = arith.cmpi slt, %add3A_547, %sign3A_553 : i32
        %sign3A_555 = arith.extui %sign3A_554 : i1 to i32
        %sign3A_556 = arith.subi %sign3A_552, %sign3A_555 : i32
        %sign3A_557 = arith.constant 0 : i32
        %sign3A_558 = arith.cmpi sgt, %jit3A_548, %sign3A_557 : i32
        %sign3A_559 = arith.extui %sign3A_558 : i1 to i32
        %sign3A_560 = arith.constant 0 : i32
        %sign3A_561 = arith.cmpi slt, %jit3A_548, %sign3A_560 : i32
        %sign3A_562 = arith.extui %sign3A_561 : i1 to i32
        %sign3A_563 = arith.subi %sign3A_559, %sign3A_562 : i32
        %ne3A_564 = arith.cmpi ne, %sign3A_556, %sign3A_563 : i32
        %rem3A_565 = arith.remsi %add3A_547, %jit3A_548 : i32
        %ne3A_566 = arith.constant 0 : i32
        %ne3A_567 = arith.cmpi ne, %rem3A_565, %ne3A_566 : i32
        %and3A_568 = arith.andi %ne3A_564, %ne3A_567 : i1
        %sub3A_569 = arith.constant 1 : i32
        %sub3A_570 = arith.subi %div3A_549, %sub3A_569 : i32
        %select_n3A_571 = arith.select %and3A_568, %sub3A_570, %div3A_549 : i32
        %min3A = arith.constant 9999 : i32
        %min3A_572 = arith.minsi %select_n3A_571, %min3A : i32
        %get3A_573 = arith.index_cast %min3A_572 : i32 to index
        %get3A_574 = memref.load %arg0[%get3A_573] : memref<10000xi32, #tpu.memory_space<smem>>
        %lt3A = arith.cmpi slt, %scan3A_545, %scan3A_546 : i32
        %lt3A_575 = arith.cmpi slt, %get3A_574, %add3A_438 : i32
        %and3A_576 = arith.andi %lt3A, %lt3A_575 : i1
        %convert_element_type3A = arith.extui %and3A_576 : i1 to i32
        %cond3A = arith.constant 0 : i32
        %cond3A_577 = arith.cmpi ne, %convert_element_type3A, %cond3A : i32
        %cond3A_578:2 = scf.if %cond3A_577 -> (i32, i32) {
          %add3A_579 = arith.constant 1 : i32
          %add3A_580 = arith.addi %select_n3A_571, %add3A_579 : i32
          scf.yield %add3A_580, %scan3A_546 : i32, i32
        } else {
          scf.yield %scan3A_545, %select_n3A_571 : i32, i32
        }
        scf.yield %cond3A_578#0, %cond3A_578#1 : i32, i32
      }
      %add3A_446 = arith.constant 1 : i32
      %add3A_447 = arith.addi %add3A_438, %add3A_446 : i32
      %scan3A_448 = arith.constant 0 : i32
      %scan3A_449 = arith.constant 10000 : i32
      %scan3A_450 = arith.constant 0 : i32
      %scan3A_451 = arith.constant 14 : i32
      %scan3A_452 = arith.addi %scan3A_450, %scan3A_451 : i32
      %scan3A_453 = arith.constant 1 : i32
      %scan3A_454:2 = scf.for %scan3A_544 = %scan3A_450 to %scan3A_452 step %scan3A_453 iter_args(%scan3A_545 = %scan3A_448, %scan3A_546 = %scan3A_449) -> (i32, i32)  : i32 {
        %add3A_547 = arith.addi %scan3A_545, %scan3A_546 : i32
        %jit3A_548 = arith.constant 2 : i32
        %div3A_549 = arith.divsi %add3A_547, %jit3A_548 : i32
        %sign3A_550 = arith.constant 0 : i32
        %sign3A_551 = arith.cmpi sgt, %add3A_547, %sign3A_550 : i32
        %sign3A_552 = arith.extui %sign3A_551 : i1 to i32
        %sign3A_553 = arith.constant 0 : i32
        %sign3A_554 = arith.cmpi slt, %add3A_547, %sign3A_553 : i32
        %sign3A_555 = arith.extui %sign3A_554 : i1 to i32
        %sign3A_556 = arith.subi %sign3A_552, %sign3A_555 : i32
        %sign3A_557 = arith.constant 0 : i32
        %sign3A_558 = arith.cmpi sgt, %jit3A_548, %sign3A_557 : i32
        %sign3A_559 = arith.extui %sign3A_558 : i1 to i32
        %sign3A_560 = arith.constant 0 : i32
        %sign3A_561 = arith.cmpi slt, %jit3A_548, %sign3A_560 : i32
        %sign3A_562 = arith.extui %sign3A_561 : i1 to i32
        %sign3A_563 = arith.subi %sign3A_559, %sign3A_562 : i32
        %ne3A_564 = arith.cmpi ne, %sign3A_556, %sign3A_563 : i32
        %rem3A_565 = arith.remsi %add3A_547, %jit3A_548 : i32
        %ne3A_566 = arith.constant 0 : i32
        %ne3A_567 = arith.cmpi ne, %rem3A_565, %ne3A_566 : i32
        %and3A_568 = arith.andi %ne3A_564, %ne3A_567 : i1
        %sub3A_569 = arith.constant 1 : i32
        %sub3A_570 = arith.subi %div3A_549, %sub3A_569 : i32
        %select_n3A_571 = arith.select %and3A_568, %sub3A_570, %div3A_549 : i32
        %min3A = arith.constant 9999 : i32
        %min3A_572 = arith.minsi %select_n3A_571, %min3A : i32
        %get3A_573 = arith.index_cast %min3A_572 : i32 to index
        %get3A_574 = memref.load %arg0[%get3A_573] : memref<10000xi32, #tpu.memory_space<smem>>
        %lt3A = arith.cmpi slt, %scan3A_545, %scan3A_546 : i32
        %lt3A_575 = arith.cmpi slt, %get3A_574, %add3A_447 : i32
        %and3A_576 = arith.andi %lt3A, %lt3A_575 : i1
        %convert_element_type3A = arith.extui %and3A_576 : i1 to i32
        %cond3A = arith.constant 0 : i32
        %cond3A_577 = arith.cmpi ne, %convert_element_type3A, %cond3A : i32
        %cond3A_578:2 = scf.if %cond3A_577 -> (i32, i32) {
          %add3A_579 = arith.constant 1 : i32
          %add3A_580 = arith.addi %select_n3A_571, %add3A_579 : i32
          scf.yield %add3A_580, %scan3A_546 : i32, i32
        } else {
          scf.yield %scan3A_545, %select_n3A_571 : i32, i32
        }
        scf.yield %cond3A_578#0, %cond3A_578#1 : i32, i32
      }
      %jit3A_455 = arith.constant 8 : i32
      %div3A_456 = arith.divsi %scan3A_445#0, %jit3A_455 : i32
      %sign3A_457 = arith.constant 0 : i32
      %sign3A_458 = arith.cmpi sgt, %scan3A_445#0, %sign3A_457 : i32
      %sign3A_459 = arith.extui %sign3A_458 : i1 to i32
      %sign3A_460 = arith.constant 0 : i32
      %sign3A_461 = arith.cmpi slt, %scan3A_445#0, %sign3A_460 : i32
      %sign3A_462 = arith.extui %sign3A_461 : i1 to i32
      %sign3A_463 = arith.subi %sign3A_459, %sign3A_462 : i32
      %sign3A_464 = arith.constant 0 : i32
      %sign3A_465 = arith.cmpi sgt, %jit3A_455, %sign3A_464 : i32
      %sign3A_466 = arith.extui %sign3A_465 : i1 to i32
      %sign3A_467 = arith.constant 0 : i32
      %sign3A_468 = arith.cmpi slt, %jit3A_455, %sign3A_467 : i32
      %sign3A_469 = arith.extui %sign3A_468 : i1 to i32
      %sign3A_470 = arith.subi %sign3A_466, %sign3A_469 : i32
      %ne3A_471 = arith.cmpi ne, %sign3A_463, %sign3A_470 : i32
      %rem3A_472 = arith.remsi %scan3A_445#0, %jit3A_455 : i32
      %ne3A_473 = arith.constant 0 : i32
      %ne3A_474 = arith.cmpi ne, %rem3A_472, %ne3A_473 : i32
      %and3A_475 = arith.andi %ne3A_471, %ne3A_474 : i1
      %sub3A_476 = arith.constant 1 : i32
      %sub3A_477 = arith.subi %div3A_456, %sub3A_476 : i32
      %select_n3A_478 = arith.select %and3A_475, %sub3A_477, %div3A_456 : i32
      %mul3A_479 = arith.constant 8 : i32
      %mul3A_480 = arith.muli %select_n3A_478, %mul3A_479 : i32
      %broadcast_in_dim3A_481 = vector.broadcast %scan3A : f32 to vector<128x256xf32>
      %while3A_482 = arith.constant 0 : i32
      %while3A_483:2 = scf.while (%while3A_544 = %while3A_482, %while3A_545 = %broadcast_in_dim3A_481) : (i32, vector<128x256xf32>) -> (i32, vector<128x256xf32>) {
        %mul3A_546 = arith.constant 128 : i32
        %mul3A_547 = arith.muli %while3A_544, %mul3A_546 : i32
        %add3A_548 = arith.addi %mul3A_480, %mul3A_547 : i32
        %lt3A = arith.cmpi slt, %add3A_548, %scan3A_454#0 : i32
        scf.condition(%lt3A) %while3A_544, %while3A_545 : i32, vector<128x256xf32>
      } do {
      ^bb0(%while3A_544: i32, %while3A_545: vector<128x256xf32>):
        %mul3A_546 = arith.constant 128 : i32
        %mul3A_547 = arith.muli %while3A_544, %mul3A_546 : i32
        %add3A_548 = arith.addi %mul3A_480, %mul3A_547 : i32
        %multiple_of3A_549 = tpu.assume_multiple %add3A_548, 8 : i32
        %get3A_550 = arith.index_cast %multiple_of3A_549 : i32 to index
        %get3A_551 = arith.constant 0 : index
        %get3A_552 = vector.load %arg17[%get3A_550, %get3A_551] : memref<10128x256xf32, #tpu.memory_space<vmem>>, vector<128x256xf32>
        %add3A_553 = vector.broadcast %multiple_of3A_549 : i32 to vector<128x256xi32>
        %add3A_554 = arith.addi %add3A_553, %iota3A : vector<128x256xi32>
        %ge3A = vector.broadcast %scan3A_445#0 : i32 to vector<128x256xi32>
        %ge3A_555 = arith.cmpi sge, %add3A_554, %ge3A : vector<128x256xi32>
        %lt3A = vector.broadcast %scan3A_454#0 : i32 to vector<128x256xi32>
        %lt3A_556 = arith.cmpi slt, %add3A_554, %lt3A : vector<128x256xi32>
        %and3A_557 = arith.andi %ge3A_555, %lt3A_556 : vector<128x256xi1>
        %add3A_558 = arith.constant 1 : i32
        %add3A_559 = arith.addi %while3A_544, %add3A_558 : i32
        %broadcast_in_dim3A_560 = vector.broadcast %scan3A : f32 to vector<128x256xf32>
        %select_n3A_561 = arith.select %and3A_557, %get3A_552, %broadcast_in_dim3A_560 : vector<128x256xi1>, vector<128x256xf32>
        %max3A_562 = arith.maximumf %while3A_545, %select_n3A_561 : vector<128x256xf32>
        scf.yield %add3A_559, %max3A_562 : i32, vector<128x256xf32>
      }
      %reduce_max3A_484 = arith.constant dense<0xFF800000> : vector<256xf32>
      %reduce_max3A_485 = vector.multi_reduction <maximumf>, %while3A_483#1, %reduce_max3A_484 [0] : vector<128x256xf32> to vector<256xf32>
      %broadcast_in_dim3A_486 = vector.shape_cast %reduce_max3A_485 : vector<256xf32> to vector<1x256xf32>
      %mul3A_487 = arith.constant 8 : i32
      %mul3A_488 = arith.muli %scan3A_130, %mul3A_487 : i32
      %add3A_489 = arith.constant 7 : i32
      %add3A_490 = arith.addi %mul3A_488, %add3A_489 : i32
      %scan3A_491 = arith.constant 0 : i32
      %scan3A_492 = arith.constant 10000 : i32
      %scan3A_493 = arith.constant 0 : i32
      %scan3A_494 = arith.constant 14 : i32
      %scan3A_495 = arith.addi %scan3A_493, %scan3A_494 : i32
      %scan3A_496 = arith.constant 1 : i32
      %scan3A_497:2 = scf.for %scan3A_544 = %scan3A_493 to %scan3A_495 step %scan3A_496 iter_args(%scan3A_545 = %scan3A_491, %scan3A_546 = %scan3A_492) -> (i32, i32)  : i32 {
        %add3A_547 = arith.addi %scan3A_545, %scan3A_546 : i32
        %jit3A_548 = arith.constant 2 : i32
        %div3A_549 = arith.divsi %add3A_547, %jit3A_548 : i32
        %sign3A_550 = arith.constant 0 : i32
        %sign3A_551 = arith.cmpi sgt, %add3A_547, %sign3A_550 : i32
        %sign3A_552 = arith.extui %sign3A_551 : i1 to i32
        %sign3A_553 = arith.constant 0 : i32
        %sign3A_554 = arith.cmpi slt, %add3A_547, %sign3A_553 : i32
        %sign3A_555 = arith.extui %sign3A_554 : i1 to i32
        %sign3A_556 = arith.subi %sign3A_552, %sign3A_555 : i32
        %sign3A_557 = arith.constant 0 : i32
        %sign3A_558 = arith.cmpi sgt, %jit3A_548, %sign3A_557 : i32
        %sign3A_559 = arith.extui %sign3A_558 : i1 to i32
        %sign3A_560 = arith.constant 0 : i32
        %sign3A_561 = arith.cmpi slt, %jit3A_548, %sign3A_560 : i32
        %sign3A_562 = arith.extui %sign3A_561 : i1 to i32
        %sign3A_563 = arith.subi %sign3A_559, %sign3A_562 : i32
        %ne3A_564 = arith.cmpi ne, %sign3A_556, %sign3A_563 : i32
        %rem3A_565 = arith.remsi %add3A_547, %jit3A_548 : i32
        %ne3A_566 = arith.constant 0 : i32
        %ne3A_567 = arith.cmpi ne, %rem3A_565, %ne3A_566 : i32
        %and3A_568 = arith.andi %ne3A_564, %ne3A_567 : i1
        %sub3A_569 = arith.constant 1 : i32
        %sub3A_570 = arith.subi %div3A_549, %sub3A_569 : i32
        %select_n3A_571 = arith.select %and3A_568, %sub3A_570, %div3A_549 : i32
        %min3A = arith.constant 9999 : i32
        %min3A_572 = arith.minsi %select_n3A_571, %min3A : i32
        %get3A_573 = arith.index_cast %min3A_572 : i32 to index
        %get3A_574 = memref.load %arg0[%get3A_573] : memref<10000xi32, #tpu.memory_space<smem>>
        %lt3A = arith.cmpi slt, %scan3A_545, %scan3A_546 : i32
        %lt3A_575 = arith.cmpi slt, %get3A_574, %add3A_490 : i32
        %and3A_576 = arith.andi %lt3A, %lt3A_575 : i1
        %convert_element_type3A = arith.extui %and3A_576 : i1 to i32
        %cond3A = arith.constant 0 : i32
        %cond3A_577 = arith.cmpi ne, %convert_element_type3A, %cond3A : i32
        %cond3A_578:2 = scf.if %cond3A_577 -> (i32, i32) {
          %add3A_579 = arith.constant 1 : i32
          %add3A_580 = arith.addi %select_n3A_571, %add3A_579 : i32
          scf.yield %add3A_580, %scan3A_546 : i32, i32
        } else {
          scf.yield %scan3A_545, %select_n3A_571 : i32, i32
        }
        scf.yield %cond3A_578#0, %cond3A_578#1 : i32, i32
      }
      %add3A_498 = arith.constant 1 : i32
      %add3A_499 = arith.addi %add3A_490, %add3A_498 : i32
      %scan3A_500 = arith.constant 0 : i32
      %scan3A_501 = arith.constant 10000 : i32
      %scan3A_502 = arith.constant 0 : i32
      %scan3A_503 = arith.constant 14 : i32
      %scan3A_504 = arith.addi %scan3A_502, %scan3A_503 : i32
      %scan3A_505 = arith.constant 1 : i32
      %scan3A_506:2 = scf.for %scan3A_544 = %scan3A_502 to %scan3A_504 step %scan3A_505 iter_args(%scan3A_545 = %scan3A_500, %scan3A_546 = %scan3A_501) -> (i32, i32)  : i32 {
        %add3A_547 = arith.addi %scan3A_545, %scan3A_546 : i32
        %jit3A_548 = arith.constant 2 : i32
        %div3A_549 = arith.divsi %add3A_547, %jit3A_548 : i32
        %sign3A_550 = arith.constant 0 : i32
        %sign3A_551 = arith.cmpi sgt, %add3A_547, %sign3A_550 : i32
        %sign3A_552 = arith.extui %sign3A_551 : i1 to i32
        %sign3A_553 = arith.constant 0 : i32
        %sign3A_554 = arith.cmpi slt, %add3A_547, %sign3A_553 : i32
        %sign3A_555 = arith.extui %sign3A_554 : i1 to i32
        %sign3A_556 = arith.subi %sign3A_552, %sign3A_555 : i32
        %sign3A_557 = arith.constant 0 : i32
        %sign3A_558 = arith.cmpi sgt, %jit3A_548, %sign3A_557 : i32
        %sign3A_559 = arith.extui %sign3A_558 : i1 to i32
        %sign3A_560 = arith.constant 0 : i32
        %sign3A_561 = arith.cmpi slt, %jit3A_548, %sign3A_560 : i32
        %sign3A_562 = arith.extui %sign3A_561 : i1 to i32
        %sign3A_563 = arith.subi %sign3A_559, %sign3A_562 : i32
        %ne3A_564 = arith.cmpi ne, %sign3A_556, %sign3A_563 : i32
        %rem3A_565 = arith.remsi %add3A_547, %jit3A_548 : i32
        %ne3A_566 = arith.constant 0 : i32
        %ne3A_567 = arith.cmpi ne, %rem3A_565, %ne3A_566 : i32
        %and3A_568 = arith.andi %ne3A_564, %ne3A_567 : i1
        %sub3A_569 = arith.constant 1 : i32
        %sub3A_570 = arith.subi %div3A_549, %sub3A_569 : i32
        %select_n3A_571 = arith.select %and3A_568, %sub3A_570, %div3A_549 : i32
        %min3A = arith.constant 9999 : i32
        %min3A_572 = arith.minsi %select_n3A_571, %min3A : i32
        %get3A_573 = arith.index_cast %min3A_572 : i32 to index
        %get3A_574 = memref.load %arg0[%get3A_573] : memref<10000xi32, #tpu.memory_space<smem>>
        %lt3A = arith.cmpi slt, %scan3A_545, %scan3A_546 : i32
        %lt3A_575 = arith.cmpi slt, %get3A_574, %add3A_499 : i32
        %and3A_576 = arith.andi %lt3A, %lt3A_575 : i1
        %convert_element_type3A = arith.extui %and3A_576 : i1 to i32
        %cond3A = arith.constant 0 : i32
        %cond3A_577 = arith.cmpi ne, %convert_element_type3A, %cond3A : i32
        %cond3A_578:2 = scf.if %cond3A_577 -> (i32, i32) {
          %add3A_579 = arith.constant 1 : i32
          %add3A_580 = arith.addi %select_n3A_571, %add3A_579 : i32
          scf.yield %add3A_580, %scan3A_546 : i32, i32
        } else {
          scf.yield %scan3A_545, %select_n3A_571 : i32, i32
        }
        scf.yield %cond3A_578#0, %cond3A_578#1 : i32, i32
      }
      %jit3A_507 = arith.constant 8 : i32
      %div3A_508 = arith.divsi %scan3A_497#0, %jit3A_507 : i32
      %sign3A_509 = arith.constant 0 : i32
      %sign3A_510 = arith.cmpi sgt, %scan3A_497#0, %sign3A_509 : i32
      %sign3A_511 = arith.extui %sign3A_510 : i1 to i32
      %sign3A_512 = arith.constant 0 : i32
      %sign3A_513 = arith.cmpi slt, %scan3A_497#0, %sign3A_512 : i32
      %sign3A_514 = arith.extui %sign3A_513 : i1 to i32
      %sign3A_515 = arith.subi %sign3A_511, %sign3A_514 : i32
      %sign3A_516 = arith.constant 0 : i32
      %sign3A_517 = arith.cmpi sgt, %jit3A_507, %sign3A_516 : i32
      %sign3A_518 = arith.extui %sign3A_517 : i1 to i32
      %sign3A_519 = arith.constant 0 : i32
      %sign3A_520 = arith.cmpi slt, %jit3A_507, %sign3A_519 : i32
      %sign3A_521 = arith.extui %sign3A_520 : i1 to i32
      %sign3A_522 = arith.subi %sign3A_518, %sign3A_521 : i32
      %ne3A_523 = arith.cmpi ne, %sign3A_515, %sign3A_522 : i32
      %rem3A_524 = arith.remsi %scan3A_497#0, %jit3A_507 : i32
      %ne3A_525 = arith.constant 0 : i32
      %ne3A_526 = arith.cmpi ne, %rem3A_524, %ne3A_525 : i32
      %and3A_527 = arith.andi %ne3A_523, %ne3A_526 : i1
      %sub3A_528 = arith.constant 1 : i32
      %sub3A_529 = arith.subi %div3A_508, %sub3A_528 : i32
      %select_n3A_530 = arith.select %and3A_527, %sub3A_529, %div3A_508 : i32
      %mul3A_531 = arith.constant 8 : i32
      %mul3A_532 = arith.muli %select_n3A_530, %mul3A_531 : i32
      %broadcast_in_dim3A_533 = vector.broadcast %scan3A : f32 to vector<128x256xf32>
      %while3A_534 = arith.constant 0 : i32
      %while3A_535:2 = scf.while (%while3A_544 = %while3A_534, %while3A_545 = %broadcast_in_dim3A_533) : (i32, vector<128x256xf32>) -> (i32, vector<128x256xf32>) {
        %mul3A_546 = arith.constant 128 : i32
        %mul3A_547 = arith.muli %while3A_544, %mul3A_546 : i32
        %add3A_548 = arith.addi %mul3A_532, %mul3A_547 : i32
        %lt3A = arith.cmpi slt, %add3A_548, %scan3A_506#0 : i32
        scf.condition(%lt3A) %while3A_544, %while3A_545 : i32, vector<128x256xf32>
      } do {
      ^bb0(%while3A_544: i32, %while3A_545: vector<128x256xf32>):
        %mul3A_546 = arith.constant 128 : i32
        %mul3A_547 = arith.muli %while3A_544, %mul3A_546 : i32
        %add3A_548 = arith.addi %mul3A_532, %mul3A_547 : i32
        %multiple_of3A_549 = tpu.assume_multiple %add3A_548, 8 : i32
        %get3A_550 = arith.index_cast %multiple_of3A_549 : i32 to index
        %get3A_551 = arith.constant 0 : index
        %get3A_552 = vector.load %arg17[%get3A_550, %get3A_551] : memref<10128x256xf32, #tpu.memory_space<vmem>>, vector<128x256xf32>
        %add3A_553 = vector.broadcast %multiple_of3A_549 : i32 to vector<128x256xi32>
        %add3A_554 = arith.addi %add3A_553, %iota3A : vector<128x256xi32>
        %ge3A = vector.broadcast %scan3A_497#0 : i32 to vector<128x256xi32>
        %ge3A_555 = arith.cmpi sge, %add3A_554, %ge3A : vector<128x256xi32>
        %lt3A = vector.broadcast %scan3A_506#0 : i32 to vector<128x256xi32>
        %lt3A_556 = arith.cmpi slt, %add3A_554, %lt3A : vector<128x256xi32>
        %and3A_557 = arith.andi %ge3A_555, %lt3A_556 : vector<128x256xi1>
        %add3A_558 = arith.constant 1 : i32
        %add3A_559 = arith.addi %while3A_544, %add3A_558 : i32
        %broadcast_in_dim3A_560 = vector.broadcast %scan3A : f32 to vector<128x256xf32>
        %select_n3A_561 = arith.select %and3A_557, %get3A_552, %broadcast_in_dim3A_560 : vector<128x256xi1>, vector<128x256xf32>
        %max3A_562 = arith.maximumf %while3A_545, %select_n3A_561 : vector<128x256xf32>
        scf.yield %add3A_559, %max3A_562 : i32, vector<128x256xf32>
      }
      %reduce_max3A_536 = arith.constant dense<0xFF800000> : vector<256xf32>
      %reduce_max3A_537 = vector.multi_reduction <maximumf>, %while3A_535#1, %reduce_max3A_536 [0] : vector<128x256xf32> to vector<256xf32>
      %broadcast_in_dim3A_538 = vector.shape_cast %reduce_max3A_537 : vector<256xf32> to vector<1x256xf32>
      %concatenate3A = tpu.concatenate %broadcast_in_dim3A_174, %broadcast_in_dim3A_226, %broadcast_in_dim3A_278, %broadcast_in_dim3A_330, %broadcast_in_dim3A_382, %broadcast_in_dim3A_434, %broadcast_in_dim3A_486, %broadcast_in_dim3A_538 in 0 : vector<1x256xf32>, vector<1x256xf32>, vector<1x256xf32>, vector<1x256xf32>, vector<1x256xf32>, vector<1x256xf32>, vector<1x256xf32>, vector<1x256xf32> -> vector<8x256xf32>
      %mul3A_539 = arith.constant 8 : i32
      %mul3A_540 = arith.muli %scan3A_130, %mul3A_539 : i32
      %multiple_of3A = tpu.assume_multiple %mul3A_540, 8 : i32
      %swap3A_541 = arith.index_cast %multiple_of3A : i32 to index
      %swap3A_542 = arith.constant 0 : index
      %swap3A_543 = vector.load %arg15[%swap3A_541, %swap3A_542] : memref<128x256xf32, #tpu.memory_space<vmem>>, vector<8x256xf32>
      tpu.vector_store %arg15[%swap3A_541, %swap3A_542], %concatenate3A {strides = array<i32>} : memref<128x256xf32, #tpu.memory_space<vmem>>, vector<8x256xf32>,
    }
    %scan3A_67 = arith.constant 16 : i32
    %get3A_68 = arith.constant 0 : index
    %get3A_69 = arith.constant 0 : index
    %get3A_70 = vector.load %arg8[%get3A_68, %get3A_69] : memref<128x954xf32, #tpu.memory_space<vmem>>, vector<128x954xf32>
    %get3A_71 = arith.constant 0 : index
    %get3A_72 = arith.constant 0 : index
    %get3A_73 = vector.load %arg9[%get3A_71, %get3A_72] : memref<954x128xf32, #tpu.memory_space<vmem>>, vector<954x128xf32>
    %dot_general3A_74 = arith.constant dense<0.000000e+00> : vector<128x128xf32>
    %dot_general3A_75 = tpu.matmul %get3A_70, %get3A_73, %dot_general3A_74 {dimension_numbers = #tpu.dot_dimension_numbers<[1], [0], [0], [1], [0, 0, 1, 1], [], []>, transpose_lhs_hint = false} : vector<128x954xf32>, vector<954x128xf32>, vector<128x128xf32> -> vector<128x128xf32>
    %get3A_76 = arith.constant 0 : index
    %get3A_77 = arith.constant 0 : index
    %get3A_78 = vector.load %arg10[%get3A_76, %get3A_77] : memref<1x128xf32, #tpu.memory_space<vmem>>, vector<1x128xf32>
    %add3A_79 = vector.broadcast %get3A_78 : vector<1x128xf32> to vector<128x128xf32>
    %add3A_80 = arith.addf %dot_general3A_75, %add3A_79 : vector<128x128xf32>
    %tanh3A = math.tanh %add3A_80 : vector<128x128xf32>
    %reduce_sum3A_81 = arith.constant dense<0.000000e+00> : vector<128xf32>
    %reduce_sum3A_82 = vector.multi_reduction <add>, %tanh3A, %reduce_sum3A_81 [0] : vector<128x128xf32> to vector<128xf32>
    %broadcast_in_dim3A_83 = vector.shape_cast %reduce_sum3A_82 : vector<128xf32> to vector<1x128xf32>
    %div3A_84 = arith.constant 1.280000e+02 : f32
    %div3A_85 = vector.broadcast %div3A_84 : f32 to vector<1x128xf32>
    %div3A_86 = arith.divf %broadcast_in_dim3A_83, %div3A_85 : vector<1x128xf32>
    %sub3A_87 = vector.broadcast %div3A_86 : vector<1x128xf32> to vector<128x128xf32>
    %sub3A_88 = arith.subf %tanh3A, %sub3A_87 : vector<128x128xf32>
    %integer_pow3A_89 = arith.mulf %sub3A_88, %sub3A_88 : vector<128x128xf32>
    %reduce_sum3A_90 = arith.constant dense<0.000000e+00> : vector<128xf32>
    %reduce_sum3A_91 = vector.multi_reduction <add>, %integer_pow3A_89, %reduce_sum3A_90 [0] : vector<128x128xf32> to vector<128xf32>
    %broadcast_in_dim3A_92 = vector.shape_cast %reduce_sum3A_91 : vector<128xf32> to vector<1x128xf32>
    %div3A_93 = arith.constant 1.280000e+02 : f32
    %div3A_94 = vector.broadcast %div3A_93 : f32 to vector<1x128xf32>
    %div3A_95 = arith.divf %broadcast_in_dim3A_92, %div3A_94 : vector<1x128xf32>
    %sub3A_96 = vector.broadcast %div3A_86 : vector<1x128xf32> to vector<128x128xf32>
    %sub3A_97 = arith.subf %tanh3A, %sub3A_96 : vector<128x128xf32>
    %add3A_98 = arith.constant 9.99999974E-6 : f32
    %add3A_99 = vector.broadcast %add3A_98 : f32 to vector<1x128xf32>
    %add3A_100 = arith.addf %div3A_95, %add3A_99 : vector<1x128xf32>
    %rsqrt3A_101 = math.rsqrt %add3A_100 : vector<1x128xf32>
    %mul3A_102 = vector.broadcast %rsqrt3A_101 : vector<1x128xf32> to vector<128x128xf32>
    %mul3A_103 = arith.mulf %sub3A_97, %mul3A_102 : vector<128x128xf32>
    %get3A_104 = arith.constant 0 : index
    %get3A_105 = arith.constant 0 : index
    %get3A_106 = vector.load %arg11[%get3A_104, %get3A_105] : memref<1x128xf32, #tpu.memory_space<vmem>>, vector<1x128xf32>
    %mul3A_107 = vector.broadcast %get3A_106 : vector<1x128xf32> to vector<128x128xf32>
    %mul3A_108 = arith.mulf %mul3A_103, %mul3A_107 : vector<128x128xf32>
    %get3A_109 = arith.constant 0 : index
    %get3A_110 = arith.constant 0 : index
    %get3A_111 = vector.load %arg12[%get3A_109, %get3A_110] : memref<1x128xf32, #tpu.memory_space<vmem>>, vector<1x128xf32>
    %add3A_112 = vector.broadcast %get3A_111 : vector<1x128xf32> to vector<128x128xf32>
    %add3A_113 = arith.addf %mul3A_108, %add3A_112 : vector<128x128xf32>
    %get3A_114 = arith.constant 0 : index
    %get3A_115 = arith.constant 0 : index
    %get3A_116 = vector.load %arg13[%get3A_114, %get3A_115] : memref<128x256xf32, #tpu.memory_space<vmem>>, vector<128x256xf32>
    %dot_general3A_117 = arith.constant dense<0.000000e+00> : vector<128x256xf32>
    %dot_general3A_118 = tpu.matmul %add3A_113, %get3A_116, %dot_general3A_117 {dimension_numbers = #tpu.dot_dimension_numbers<[1], [0], [0], [1], [0, 0, 1, 1], [], []>, transpose_lhs_hint = false} : vector<128x128xf32>, vector<128x256xf32>, vector<128x256xf32> -> vector<128x256xf32>
    %get3A_119 = arith.constant 0 : index
    %get3A_120 = arith.constant 0 : index
    %get3A_121 = vector.load %arg14[%get3A_119, %get3A_120] : memref<1x256xf32, #tpu.memory_space<vmem>>, vector<1x256xf32>
    %add3A_122 = vector.broadcast %get3A_121 : vector<1x256xf32> to vector<128x256xf32>
    %add3A_123 = arith.addf %dot_general3A_118, %add3A_122 : vector<128x256xf32>
    %max3A_124 = arith.constant 0.000000e+00 : f32
    %max3A_125 = vector.broadcast %max3A_124 : f32 to vector<128x256xf32>
    %max3A_126 = arith.maximumf %add3A_123, %max3A_125 : vector<128x256xf32>
    %swap3A_127 = arith.constant 0 : index
    %swap3A_128 = arith.constant 0 : index
    %swap3A_129 = vector.load %arg16[%swap3A_127, %swap3A_128] : memref<128x256xf32, #tpu.memory_space<vmem>>, vector<128x256xf32>
    tpu.vector_store %arg16[%swap3A_127, %swap3A_128], %max3A_126 {strides = array<i32>} : memref<128x256xf32, #tpu.memory_space<vmem>>, vector<128x256xf32>,
    return
  }
}

</mosaic_0001>

<sc_bundles>
// kernel: kernel.11.cloned.1.call-start
scs
__scs_entry_jumppad:
0x0: {  	(pc) =	sbr.rel $0x88, $3  }
0x1: {  	(tag) =	ssettag $0x0;
	lr =	simm.s32 $0x1  }
0x2: {  	[smem:$0x3F8F] =	sst lr;
	_ =	strace $0xD0000000  }
0x3: {  	_ = 	snop  }
0x4: {  	_ = 	snop  }
0x5: {  	_ = 	snop  }
0x6: {  	_ = 	snop  }
0x7: {  	_ = 	snop  }
__scs_overlays_trampoline_lowered:
0x8: {  	[smem:$0x3F9E] =	sst s0  }
0x9: {  	[smem:$0x3F9F] =	sst s1  }
0xa: {  	[smem:$0x3FA0] =	sst s2  }
0xb: {  	[smem:$0x3FA1] =	sst s3  }
0xc: {  	[smem:$0x3FA2] =	sst s4  }
0xd: {  	[smem:$0x3FA3] =	sst s5  }
0xe: {  	[smem:$0x3FA4] =	sst s6  }
0xf: {  	[smem:$0x3FA5] =	sst s7  }
0x10: {  	[smem:$0x3FA6] =	sst s8  }
0x11: {  	[smem:$0x3FA7] =	sst s9;
	s0 =	simm.s32 @!p0 $0x0  }
0x12: {  	s1 =	sld [smem:$0x3F8D];
	s0 =	simm.s32 @p0 $0x1  }
0x13: {  	[smem:$0x3FA8] =	sst s0;
	s0 =	simm.s32 @!p1 $0x0  }
0x14: {  	s2 =	sld [smem:$0x3F8C];
	s0 =	simm.s32 @p1 $0x1  }
0x15: {  	[smem:$0x3FA9] =	sst s0;
	s0 =	simm.s32 @!p2 $0x0  }
0x16: {  	s3 =	sld [smem:$0x3FDB];
	s0 =	simm.s32 @p2 $0x1  }
0x17: {  	s4 =	simm.s32 $0x1BF5;
	[smem:$0x3FAB] =	sst s0  }
0x18: {  	s0 =	sld [smem:$0x3F8E];
	_ =	swait.ge [sflag:s4], $0x0  }
0x19: {  	s7 =	sld [smem:$0x3F8F]  }
0x1a: {  	s8 =	sadd.s32 $0xFFFFE003, lr  }
0x1b: {  	s9 =	sadd.s32 $0xFFFFFEF7, lr;
	s5 =	simm.s32 $0xFFFFFFFF;
	p2 =	slt.u32 s8, $0xFFFFF086  }
0x1c: {  	p1 =	slt.u32 s9, $0xF7A;
	s5 =	simm.s32 @!p2 $0x0  }
0x1d: {  	s5 =	simm.s32 @p1 $0x1;
	p0 =	seq.s32 s7, s2  }
0x1e: {  	s7 =	smul.u32 @!p0 $0xF7A, s2;
	p2 =	seq.s32 @!p0 s5, $0x0  }
0x1f: {  	s9 =	smul.u32 $0xF7A, s1;
	s8 =	simm.s32 @!p0 $0x1BF5;
	p2 =	por !p2, p0  }
0x20: {  	[sflag:s8] =	ssyncset.s32 @!p0 $0xFFFFF086;
	s6 =	sadd.s32 @!p0 s3, s7;
	s7 =	simm.s32 @!p0 $0x108  }
0x21: {  	s3 =	sadd.s32 s3, s9;
	s6 =	sadd.s32 @!p0 $0x88, s6;
	s7 =	simm.s32 @p2 $0x1082  }
0x22: {  	[simem:s7], [sflag:s8] =	dma.local @!p0 [hbm:s6], $0xF7A  }
0x23: {  	s9 =	sor.u32 $0xD0000000, s2;
	s6 =	simm.s32 $0x108;
	_ =	swait.ge @!p0 [sflag:s8], $0x0  }
0x24: {  	s3 =	sadd.s32 $0x88, s3;
	s6 =	simm.s32 @!p1 $0x1082;
	[sflag:s4] =	ssyncset.s32 $0xFFFFF086  }
0x25: {  	[simem:s6], [sflag:s4] =	dma.local [hbm:s3], $0xF7A  }
0x26: {  	[smem:$0x3F8F] =	sst s1;
	(tag) =	ssettag s2;
	_ =	strace s9  }
0x27: {  	s1 =	sld [smem:$0x3F9F]  }
0x28: {  	s2 =	sld [smem:$0x3FA0]  }
0x29: {  	s4 =	sld [smem:$0x3FA2]  }
0x2a: {  	p0 =	seq.s32 s5, $0x0;
	s5 =	sld [smem:$0x3FA3]  }
0x2b: {  	s6 =	sld [smem:$0x3FA4]  }
0x2c: {  	s7 =	sld [smem:$0x3FA5]  }
0x2d: {  	s3 =	simm.s32 $0x108;
	s8 =	sld [smem:$0x3FA6]  }
0x2e: {  	s3 =	simm.s32 @!p0 $0x1082;
	s9 =	sld [smem:$0x3FA7]  }
0x2f: {  	lr =	sadd.s32 s0, s3;
	s0 =	sld [smem:$0x3F9E]  }
0x30: {  	s3 =	sld [smem:$0x3FA1]  }
0x31: {  	[smem:$0x3FAA] =	sst s10  }
0x32: {  	s10 =	sld [smem:$0x3FA8];
	_ =	sdelay $0x3  }
0x33: {  	p0 =	seq.s32 s10, $0x1;
	s10 =	sld [smem:$0x3FAA];
	_ =	sdelay $0x3  }
0x34: {  	[smem:$0x3FAA] =	sst s10  }
0x35: {  	s10 =	sld [smem:$0x3FA9];
	_ =	sdelay $0x3  }
0x36: {  	p1 =	seq.s32 s10, $0x1;
	s10 =	sld [smem:$0x3FAA];
	_ =	sdelay $0x3  }
0x37: {  	[smem:$0x3FAA] =	sst s10  }
0x38: {  	s10 =	sld [smem:$0x3FAB]  }
0x39: {  	_ = 	snop;
	(pc) =	sbr.ind lr, $3  }
0x3a: {  	_ = 	snop  }
0x3b: {  	_ = 	snop  }
0x3c: {  	p2 =	seq.s32 s10, $0x1;
	s10 =	sld [smem:$0x3FAA]  }
0x3d: {  	_ =	shalt  }
0x3e: {  	_ =	shalt  }
0x3f: {  	_ =	shalt  }
0x40: {  	_ =	shalt  }
0x41: {  	_ =	shalt  }
0x42: {  	_ =	shalt  }
0x43: {  	_ =	shalt  }
0x44: {  	_ =	shalt  }
0x45: {  	_ =	shalt  }
0x46: {  	_ =	shalt  }
0x47: {  	_ =	shalt  }
0x48: {  	_ =	shalt  }
0x49: {  	_ =	shalt  }
0x4a: {  	_ =	shalt  }
0x4b: {  	_ =	shalt  }
0x4c: {  	_ =	shalt  }
0x4d: {  	_ =	shalt  }
0x4e: {  	_ =	shalt  }
0x4f: {  	_ =	shalt  }
0x50: {  	_ =	shalt  }
0x51: {  	_ =	shalt  }
0x52: {  	_ =	shalt  }
0x53: {  	_ =	shalt  }
0x54: {  	_ =	shalt  }
0x55: {  	_ =	shalt  }
0x56: {  	_ =	shalt  }
0x57: {  	_ =	shalt  }
0x58: {  	_ =	shalt  }
0x59: {  	_ =	shalt  }
0x5a: {  	_ =	shalt  }
0x5b: {  	_ =	shalt  }
0x5c: {  	_ =	shalt  }
0x5d: {  	_ =	shalt  }
0x5e: {  	_ =	shalt  }
0x5f: {  	_ =	shalt  }
0x60: {  	_ =	shalt  }
0x61: {  	_ =	shalt  }
0x62: {  	_ =	shalt  }
0x63: {  	_ =	shalt  }
0x64: {  	_ =	shalt  }
0x65: {  	_ =	shalt  }
0x66: {  	_ =	shalt  }
0x67: {  	_ =	shalt  }
0x68: {  	_ =	shalt  }
0x69: {  	_ =	shalt  }
0x6a: {  	_ =	shalt  }
0x6b: {  	_ =	shalt  }
0x6c: {  	_ =	shalt  }
0x6d: {  	_ =	shalt  }
0x6e: {  	_ =	shalt  }
0x6f: {  	_ =	shalt  }
0x70: {  	_ =	shalt  }
0x71: {  	_ =	shalt  }
0x72: {  	_ =	shalt  }
0x73: {  	_ =	shalt  }
0x74: {  	_ =	shalt  }
0x75: {  	_ =	shalt  }
0x76: {  	_ =	shalt  }
0x77: {  	_ =	shalt  }
0x78: {  	_ =	shalt  }
0x79: {  	_ =	shalt  }
0x7a: {  	_ =	shalt  }
0x7b: {  	_ =	shalt  }
0x7c: {  	_ =	shalt  }
0x7d: {  	_ =	shalt  }
0x7e: {  	_ =	shalt  }
0x7f: {  	_ =	shalt  }
0x80: {  	_ =	shalt  }
0x81: {  	_ =	shalt  }
0x82: {  	_ =	shalt  }
0x83: {  	_ =	shalt  }
0x84: {  	_ =	shalt  }
0x85: {  	_ =	shalt  }
0x86: {  	_ =	shalt  }
0x87: {  	_ =	shalt  }
.Lfunc_end0:
.L_simem_size_0:
called_computation.1_lowered:
.L_overlay_start_0:
0x88: {  	s2 =	sld [smem:$0x3FD9]  }
0x89: {  	s3 =	sld [smem:$0x3FFE];
	_ =	sdelay $0x1  }
0x8a: {  	s1 =	srdreg.scid  }
0x8b: {  	s0 =	sand.u32 $0x1, s1  }
0x8c: {  	s16 =	sshll.u32 s0, $0xA;
	s2 =	sadd.s32 s3, s2  }
0x8d: {  	s2 =	sadd.s32 s2, s16  }
0x8e: {  	[smem:$0x3FB6] =	sst s2  }
0x8f: {  	_ = 	snop  }
0x90: {  	(tm) =	ssettm $0x1  }
0x91: {  	s17 =	sld [smem:$0x3FFB];
	_ =	sdelay $0x3  }
0x92: {  	_ =	strace s17  }
0x93: {  	s2 =	sld [smem:$0x3FFC];
	_ =	sdelay $0x3  }
0x94: {  	_ =	strace s2  }
0x95: {  	s2 =	sld [smem:$0x3FFD];
	_ =	sdelay $0x3  }
0x96: {  	_ =	strace s2  }
0x97: {  	_ =	strace $0x8FFFFFFF  }
0x98: {  	s18 =	sld [smem:$0x3FDB];
	_ =	sdelay $0x1  }
0x99: {  	s19 =	simm.s32 $_scs_section_size  }
0x9a: {  	s4 =	simm.s32 $_size__tile_overlayer_lowered;
	s5 =	simm.s32 $_tile_overlayer_lowered  }
0x9b: {  	s22 =	simm.s32 $0x1BFF;
	s21 =	sshll.u32 s5, $0x1;
	s2 =	sadd.s32 s19, s18  }
0x9c: {  	s6 =	simm.s32 $0x0;
	s20 =	sshll.u32 s4, $0x1;
	s4 =	sadd.s32 s21, s2  }
0x9d: {  	[timem:s6], [sflag:s22] =	dma.local [hbm:s4], s20  }
0x9e: {  	_ =	swait.ge [sflag:s22], s20  }
0x9f: {  	s3 =	ssub.s32 $0x0, s20;
	[sflag:s22] =	ssyncset.done $0x0  }
0xa0: {  	[sflag:s22] =	ssyncadd.s32 s3;
	_ =	sdelay $0x1  }
0xa1: {  	s23 =	simm.s32 $0x1B8B  }
0xa2: {  	_ =	swait.ge [sflag:s23], $0x1  }
0xa3: {  	[sflag:s23] =	ssyncset.done $0x0  }
0xa4: {  	s25 =	simm.s32 $0x1B8E;
	s24 =	sld [smem:$0x3FFE];
	[sflag:s23] =	ssyncadd.s32 $0xFFFFFFFF  }
0xa5: {  	s26 =	simm.s32 $execute0_lowered;
	[smem:$0x3FD2] =	sst s25  }
0xa6: {  	s4 =	sshll.u32 s26, $0x1;
	_ =	strace $0x80000049;
	[dreg:$0x1] =	wrdreg $0xFFFFFFFF  }
0xa7: {  	s28 =	simm.s32 $_size_execute0_lowered;
	s2 =	sadd.s32 s2, s4;
	[dreg:$0x0] =	wrdreg $0x0  }
0xa8: {  	s4 =	sshll.u32 s28, $0x1;
	[dreg:$0x2] =	wrdreg s2  }
0xa9: {  	[dreg:$0x3] =	wrdreg s4  }
0xaa: {  	[dreg:$0x4] =	wrdreg $0xC0  }
0xab: {  	_ =	task [dreg:s6], $0x5FFFF  }
0xac: {  	[dreg:$0x1] =	wrdreg $0xFFFFFFFF  }
0xad: {  	[dreg:$0x0] =	wrdreg $0x60  }
0xae: {  	[dreg:$0x2] =	wrdreg s24  }
0xaf: {  	[dreg:$0x3] =	wrdreg $0x52000  }
0xb0: {  	[dreg:$0x4] =	wrdreg $0x9  }
0xb1: {  	_ =	task.clear_ibuf [dreg:s6], $0x5FFFF;
	_ =	strace $0x90000049  }
0xb2: {  	s29 =	simm.s32 $0x9;
	_ =	strace $0x8000004B  }
0xb3: {  	_ =	swait.ge [sflag:s29], $0x1  }
0xb4: {  	[sflag:s29] =	ssyncadd.s32 $0xFFFFFFFF  }
0xb5: {  	_ =	strace $0x9000004B  }
0xb6: {  	_ =	sfence  }
0xb7: {  	s30 =	sld [smem:$0x0];
	_ =	sdelay $0x2  }
0xb8: {  	s31 =	sshll.u32 s1, $0xD;
	s1 =	sshrl.u32 s1, $0x2  }
0xb9: {  	s3 =	sand.u32 $0x4000, s31;
	s1 =	sadd.s32 s1, s30  }
0xba: {  	s0 =	sor.u32 s3, s0;
	s1 =	sshll.u32 s1, $0x11  }
0xbb: {  	s0 =	sor.u32 s1, s0  }
0xbc: {  	s0 =	sadd.s32 $0x8F2B, s0  }
0xbd: {  	[sflag:s0] =	ssyncadd.remote.s32 $0x1  }
0xbe: {  	_ =	sfence.sel $0xFFFF  }
0xbf: {  	[dreg:$0x0] =	wrdreg $0xFFFFFFFF;
	(pc) =	sbr.abs _section_cstart, $3  }
0xc0: {  	[dreg:$0x1] =	wrdreg $0xFFFFFFFF  }
0xc1: {  	_ =	task.clear_ibuf [dreg:s6], $0x2FFFF;
	_ =	strace $0x9FFFFFFF  }
0xc2: {  	(tm) =	ssettm $0x7FFFFFFF  }
0xc3: {  	_ =	shalt  }
tec
execute0_lowered:
.L_overlay_start_1:
0x0: {  	(tag) =	ssettag $0x1  }
0x1: {  	s0 =	rddreg [dreg:$0x0]  }
0x2: {  	s1 =	rddreg [dreg:$0x1];
	s3 =	simm.s32 $0x0  }
0x3: {  	s2 =	stileid.u32;
	s6 =	srdreg.scid;
	s19 =	simm.s32 $0x100  }
0x4: {  	s20 =	simm.s32 $0x80;
	s28 =	simm.s32 $0x2A00;
	s29 =	simm.s32 $0x4  }
0x5: {  	s30 =	simm.s32 $0x0;
	[smem:$0x7FF] =	sst s3;
	s4 =	sadd.s32 $0x3FA00, s0  }
0x6: {  	s5 =	smul.u32 $0x2800, s2;
	s16 =	sadd.s32 $0xDA00, s0;
	s15 =	sadd.s32 $0x3A00, s0  }
0x7: {  	s6 =	sand.u32 $0x1, s6;
	s10 =	smul.u32 $0x50000, s2;
	s24 =	sshll.u32 s2, $0x6  }
0x8: {  	_ =	strace $0x8000004A;
	s8 =	smul.u32 $0x28000, s6;
	s9 =	sshll.u32 s6, $0x4  }
0x9: {  	s6 =	ssub.s32 $0x2, s6;
	s7 =	sadd.s32 s5, s0;
	s9 =	sor.u32 s2, s9  }
0xa: {  	s21 =	sshrl.u32 s6, $0x1;
	s23 =	sshrl.u32 s10, $0x2;
	s13 =	sadd.s32 s5, s8  }
0xb: {  	s22 =	smul.u32 $0x2800, s9;
	s12 =	ssub.s32 s6, s21;
	s17 =	sadd.s32 s23, s1  }
0xc: {  	s5 =	sadd.s32 $0x17A00, s7;
	s6 =	sor.u32 $0x1C05, s24;
	s21 =	simm.s32 $0x180  }
0xd: {  	s23 =	simm.s32 $0x50;
	s24 =	simm.s32 $0x200;
	s0 =	sadd.s32 s13, s0  }
0xe: {  	s26 =	sor.u32 $0xF0, s13;
	s12 =	smax.u32 s12, $0x1;
	s18 =	sor.u32 $0xA0, s13  }
0xf: {  	s17 =	sshrl.u32 s17, $0x3;
	s8 =	sshrl.u32 s22, $0x3;
	s11 =	sadd.s32 $0x66C00, s0  }
0x10: {  	s0 =	sshrl.u32 s26, $0x3;
	s31 =	sshrl.u32 s18, $0x3;
	s18 =	simm.s32 $0x5  }
0x11: {  	s22 =	simm.s32 $0x1;
	s26 =	simm.s32 $0x2;
	s25 =	sor.u32 $0xA, s8  }
0x12: {  	s7 =	sadd.s32 s16, s8;
	s8 =	sadd.s32 s15, s8;
	s13 =	sadd.s32 s0, s15  }
0x13: {  	s14 =	sadd.s32 s0, s16;
	s9 =	sadd.s32 s16, s25;
	s10 =	sadd.s32 s15, s25  }
0x14: {  	s15 =	sadd.s32 s31, s15;
	s16 =	sadd.s32 s31, s16;
	s25 =	simm.s32 $0x3  }
.LBB2_1:
0x15: {  	[spmem:s17], [sflag:s6] =	dma.local [hbm:s5], $0x2800  }
0x16: {  	_ =	swait.ge [sflag:s18], $0x2800  }
0x17: {  	[sflag:s18] =	ssyncset.done $0x0  }
0x18: {  	[sflag:s18] =	ssyncadd.s32 $0xFFFFD800  }
0x19: {  	[bflag:$0x0] =	sbarrier.arrive $0xFFFF  }
0x1a: {  	[tilespmem:s3], [sflag:$0x1] =	stream.linear.gather [hbm4b:s7+s3], $0x50, $0x38;
	[tilespmem:$0x19200] =	vst v63  }
0x1b: {  	_ = 	snop  }
0x1c: {  	[tilespmem:s19], [sflag:$0x1] =	stream.linear.gather [hbm4b:s8+s3], $0x50, $0x38;
	[tilespmem:$0x19200] =	vst v63  }
0x1d: {  	_ = 	snop  }
0x1e: {  	[tilespmem:s20], [sflag:$0x2] =	stream.linear.gather [hbm4b:s9+s3], $0x50, $0x38;
	[tilespmem:$0x19200] =	vst v63  }
0x1f: {  	_ = 	snop  }
0x20: {  	[tilespmem:s21], [sflag:$0x2] =	stream.linear.gather [hbm4b:s10+s3], $0x50, $0x38;
	[tilespmem:$0x19200] =	vst v63  }
0x21: {  	_ =	swait.ge [sflag:s22], $0x50  }
0x22: {  	[sflag:s22] =	ssyncset.done $0x0  }
0x23: {  	[sflag:s22] =	ssyncadd.s32 $0xFFFFFFB0  }
0x24: {  	_ =	swait.ge [sflag:s22], $0x50  }
0x25: {  	[sflag:s22] =	ssyncset.done $0x0  }
0x26: {  	[sflag:s22] =	ssyncadd.s32 $0xFFFFFFB0  }
0x27: {  	[tilespmem:s24], [sflag:$0x3] =	stream.indirect.gather [hbm4b:s4+s23], $0x80, s3, s23, $0xb8;
	[tilespmem:$0x19200] =	vst v63  }
0x28: {  	_ =	swait.ge [sflag:s25], $0x2800  }
0x29: {  	[sflag:s25] =	ssyncset.done $0x0  }
0x2a: {  	[sflag:s25] =	ssyncadd.s32 $0xFFFFD800  }
0x2b: {  	_ =	swait.ge [sflag:s26], $0x50  }
0x2c: {  	[sflag:s26] =	ssyncset.done $0x0  }
0x2d: {  	[sflag:s26] =	ssyncadd.s32 $0xFFFFFFB0  }
0x2e: {  	_ =	swait.ge [sflag:s26], $0x50  }
0x2f: {  	[sflag:s26] =	ssyncset.done $0x0  }
0x30: {  	[sflag:s26] =	ssyncadd.s32 $0xFFFFFFB0  }
0x31: {  	[tilespmem:s28], [sflag:$0x4] =	stream.indirect.gather [hbm4b:s4+s23], $0x80, s20, s23, $0xb8;
	[tilespmem:$0x19200] =	vst v63  }
0x32: {  	_ = 	snop  }
0x33: {  	[spmem:s1] =	stream.indirect.scatter.add.f32 [tilespmem:s24], [sflag:$0x5], $0x80, s19, s23, $0xb8;
	[tilespmem:$0x19200] =	vst v63  }
0x34: {  	_ =	swait.ge [sflag:s18], $0x2800  }
0x35: {  	[sflag:s18] =	ssyncset.done $0x0  }
0x36: {  	s0 =	sadd.s32 $0x0, s16;
	[sflag:s18] =	ssyncadd.s32 $0xFFFFD800  }
0x37: {  	[tilespmem:s3], [sflag:$0x1] =	stream.linear.gather [hbm4b:s0+s3], $0x50, $0x38;
	[tilespmem:$0x19200] =	vst v63  }
0x38: {  	s2 =	sadd.s32 $0x0, s15  }
0x39: {  	[tilespmem:s19], [sflag:$0x1] =	stream.linear.gather [hbm4b:s2+s3], $0x50, $0x38;
	[tilespmem:$0x19200] =	vst v63  }
0x3a: {  	_ =	swait.ge [sflag:s29], $0x2800  }
0x3b: {  	[sflag:s29] =	ssyncset.done $0x0  }
0x3c: {  	[sflag:s29] =	ssyncadd.s32 $0xFFFFD800  }
0x3d: {  	_ =	swait.ge [sflag:s22], $0x50  }
0x3e: {  	[sflag:s22] =	ssyncset.done $0x0  }
0x3f: {  	[sflag:s22] =	ssyncadd.s32 $0xFFFFFFB0  }
0x40: {  	_ =	swait.ge [sflag:s22], $0x50  }
0x41: {  	[sflag:s22] =	ssyncset.done $0x0  }
0x42: {  	[sflag:s22] =	ssyncadd.s32 $0xFFFFFFB0  }
0x43: {  	[tilespmem:s24], [sflag:$0x3] =	stream.indirect.gather [hbm4b:s4+s23], $0x80, s3, s23, $0xb8;
	[tilespmem:$0x19200] =	vst v63  }
0x44: {  	_ = 	snop  }
0x45: {  	[spmem:s1] =	stream.indirect.scatter.add.f32 [tilespmem:s28], [sflag:$0x5], $0x80, s21, s23, $0xb8;
	[tilespmem:$0x19200] =	vst v63  }
0x46: {  	_ =	swait.ge [sflag:s18], $0x2800  }
0x47: {  	s31 =	simm.s32 $0x14;
	[sflag:s18] =	ssyncset.done $0x0  }
0x48: {  	s0 =	sadd.s32 $0x0, s13;
	s2 =	sadd.s32 $0x0, s14;
	[sflag:s18] =	ssyncadd.s32 $0xFFFFD800  }
0x49: {  	[tilespmem:s20], [sflag:$0x2] =	stream.linear.gather [hbm4b:s2+s3], $0x50, $0x38;
	[tilespmem:$0x19200] =	vst v63  }
.LBB2_2:
0x4a: {  	[tilespmem:s21], [sflag:$0x2] =	stream.linear.gather [hbm4b:s0+s3], $0x50, $0x38;
	[tilespmem:$0x19200] =	vst v63  }
0x4b: {  	s0 =	smov.u32 s31  }
0x4c: {  	p0 =	sne.s32 s31, $0x4D8;
	s31 =	sadd.s32 $0x14, s31;
	_ =	swait.ge [sflag:s25], $0x2800  }
0x4d: {  	[sflag:s25] =	ssyncset.done $0x0  }
0x4e: {  	[sflag:s25] =	ssyncadd.s32 $0xFFFFD800  }
0x4f: {  	_ =	swait.ge [sflag:s26], $0x50  }
0x50: {  	[sflag:s26] =	ssyncset.done $0x0  }
0x51: {  	[sflag:s26] =	ssyncadd.s32 $0xFFFFFFB0  }
0x52: {  	_ =	swait.ge [sflag:s26], $0x50  }
0x53: {  	[sflag:s26] =	ssyncset.done $0x0  }
0x54: {  	[sflag:s26] =	ssyncadd.s32 $0xFFFFFFB0  }
0x55: {  	[tilespmem:s28], [sflag:$0x4] =	stream.indirect.gather [hbm4b:s4+s23], $0x80, s20, s23, $0xb8;
	[tilespmem:$0x19200] =	vst v63  }
0x56: {  	_ = 	snop  }
0x57: {  	[spmem:s1] =	stream.indirect.scatter.add.f32 [tilespmem:s24], [sflag:$0x5], $0x80, s19, s23, $0xb8;
	[tilespmem:$0x19200] =	vst v63  }
0x58: {  	_ =	swait.ge [sflag:s18], $0x2800  }
0x59: {  	[sflag:s18] =	ssyncset.done $0x0  }
0x5a: {  	s2 =	sadd.s32 s0, s16;
	[sflag:s18] =	ssyncadd.s32 $0xFFFFD800  }
0x5b: {  	[tilespmem:s3], [sflag:$0x1] =	stream.linear.gather [hbm4b:s2+s3], $0x50, $0x38;
	[tilespmem:$0x19200] =	vst v63  }
0x5c: {  	s2 =	sadd.s32 s0, s15  }
0x5d: {  	[tilespmem:s19], [sflag:$0x1] =	stream.linear.gather [hbm4b:s2+s3], $0x50, $0x38;
	[tilespmem:$0x19200] =	vst v63  }
0x5e: {  	_ =	swait.ge [sflag:s29], $0x2800  }
0x5f: {  	[sflag:s29] =	ssyncset.done $0x0  }
0x60: {  	[sflag:s29] =	ssyncadd.s32 $0xFFFFD800  }
0x61: {  	_ =	swait.ge [sflag:s22], $0x50  }
0x62: {  	[sflag:s22] =	ssyncset.done $0x0  }
0x63: {  	[sflag:s22] =	ssyncadd.s32 $0xFFFFFFB0  }
0x64: {  	_ =	swait.ge [sflag:s22], $0x50  }
0x65: {  	[sflag:s22] =	ssyncset.done $0x0  }
0x66: {  	[sflag:s22] =	ssyncadd.s32 $0xFFFFFFB0  }
0x67: {  	[tilespmem:s24], [sflag:$0x3] =	stream.indirect.gather [hbm4b:s4+s23], $0x80, s3, s23, $0xb8;
	[tilespmem:$0x19200] =	vst v63  }
0x68: {  	_ = 	snop  }
0x69: {  	[spmem:s1] =	stream.indirect.scatter.add.f32 [tilespmem:s28], [sflag:$0x5], $0x80, s21, s23, $0xb8;
	[tilespmem:$0x19200] =	vst v63  }
.Ltmp0:
0x6a: {  	_ =	swait.ge [sflag:s18], $0x2800;
	(pc) =	sbr.rel @p0 .LBB2_2-.Ltmp0, $4  }
0x6b: {  	[sflag:s18] =	ssyncset.done $0x0  }
0x6c: {  	s2 =	sadd.s32 s0, s14;
	[sflag:s18] =	ssyncadd.s32 $0xFFFFD800  }
0x6d: {  	[tilespmem:s20], [sflag:$0x2] =	stream.linear.gather [hbm4b:s2+s3], $0x50, $0x38;
	[tilespmem:$0x19200] =	vst v63  }
0x6e: {  	s0 =	sadd.s32 s0, s13  }
0x6f: {  	[tilespmem:s21], [sflag:$0x2] =	stream.linear.gather [hbm4b:s0+s3], $0x50, $0x38;
	[tilespmem:$0x19200] =	vst v63  }
0x70: {  	_ =	swait.ge [sflag:s25], $0x2800  }
0x71: {  	[sflag:s25] =	ssyncset.done $0x0  }
0x72: {  	[sflag:s25] =	ssyncadd.s32 $0xFFFFD800  }
0x73: {  	_ =	swait.ge [sflag:s26], $0x50  }
0x74: {  	[sflag:s26] =	ssyncset.done $0x0  }
0x75: {  	[sflag:s26] =	ssyncadd.s32 $0xFFFFFFB0  }
0x76: {  	_ =	swait.ge [sflag:s26], $0x50  }
0x77: {  	[sflag:s26] =	ssyncset.done $0x0  }
0x78: {  	[sflag:s26] =	ssyncadd.s32 $0xFFFFFFB0  }
0x79: {  	[tilespmem:s28], [sflag:$0x4] =	stream.indirect.gather [hbm4b:s4+s23], $0x80, s20, s23, $0xb8;
	[tilespmem:$0x19200] =	vst v63  }
0x7a: {  	_ = 	snop  }
0x7b: {  	[spmem:s1] =	stream.indirect.scatter.add.f32 [tilespmem:s24], [sflag:$0x5], $0x80, s19, s23, $0xb8;
	[tilespmem:$0x19200] =	vst v63  }
0x7c: {  	_ =	swait.ge [sflag:s18], $0x2800  }
0x7d: {  	[sflag:s18] =	ssyncset.done $0x0  }
0x7e: {  	[sflag:s18] =	ssyncadd.s32 $0xFFFFD800  }
0x7f: {  	_ =	swait.ge [sflag:s29], $0x2800  }
0x80: {  	[sflag:s29] =	ssyncset.done $0x0  }
0x81: {  	[sflag:s29] =	ssyncadd.s32 $0xFFFFD800  }
0x82: {  	[spmem:s1] =	stream.indirect.scatter.add.f32 [tilespmem:s28], [sflag:$0x5], $0x80, s21, s23, $0xb8;
	[tilespmem:$0x19200] =	vst v63  }
0x83: {  	_ =	swait.ge [sflag:s18], $0x2800  }
0x84: {  	s30 =	sadd.s32 $0x1, s30;
	[sflag:s18] =	ssyncset.done $0x0  }
0x85: {  	p0 =	sne.s32 s30, s12;
	[sflag:s18] =	ssyncadd.s32 $0xFFFFD800  }
.Ltmp1:
0x86: {  	[bflag:$0x0] =	sbarrier.arrive $0xFFFF;
	(pc) =	sbr.rel @p0 .LBB2_1-.Ltmp1, $4  }
0x87: {  	[hbm:s11], [sflag:s6] =	dma.local [spmem:s17], $0x2800  }
0x88: {  	_ =	swait.ge [sflag:s18], $0x2800  }
0x89: {  	[sflag:s18] =	ssyncset.done $0x0  }
0x8a: {  	[sflag:s18] =	ssyncadd.s32 $0xFFFFD800  }
0x8b: {  	_ =	sfence.sel $0x180000  }
0x8c: {  	[bflag:$0x0] =	sbarrier.arrive $0xFFFF  }
0x8d: {  	_ =	strace $0x9000004A  }
0x8e: {  	s0 =	stileid.u32;
	[bflag:$0x2] =	sbarrier.arrive $0xFFFF  }
0x8f: {  	p0 =	sne.s32 s0, $0x0;
	s0 =	rddreg [dreg:$0x2]  }
0x90: {  	s0 =	sadd.s32 @!p0 $0x100000, s0  }
0x91: {  	[sflag:s0] =	ssyncadd.tile.s32 @!p0 $0x1;
	_ =	shalt  }
.Lfunc_end2:
_tile_overlayer_lowered:
.L_overlay_start_2:
0x92: {  	(tag) =	ssettag $0x2  }
0x93: {  	s0 =	rddreg [dreg:$0x0];
	s2 =	stileid.u32  }
0x94: {  	s1 =	rddreg [dreg:$0x1];
	p0 =	sne.s32 s2, $0x0  }
0x95: {  	s3 =	rddreg [dreg:$0x2];
	[bflag:$0x3] =	sbarrier.arrive $0xFFFF;
	s2 =	simm.s32 @!p0 $0x1C05  }
0x96: {  	[timem:s3], [sflag:s2] =	dma.local @!p0 [hbm:s0], s1  }
0x97: {  	s0 =	simm.s32 @!p0 $0x5  }
0x98: {  	_ =	swait.ge @!p0 [sflag:s0], s1  }
0x99: {  	s1 =	ssub.s32 @!p0 $0x0, s1;
	[sflag:s0] =	ssyncset.done @!p0 $0x0  }
0x9a: {  	[sflag:s0] =	ssyncadd.s32 @!p0 s1  }
0x9b: {  	[bflag:$0x3] =	sbarrier.arrive $0xFFFF  }
0x9c: {  	_ =	shalt  }

// kernel: kernel.14.cloned.1.call-start
scs
__scs_entry_jumppad:
0x0: {  	(pc) =	sbr.rel $0x88, $3  }
0x1: {  	(tag) =	ssettag $0x0;
	lr =	simm.s32 $0x1  }
0x2: {  	[smem:$0x3F8F] =	sst lr;
	_ =	strace $0xD0000000  }
0x3: {  	_ = 	snop  }
0x4: {  	_ = 	snop  }
0x5: {  	_ = 	snop  }
0x6: {  	_ = 	snop  }
0x7: {  	_ = 	snop  }
__scs_overlays_trampoline_lowered:
0x8: {  	[smem:$0x3F9E] =	sst s0  }
0x9: {  	[smem:$0x3F9F] =	sst s1  }
0xa: {  	[smem:$0x3FA0] =	sst s2  }
0xb: {  	[smem:$0x3FA1] =	sst s3  }
0xc: {  	[smem:$0x3FA2] =	sst s4  }
0xd: {  	[smem:$0x3FA3] =	sst s5  }
0xe: {  	[smem:$0x3FA4] =	sst s6  }
0xf: {  	[smem:$0x3FA5] =	sst s7  }
0x10: {  	[smem:$0x3FA6] =	sst s8  }
0x11: {  	[smem:$0x3FA7] =	sst s9;
	s0 =	simm.s32 @!p0 $0x0  }
0x12: {  	s1 =	sld [smem:$0x3F8D];
	s0 =	simm.s32 @p0 $0x1  }
0x13: {  	[smem:$0x3FA8] =	sst s0;
	s0 =	simm.s32 @!p1 $0x0  }
0x14: {  	s2 =	sld [smem:$0x3F8C];
	s0 =	simm.s32 @p1 $0x1  }
0x15: {  	[smem:$0x3FA9] =	sst s0;
	s0 =	simm.s32 @!p2 $0x0  }
0x16: {  	s3 =	sld [smem:$0x3FDB];
	s0 =	simm.s32 @p2 $0x1  }
0x17: {  	s4 =	simm.s32 $0x1BF5;
	[smem:$0x3FAB] =	sst s0  }
0x18: {  	s0 =	sld [smem:$0x3F8E];
	_ =	swait.ge [sflag:s4], $0x0  }
0x19: {  	s7 =	sld [smem:$0x3F8F]  }
0x1a: {  	s8 =	sadd.s32 $0xFFFFE003, lr  }
0x1b: {  	s9 =	sadd.s32 $0xFFFFFEF7, lr;
	s5 =	simm.s32 $0xFFFFFFFF;
	p2 =	slt.u32 s8, $0xFFFFF086  }
0x1c: {  	p1 =	slt.u32 s9, $0xF7A;
	s5 =	simm.s32 @!p2 $0x0  }
0x1d: {  	s5 =	simm.s32 @p1 $0x1;
	p0 =	seq.s32 s7, s2  }
0x1e: {  	s7 =	smul.u32 @!p0 $0xF7A, s2;
	p2 =	seq.s32 @!p0 s5, $0x0  }
0x1f: {  	s9 =	smul.u32 $0xF7A, s1;
	s8 =	simm.s32 @!p0 $0x1BF5;
	p2 =	por !p2, p0  }
0x20: {  	[sflag:s8] =	ssyncset.s32 @!p0 $0xFFFFF086;
	s6 =	sadd.s32 @!p0 s3, s7;
	s7 =	simm.s32 @!p0 $0x108  }
0x21: {  	s3 =	sadd.s32 s3, s9;
	s6 =	sadd.s32 @!p0 $0x88, s6;
	s7 =	simm.s32 @p2 $0x1082  }
0x22: {  	[simem:s7], [sflag:s8] =	dma.local @!p0 [hbm:s6], $0xF7A  }
0x23: {  	s9 =	sor.u32 $0xD0000000, s2;
	s6 =	simm.s32 $0x108;
	_ =	swait.ge @!p0 [sflag:s8], $0x0  }
0x24: {  	s3 =	sadd.s32 $0x88, s3;
	s6 =	simm.s32 @!p1 $0x1082;
	[sflag:s4] =	ssyncset.s32 $0xFFFFF086  }
0x25: {  	[simem:s6], [sflag:s4] =	dma.local [hbm:s3], $0xF7A  }
0x26: {  	[smem:$0x3F8F] =	sst s1;
	(tag) =	ssettag s2;
	_ =	strace s9  }
0x27: {  	s1 =	sld [smem:$0x3F9F]  }
0x28: {  	s2 =	sld [smem:$0x3FA0]  }
0x29: {  	s4 =	sld [smem:$0x3FA2]  }
0x2a: {  	p0 =	seq.s32 s5, $0x0;
	s5 =	sld [smem:$0x3FA3]  }
0x2b: {  	s6 =	sld [smem:$0x3FA4]  }
0x2c: {  	s7 =	sld [smem:$0x3FA5]  }
0x2d: {  	s3 =	simm.s32 $0x108;
	s8 =	sld [smem:$0x3FA6]  }
0x2e: {  	s3 =	simm.s32 @!p0 $0x1082;
	s9 =	sld [smem:$0x3FA7]  }
0x2f: {  	lr =	sadd.s32 s0, s3;
	s0 =	sld [smem:$0x3F9E]  }
0x30: {  	s3 =	sld [smem:$0x3FA1]  }
0x31: {  	[smem:$0x3FAA] =	sst s10  }
0x32: {  	s10 =	sld [smem:$0x3FA8];
	_ =	sdelay $0x3  }
0x33: {  	p0 =	seq.s32 s10, $0x1;
	s10 =	sld [smem:$0x3FAA];
	_ =	sdelay $0x3  }
0x34: {  	[smem:$0x3FAA] =	sst s10  }
0x35: {  	s10 =	sld [smem:$0x3FA9];
	_ =	sdelay $0x3  }
0x36: {  	p1 =	seq.s32 s10, $0x1;
	s10 =	sld [smem:$0x3FAA];
	_ =	sdelay $0x3  }
0x37: {  	[smem:$0x3FAA] =	sst s10  }
0x38: {  	s10 =	sld [smem:$0x3FAB]  }
0x39: {  	_ = 	snop;
	(pc) =	sbr.ind lr, $3  }
0x3a: {  	_ = 	snop  }
0x3b: {  	_ = 	snop  }
0x3c: {  	p2 =	seq.s32 s10, $0x1;
	s10 =	sld [smem:$0x3FAA]  }
0x3d: {  	_ =	shalt  }
0x3e: {  	_ =	shalt  }
0x3f: {  	_ =	shalt  }
0x40: {  	_ =	shalt  }
0x41: {  	_ =	shalt  }
0x42: {  	_ =	shalt  }
0x43: {  	_ =	shalt  }
0x44: {  	_ =	shalt  }
0x45: {  	_ =	shalt  }
0x46: {  	_ =	shalt  }
0x47: {  	_ =	shalt  }
0x48: {  	_ =	shalt  }
0x49: {  	_ =	shalt  }
0x4a: {  	_ =	shalt  }
0x4b: {  	_ =	shalt  }
0x4c: {  	_ =	shalt  }
0x4d: {  	_ =	shalt  }
0x4e: {  	_ =	shalt  }
0x4f: {  	_ =	shalt  }
0x50: {  	_ =	shalt  }
0x51: {  	_ =	shalt  }
0x52: {  	_ =	shalt  }
0x53: {  	_ =	shalt  }
0x54: {  	_ =	shalt  }
0x55: {  	_ =	shalt  }
0x56: {  	_ =	shalt  }
0x57: {  	_ =	shalt  }
0x58: {  	_ =	shalt  }
0x59: {  	_ =	shalt  }
0x5a: {  	_ =	shalt  }
0x5b: {  	_ =	shalt  }
0x5c: {  	_ =	shalt  }
0x5d: {  	_ =	shalt  }
0x5e: {  	_ =	shalt  }
0x5f: {  	_ =	shalt  }
0x60: {  	_ =	shalt  }
0x61: {  	_ =	shalt  }
0x62: {  	_ =	shalt  }
0x63: {  	_ =	shalt  }
0x64: {  	_ =	shalt  }
0x65: {  	_ =	shalt  }
0x66: {  	_ =	shalt  }
0x67: {  	_ =	shalt  }
0x68: {  	_ =	shalt  }
0x69: {  	_ =	shalt  }
0x6a: {  	_ =	shalt  }
0x6b: {  	_ =	shalt  }
0x6c: {  	_ =	shalt  }
0x6d: {  	_ =	shalt  }
0x6e: {  	_ =	shalt  }
0x6f: {  	_ =	shalt  }
0x70: {  	_ =	shalt  }
0x71: {  	_ =	shalt  }
0x72: {  	_ =	shalt  }
0x73: {  	_ =	shalt  }
0x74: {  	_ =	shalt  }
0x75: {  	_ =	shalt  }
0x76: {  	_ =	shalt  }
0x77: {  	_ =	shalt  }
0x78: {  	_ =	shalt  }
0x79: {  	_ =	shalt  }
0x7a: {  	_ =	shalt  }
0x7b: {  	_ =	shalt  }
0x7c: {  	_ =	shalt  }
0x7d: {  	_ =	shalt  }
0x7e: {  	_ =	shalt  }
0x7f: {  	_ =	shalt  }
0x80: {  	_ =	shalt  }
0x81: {  	_ =	shalt  }
0x82: {  	_ =	shalt  }
0x83: {  	_ =	shalt  }
0x84: {  	_ =	shalt  }
0x85: {  	_ =	shalt  }
0x86: {  	_ =	shalt  }
0x87: {  	_ =	shalt  }
.Lfunc_end0:
.L_simem_size_0:
called_computation.2_lowered:
.L_overlay_start_0:
0x88: {  	s2 =	sld [smem:$0x3FD9]  }
0x89: {  	s3 =	sld [smem:$0x3FFE];
	_ =	sdelay $0x1  }
0x8a: {  	s1 =	srdreg.scid  }
0x8b: {  	s0 =	sand.u32 $0x1, s1  }
0x8c: {  	s16 =	sshll.u32 s0, $0xA;
	s2 =	sadd.s32 s3, s2  }
0x8d: {  	s2 =	sadd.s32 s2, s16  }
0x8e: {  	[smem:$0x3FB6] =	sst s2  }
0x8f: {  	_ = 	snop  }
0x90: {  	(tm) =	ssettm $0x1  }
0x91: {  	s17 =	sld [smem:$0x3FFB];
	_ =	sdelay $0x3  }
0x92: {  	_ =	strace s17  }
0x93: {  	s2 =	sld [smem:$0x3FFC];
	_ =	sdelay $0x3  }
0x94: {  	_ =	strace s2  }
0x95: {  	s2 =	sld [smem:$0x3FFD];
	_ =	sdelay $0x3  }
0x96: {  	_ =	strace s2  }
0x97: {  	_ =	strace $0x8FFFFFFF  }
0x98: {  	s18 =	sld [smem:$0x3FDB];
	_ =	sdelay $0x1  }
0x99: {  	s19 =	simm.s32 $_scs_section_size  }
0x9a: {  	s4 =	simm.s32 $_size__tile_overlayer_lowered;
	s5 =	simm.s32 $_tile_overlayer_lowered  }
0x9b: {  	s22 =	simm.s32 $0x1BFF;
	s21 =	sshll.u32 s5, $0x1;
	s2 =	sadd.s32 s19, s18  }
0x9c: {  	s6 =	simm.s32 $0x0;
	s20 =	sshll.u32 s4, $0x1;
	s4 =	sadd.s32 s21, s2  }
0x9d: {  	[timem:s6], [sflag:s22] =	dma.local [hbm:s4], s20  }
0x9e: {  	_ =	swait.ge [sflag:s22], s20  }
0x9f: {  	s3 =	ssub.s32 $0x0, s20;
	[sflag:s22] =	ssyncset.done $0x0  }
0xa0: {  	[sflag:s22] =	ssyncadd.s32 s3;
	_ =	sdelay $0x1  }
0xa1: {  	s23 =	simm.s32 $0x1B8B  }
0xa2: {  	_ =	swait.ge [sflag:s23], $0x1  }
0xa3: {  	[sflag:s23] =	ssyncset.done $0x0  }
0xa4: {  	s25 =	simm.s32 $0x1B8E;
	s24 =	sld [smem:$0x3FFE];
	[sflag:s23] =	ssyncadd.s32 $0xFFFFFFFF  }
0xa5: {  	s26 =	simm.s32 $execute0_lowered;
	[smem:$0x3FD2] =	sst s25  }
0xa6: {  	s4 =	sshll.u32 s26, $0x1;
	_ =	strace $0x8000004C;
	[dreg:$0x1] =	wrdreg $0xFFFFFFFF  }
0xa7: {  	s28 =	simm.s32 $_size_execute0_lowered;
	s2 =	sadd.s32 s2, s4;
	[dreg:$0x0] =	wrdreg $0x0  }
0xa8: {  	s4 =	sshll.u32 s28, $0x1;
	[dreg:$0x2] =	wrdreg s2  }
0xa9: {  	[dreg:$0x3] =	wrdreg s4  }
0xaa: {  	[dreg:$0x4] =	wrdreg $0xC0  }
0xab: {  	_ =	task [dreg:s6], $0x5FFFF  }
0xac: {  	[dreg:$0x1] =	wrdreg $0xFFFFFFFF  }
0xad: {  	[dreg:$0x0] =	wrdreg $0x60  }
0xae: {  	[dreg:$0x2] =	wrdreg s24  }
0xaf: {  	[dreg:$0x3] =	wrdreg $0x52000  }
0xb0: {  	[dreg:$0x4] =	wrdreg $0x9  }
0xb1: {  	_ =	task.clear_ibuf [dreg:s6], $0x5FFFF;
	_ =	strace $0x9000004C  }
0xb2: {  	s29 =	simm.s32 $0x9;
	_ =	strace $0x8000004E  }
0xb3: {  	_ =	swait.ge [sflag:s29], $0x1  }
0xb4: {  	[sflag:s29] =	ssyncadd.s32 $0xFFFFFFFF  }
0xb5: {  	_ =	strace $0x9000004E  }
0xb6: {  	_ =	sfence  }
0xb7: {  	s30 =	sld [smem:$0x0];
	_ =	sdelay $0x2  }
0xb8: {  	s31 =	sshll.u32 s1, $0xD;
	s1 =	sshrl.u32 s1, $0x2  }
0xb9: {  	s3 =	sand.u32 $0x4000, s31;
	s1 =	sadd.s32 s1, s30  }
0xba: {  	s0 =	sor.u32 s3, s0;
	s1 =	sshll.u32 s1, $0x11  }
0xbb: {  	s0 =	sor.u32 s1, s0  }
0xbc: {  	s0 =	sadd.s32 $0x8F2B, s0  }
0xbd: {  	[sflag:s0] =	ssyncadd.remote.s32 $0x1  }
0xbe: {  	_ =	sfence.sel $0xFFFF  }
0xbf: {  	[dreg:$0x0] =	wrdreg $0xFFFFFFFF;
	(pc) =	sbr.abs _section_cstart, $3  }
0xc0: {  	[dreg:$0x1] =	wrdreg $0xFFFFFFFF  }
0xc1: {  	_ =	task.clear_ibuf [dreg:s6], $0x2FFFF;
	_ =	strace $0x9FFFFFFF  }
0xc2: {  	(tm) =	ssettm $0x7FFFFFFF  }
0xc3: {  	_ =	shalt  }
tec
execute0_lowered:
.L_overlay_start_1:
0x0: {  	(tag) =	ssettag $0x1  }
0x1: {  	s0 =	rddreg [dreg:$0x0]  }
0x2: {  	s1 =	rddreg [dreg:$0x1];
	s3 =	simm.s32 $0x0  }
0x3: {  	s2 =	stileid.u32;
	s6 =	srdreg.scid;
	s19 =	simm.s32 $0x100  }
0x4: {  	s20 =	simm.s32 $0x80;
	s28 =	simm.s32 $0x2A00;
	s29 =	simm.s32 $0x4  }
0x5: {  	s30 =	simm.s32 $0x0;
	[smem:$0x7FF] =	sst s3;
	s4 =	sadd.s32 $0x3FA00, s0  }
0x6: {  	s5 =	smul.u32 $0x2800, s2;
	s16 =	sadd.s32 $0xDA00, s0;
	s15 =	sadd.s32 $0x3A00, s0  }
0x7: {  	s6 =	sand.u32 $0x1, s6;
	s10 =	smul.u32 $0x50000, s2;
	s24 =	sshll.u32 s2, $0x6  }
0x8: {  	_ =	strace $0x8000004D;
	s8 =	smul.u32 $0x28000, s6;
	s9 =	sshll.u32 s6, $0x4  }
0x9: {  	s6 =	ssub.s32 $0x2, s6;
	s7 =	sadd.s32 s5, s0;
	s9 =	sor.u32 s2, s9  }
0xa: {  	s21 =	sshrl.u32 s6, $0x1;
	s23 =	sshrl.u32 s10, $0x2;
	s13 =	sadd.s32 s5, s8  }
0xb: {  	s22 =	smul.u32 $0x2800, s9;
	s12 =	ssub.s32 s6, s21;
	s17 =	sadd.s32 s23, s1  }
0xc: {  	s5 =	sadd.s32 $0x17A00, s7;
	s6 =	sor.u32 $0x1C05, s24;
	s21 =	simm.s32 $0x180  }
0xd: {  	s23 =	simm.s32 $0x50;
	s24 =	simm.s32 $0x200;
	s0 =	sadd.s32 s13, s0  }
0xe: {  	s26 =	sor.u32 $0xF0, s13;
	s12 =	smax.u32 s12, $0x1;
	s18 =	sor.u32 $0xA0, s13  }
0xf: {  	s17 =	sshrl.u32 s17, $0x3;
	s8 =	sshrl.u32 s22, $0x3;
	s11 =	sadd.s32 $0x66C00, s0  }
0x10: {  	s0 =	sshrl.u32 s26, $0x3;
	s31 =	sshrl.u32 s18, $0x3;
	s18 =	simm.s32 $0x5  }
0x11: {  	s22 =	simm.s32 $0x1;
	s26 =	simm.s32 $0x2;
	s25 =	sor.u32 $0xA, s8  }
0x12: {  	s7 =	sadd.s32 s16, s8;
	s8 =	sadd.s32 s15, s8;
	s13 =	sadd.s32 s0, s15  }
0x13: {  	s14 =	sadd.s32 s0, s16;
	s9 =	sadd.s32 s16, s25;
	s10 =	sadd.s32 s15, s25  }
0x14: {  	s15 =	sadd.s32 s31, s15;
	s16 =	sadd.s32 s31, s16;
	s25 =	simm.s32 $0x3  }
.LBB2_1:
0x15: {  	[spmem:s17], [sflag:s6] =	dma.local [hbm:s5], $0x2800  }
0x16: {  	_ =	swait.ge [sflag:s18], $0x2800  }
0x17: {  	[sflag:s18] =	ssyncset.done $0x0  }
0x18: {  	[sflag:s18] =	ssyncadd.s32 $0xFFFFD800  }
0x19: {  	[bflag:$0x0] =	sbarrier.arrive $0xFFFF  }
0x1a: {  	[tilespmem:s3], [sflag:$0x1] =	stream.linear.gather [hbm4b:s7+s3], $0x50, $0x38;
	[tilespmem:$0x19200] =	vst v63  }
0x1b: {  	_ = 	snop  }
0x1c: {  	[tilespmem:s19], [sflag:$0x1] =	stream.linear.gather [hbm4b:s8+s3], $0x50, $0x38;
	[tilespmem:$0x19200] =	vst v63  }
0x1d: {  	_ = 	snop  }
0x1e: {  	[tilespmem:s20], [sflag:$0x2] =	stream.linear.gather [hbm4b:s9+s3], $0x50, $0x38;
	[tilespmem:$0x19200] =	vst v63  }
0x1f: {  	_ = 	snop  }
0x20: {  	[tilespmem:s21], [sflag:$0x2] =	stream.linear.gather [hbm4b:s10+s3], $0x50, $0x38;
	[tilespmem:$0x19200] =	vst v63  }
0x21: {  	_ =	swait.ge [sflag:s22], $0x50  }
0x22: {  	[sflag:s22] =	ssyncset.done $0x0  }
0x23: {  	[sflag:s22] =	ssyncadd.s32 $0xFFFFFFB0  }
0x24: {  	_ =	swait.ge [sflag:s22], $0x50  }
0x25: {  	[sflag:s22] =	ssyncset.done $0x0  }
0x26: {  	[sflag:s22] =	ssyncadd.s32 $0xFFFFFFB0  }
0x27: {  	[tilespmem:s24], [sflag:$0x3] =	stream.indirect.gather [hbm4b:s4+s23], $0x80, s3, s23, $0xb8;
	[tilespmem:$0x19200] =	vst v63  }
0x28: {  	_ =	swait.ge [sflag:s25], $0x2800  }
0x29: {  	[sflag:s25] =	ssyncset.done $0x0  }
0x2a: {  	[sflag:s25] =	ssyncadd.s32 $0xFFFFD800  }
0x2b: {  	_ =	swait.ge [sflag:s26], $0x50  }
0x2c: {  	[sflag:s26] =	ssyncset.done $0x0  }
0x2d: {  	[sflag:s26] =	ssyncadd.s32 $0xFFFFFFB0  }
0x2e: {  	_ =	swait.ge [sflag:s26], $0x50  }
0x2f: {  	[sflag:s26] =	ssyncset.done $0x0  }
0x30: {  	[sflag:s26] =	ssyncadd.s32 $0xFFFFFFB0  }
0x31: {  	[tilespmem:s28], [sflag:$0x4] =	stream.indirect.gather [hbm4b:s4+s23], $0x80, s20, s23, $0xb8;
	[tilespmem:$0x19200] =	vst v63  }
0x32: {  	_ = 	snop  }
0x33: {  	[spmem:s1] =	stream.indirect.scatter.add.f32 [tilespmem:s24], [sflag:$0x5], $0x80, s19, s23, $0xb8;
	[tilespmem:$0x19200] =	vst v63  }
0x34: {  	_ =	swait.ge [sflag:s18], $0x2800  }
0x35: {  	[sflag:s18] =	ssyncset.done $0x0  }
0x36: {  	s0 =	sadd.s32 $0x0, s16;
	[sflag:s18] =	ssyncadd.s32 $0xFFFFD800  }
0x37: {  	[tilespmem:s3], [sflag:$0x1] =	stream.linear.gather [hbm4b:s0+s3], $0x50, $0x38;
	[tilespmem:$0x19200] =	vst v63  }
0x38: {  	s2 =	sadd.s32 $0x0, s15  }
0x39: {  	[tilespmem:s19], [sflag:$0x1] =	stream.linear.gather [hbm4b:s2+s3], $0x50, $0x38;
	[tilespmem:$0x19200] =	vst v63  }
0x3a: {  	_ =	swait.ge [sflag:s29], $0x2800  }
0x3b: {  	[sflag:s29] =	ssyncset.done $0x0  }
0x3c: {  	[sflag:s29] =	ssyncadd.s32 $0xFFFFD800  }
0x3d: {  	_ =	swait.ge [sflag:s22], $0x50  }
0x3e: {  	[sflag:s22] =	ssyncset.done $0x0  }
0x3f: {  	[sflag:s22] =	ssyncadd.s32 $0xFFFFFFB0  }
0x40: {  	_ =	swait.ge [sflag:s22], $0x50  }
0x41: {  	[sflag:s22] =	ssyncset.done $0x0  }
0x42: {  	[sflag:s22] =	ssyncadd.s32 $0xFFFFFFB0  }
0x43: {  	[tilespmem:s24], [sflag:$0x3] =	stream.indirect.gather [hbm4b:s4+s23], $0x80, s3, s23, $0xb8;
	[tilespmem:$0x19200] =	vst v63  }
0x44: {  	_ = 	snop  }
0x45: {  	[spmem:s1] =	stream.indirect.scatter.add.f32 [tilespmem:s28], [sflag:$0x5], $0x80, s21, s23, $0xb8;
	[tilespmem:$0x19200] =	vst v63  }
0x46: {  	_ =	swait.ge [sflag:s18], $0x2800  }
0x47: {  	s31 =	simm.s32 $0x14;
	[sflag:s18] =	ssyncset.done $0x0  }
0x48: {  	s0 =	sadd.s32 $0x0, s13;
	s2 =	sadd.s32 $0x0, s14;
	[sflag:s18] =	ssyncadd.s32 $0xFFFFD800  }
0x49: {  	[tilespmem:s20], [sflag:$0x2] =	stream.linear.gather [hbm4b:s2+s3], $0x50, $0x38;
	[tilespmem:$0x19200] =	vst v63  }
.LBB2_2:
0x4a: {  	[tilespmem:s21], [sflag:$0x2] =	stream.linear.gather [hbm4b:s0+s3], $0x50, $0x38;
	[tilespmem:$0x19200] =	vst v63  }
0x4b: {  	s0 =	smov.u32 s31  }
0x4c: {  	p0 =	sne.s32 s31, $0x4D8;
	s31 =	sadd.s32 $0x14, s31;
	_ =	swait.ge [sflag:s25], $0x2800  }
0x4d: {  	[sflag:s25] =	ssyncset.done $0x0  }
0x4e: {  	[sflag:s25] =	ssyncadd.s32 $0xFFFFD800  }
0x4f: {  	_ =	swait.ge [sflag:s26], $0x50  }
0x50: {  	[sflag:s26] =	ssyncset.done $0x0  }
0x51: {  	[sflag:s26] =	ssyncadd.s32 $0xFFFFFFB0  }
0x52: {  	_ =	swait.ge [sflag:s26], $0x50  }
0x53: {  	[sflag:s26] =	ssyncset.done $0x0  }
0x54: {  	[sflag:s26] =	ssyncadd.s32 $0xFFFFFFB0  }
0x55: {  	[tilespmem:s28], [sflag:$0x4] =	stream.indirect.gather [hbm4b:s4+s23], $0x80, s20, s23, $0xb8;
	[tilespmem:$0x19200] =	vst v63  }
0x56: {  	_ = 	snop  }
0x57: {  	[spmem:s1] =	stream.indirect.scatter.add.f32 [tilespmem:s24], [sflag:$0x5], $0x80, s19, s23, $0xb8;
	[tilespmem:$0x19200] =	vst v63  }
0x58: {  	_ =	swait.ge [sflag:s18], $0x2800  }
0x59: {  	[sflag:s18] =	ssyncset.done $0x0  }
0x5a: {  	s2 =	sadd.s32 s0, s16;
	[sflag:s18] =	ssyncadd.s32 $0xFFFFD800  }
0x5b: {  	[tilespmem:s3], [sflag:$0x1] =	stream.linear.gather [hbm4b:s2+s3], $0x50, $0x38;
	[tilespmem:$0x19200] =	vst v63  }
0x5c: {  	s2 =	sadd.s32 s0, s15  }
0x5d: {  	[tilespmem:s19], [sflag:$0x1] =	stream.linear.gather [hbm4b:s2+s3], $0x50, $0x38;
	[tilespmem:$0x19200] =	vst v63  }
0x5e: {  	_ =	swait.ge [sflag:s29], $0x2800  }
0x5f: {  	[sflag:s29] =	ssyncset.done $0x0  }
0x60: {  	[sflag:s29] =	ssyncadd.s32 $0xFFFFD800  }
0x61: {  	_ =	swait.ge [sflag:s22], $0x50  }
0x62: {  	[sflag:s22] =	ssyncset.done $0x0  }
0x63: {  	[sflag:s22] =	ssyncadd.s32 $0xFFFFFFB0  }
0x64: {  	_ =	swait.ge [sflag:s22], $0x50  }
0x65: {  	[sflag:s22] =	ssyncset.done $0x0  }
0x66: {  	[sflag:s22] =	ssyncadd.s32 $0xFFFFFFB0  }
0x67: {  	[tilespmem:s24], [sflag:$0x3] =	stream.indirect.gather [hbm4b:s4+s23], $0x80, s3, s23, $0xb8;
	[tilespmem:$0x19200] =	vst v63  }
0x68: {  	_ = 	snop  }
0x69: {  	[spmem:s1] =	stream.indirect.scatter.add.f32 [tilespmem:s28], [sflag:$0x5], $0x80, s21, s23, $0xb8;
	[tilespmem:$0x19200] =	vst v63  }
.Ltmp0:
0x6a: {  	_ =	swait.ge [sflag:s18], $0x2800;
	(pc) =	sbr.rel @p0 .LBB2_2-.Ltmp0, $4  }
0x6b: {  	[sflag:s18] =	ssyncset.done $0x0  }
0x6c: {  	s2 =	sadd.s32 s0, s14;
	[sflag:s18] =	ssyncadd.s32 $0xFFFFD800  }
0x6d: {  	[tilespmem:s20], [sflag:$0x2] =	stream.linear.gather [hbm4b:s2+s3], $0x50, $0x38;
	[tilespmem:$0x19200] =	vst v63  }
0x6e: {  	s0 =	sadd.s32 s0, s13  }
0x6f: {  	[tilespmem:s21], [sflag:$0x2] =	stream.linear.gather [hbm4b:s0+s3], $0x50, $0x38;
	[tilespmem:$0x19200] =	vst v63  }
0x70: {  	_ =	swait.ge [sflag:s25], $0x2800  }
0x71: {  	[sflag:s25] =	ssyncset.done $0x0  }
0x72: {  	[sflag:s25] =	ssyncadd.s32 $0xFFFFD800  }
0x73: {  	_ =	swait.ge [sflag:s26], $0x50  }
0x74: {  	[sflag:s26] =	ssyncset.done $0x0  }
0x75: {  	[sflag:s26] =	ssyncadd.s32 $0xFFFFFFB0  }
0x76: {  	_ =	swait.ge [sflag:s26], $0x50  }
0x77: {  	[sflag:s26] =	ssyncset.done $0x0  }
0x78: {  	[sflag:s26] =	ssyncadd.s32 $0xFFFFFFB0  }
0x79: {  	[tilespmem:s28], [sflag:$0x4] =	stream.indirect.gather [hbm4b:s4+s23], $0x80, s20, s23, $0xb8;
	[tilespmem:$0x19200] =	vst v63  }
0x7a: {  	_ = 	snop  }
0x7b: {  	[spmem:s1] =	stream.indirect.scatter.add.f32 [tilespmem:s24], [sflag:$0x5], $0x80, s19, s23, $0xb8;
	[tilespmem:$0x19200] =	vst v63  }
0x7c: {  	_ =	swait.ge [sflag:s18], $0x2800  }
0x7d: {  	[sflag:s18] =	ssyncset.done $0x0  }
0x7e: {  	[sflag:s18] =	ssyncadd.s32 $0xFFFFD800  }
0x7f: {  	_ =	swait.ge [sflag:s29], $0x2800  }
0x80: {  	[sflag:s29] =	ssyncset.done $0x0  }
0x81: {  	[sflag:s29] =	ssyncadd.s32 $0xFFFFD800  }
0x82: {  	[spmem:s1] =	stream.indirect.scatter.add.f32 [tilespmem:s28], [sflag:$0x5], $0x80, s21, s23, $0xb8;
	[tilespmem:$0x19200] =	vst v63  }
0x83: {  	_ =	swait.ge [sflag:s18], $0x2800  }
0x84: {  	s30 =	sadd.s32 $0x1, s30;
	[sflag:s18] =	ssyncset.done $0x0  }
0x85: {  	p0 =	sne.s32 s30, s12;
	[sflag:s18] =	ssyncadd.s32 $0xFFFFD800  }
.Ltmp1:
0x86: {  	[bflag:$0x0] =	sbarrier.arrive $0xFFFF;
	(pc) =	sbr.rel @p0 .LBB2_1-.Ltmp1, $4  }
0x87: {  	[hbm:s11], [sflag:s6] =	dma.local [spmem:s17], $0x2800  }
0x88: {  	_ =	swait.ge [sflag:s18], $0x2800  }
0x89: {  	[sflag:s18] =	ssyncset.done $0x0  }
0x8a: {  	[sflag:s18] =	ssyncadd.s32 $0xFFFFD800  }
0x8b: {  	_ =	sfence.sel $0x180000  }
0x8c: {  	[bflag:$0x0] =	sbarrier.arrive $0xFFFF  }
0x8d: {  	_ =	strace $0x9000004D  }
0x8e: {  	s0 =	stileid.u32;
	[bflag:$0x2] =	sbarrier.arrive $0xFFFF  }
0x8f: {  	p0 =	sne.s32 s0, $0x0;
	s0 =	rddreg [dreg:$0x2]  }
0x90: {  	s0 =	sadd.s32 @!p0 $0x100000, s0  }
0x91: {  	[sflag:s0] =	ssyncadd.tile.s32 @!p0 $0x1;
	_ =	shalt  }
.Lfunc_end2:
_tile_overlayer_lowered:
.L_overlay_start_2:
0x92: {  	(tag) =	ssettag $0x2  }
0x93: {  	s0 =	rddreg [dreg:$0x0];
	s2 =	stileid.u32  }
0x94: {  	s1 =	rddreg [dreg:$0x1];
	p0 =	sne.s32 s2, $0x0  }
0x95: {  	s3 =	rddreg [dreg:$0x2];
	[bflag:$0x3] =	sbarrier.arrive $0xFFFF;
	s2 =	simm.s32 @!p0 $0x1C05  }
0x96: {  	[timem:s3], [sflag:s2] =	dma.local @!p0 [hbm:s0], s1  }
0x97: {  	s0 =	simm.s32 @!p0 $0x5  }
0x98: {  	_ =	swait.ge @!p0 [sflag:s0], s1  }
0x99: {  	s1 =	ssub.s32 @!p0 $0x0, s1;
	[sflag:s0] =	ssyncset.done @!p0 $0x0  }
0x9a: {  	[sflag:s0] =	ssyncadd.s32 @!p0 s1  }
0x9b: {  	[bflag:$0x3] =	sbarrier.arrive $0xFFFF  }
0x9c: {  	_ =	shalt  }

// kernel: kernel.8.cloned.1.call-start
scs
__scs_entry_jumppad:
0x0: {  	(pc) =	sbr.rel $0x88, $3  }
0x1: {  	(tag) =	ssettag $0x0;
	lr =	simm.s32 $0x1  }
0x2: {  	[smem:$0x3F8F] =	sst lr;
	_ =	strace $0xD0000000  }
0x3: {  	_ = 	snop  }
0x4: {  	_ = 	snop  }
0x5: {  	_ = 	snop  }
0x6: {  	_ = 	snop  }
0x7: {  	_ = 	snop  }
__scs_overlays_trampoline_lowered:
0x8: {  	[smem:$0x3F9E] =	sst s0  }
0x9: {  	[smem:$0x3F9F] =	sst s1  }
0xa: {  	[smem:$0x3FA0] =	sst s2  }
0xb: {  	[smem:$0x3FA1] =	sst s3  }
0xc: {  	[smem:$0x3FA2] =	sst s4  }
0xd: {  	[smem:$0x3FA3] =	sst s5  }
0xe: {  	[smem:$0x3FA4] =	sst s6  }
0xf: {  	[smem:$0x3FA5] =	sst s7  }
0x10: {  	[smem:$0x3FA6] =	sst s8  }
0x11: {  	[smem:$0x3FA7] =	sst s9;
	s0 =	simm.s32 @!p0 $0x0  }
0x12: {  	s1 =	sld [smem:$0x3F8D];
	s0 =	simm.s32 @p0 $0x1  }
0x13: {  	[smem:$0x3FA8] =	sst s0;
	s0 =	simm.s32 @!p1 $0x0  }
0x14: {  	s2 =	sld [smem:$0x3F8C];
	s0 =	simm.s32 @p1 $0x1  }
0x15: {  	[smem:$0x3FA9] =	sst s0;
	s0 =	simm.s32 @!p2 $0x0  }
0x16: {  	s3 =	sld [smem:$0x3FDB];
	s0 =	simm.s32 @p2 $0x1  }
0x17: {  	s4 =	simm.s32 $0x1BF5;
	[smem:$0x3FAB] =	sst s0  }
0x18: {  	s0 =	sld [smem:$0x3F8E];
	_ =	swait.ge [sflag:s4], $0x0  }
0x19: {  	s7 =	sld [smem:$0x3F8F]  }
0x1a: {  	s8 =	sadd.s32 $0xFFFFE003, lr  }
0x1b: {  	s9 =	sadd.s32 $0xFFFFFEF7, lr;
	s5 =	simm.s32 $0xFFFFFFFF;
	p2 =	slt.u32 s8, $0xFFFFF086  }
0x1c: {  	p1 =	slt.u32 s9, $0xF7A;
	s5 =	simm.s32 @!p2 $0x0  }
0x1d: {  	s5 =	simm.s32 @p1 $0x1;
	p0 =	seq.s32 s7, s2  }
0x1e: {  	s7 =	smul.u32 @!p0 $0xF7A, s2;
	p2 =	seq.s32 @!p0 s5, $0x0  }
0x1f: {  	s9 =	smul.u32 $0xF7A, s1;
	s8 =	simm.s32 @!p0 $0x1BF5;
	p2 =	por !p2, p0  }
0x20: {  	[sflag:s8] =	ssyncset.s32 @!p0 $0xFFFFF086;
	s6 =	sadd.s32 @!p0 s3, s7;
	s7 =	simm.s32 @!p0 $0x108  }
0x21: {  	s3 =	sadd.s32 s3, s9;
	s6 =	sadd.s32 @!p0 $0x88, s6;
	s7 =	simm.s32 @p2 $0x1082  }
0x22: {  	[simem:s7], [sflag:s8] =	dma.local @!p0 [hbm:s6], $0xF7A  }
0x23: {  	s9 =	sor.u32 $0xD0000000, s2;
	s6 =	simm.s32 $0x108;
	_ =	swait.ge @!p0 [sflag:s8], $0x0  }
0x24: {  	s3 =	sadd.s32 $0x88, s3;
	s6 =	simm.s32 @!p1 $0x1082;
	[sflag:s4] =	ssyncset.s32 $0xFFFFF086  }
0x25: {  	[simem:s6], [sflag:s4] =	dma.local [hbm:s3], $0xF7A  }
0x26: {  	[smem:$0x3F8F] =	sst s1;
	(tag) =	ssettag s2;
	_ =	strace s9  }
0x27: {  	s1 =	sld [smem:$0x3F9F]  }
0x28: {  	s2 =	sld [smem:$0x3FA0]  }
0x29: {  	s4 =	sld [smem:$0x3FA2]  }
0x2a: {  	p0 =	seq.s32 s5, $0x0;
	s5 =	sld [smem:$0x3FA3]  }
0x2b: {  	s6 =	sld [smem:$0x3FA4]  }
0x2c: {  	s7 =	sld [smem:$0x3FA5]  }
0x2d: {  	s3 =	simm.s32 $0x108;
	s8 =	sld [smem:$0x3FA6]  }
0x2e: {  	s3 =	simm.s32 @!p0 $0x1082;
	s9 =	sld [smem:$0x3FA7]  }
0x2f: {  	lr =	sadd.s32 s0, s3;
	s0 =	sld [smem:$0x3F9E]  }
0x30: {  	s3 =	sld [smem:$0x3FA1]  }
0x31: {  	[smem:$0x3FAA] =	sst s10  }
0x32: {  	s10 =	sld [smem:$0x3FA8];
	_ =	sdelay $0x3  }
0x33: {  	p0 =	seq.s32 s10, $0x1;
	s10 =	sld [smem:$0x3FAA];
	_ =	sdelay $0x3  }
0x34: {  	[smem:$0x3FAA] =	sst s10  }
0x35: {  	s10 =	sld [smem:$0x3FA9];
	_ =	sdelay $0x3  }
0x36: {  	p1 =	seq.s32 s10, $0x1;
	s10 =	sld [smem:$0x3FAA];
	_ =	sdelay $0x3  }
0x37: {  	[smem:$0x3FAA] =	sst s10  }
0x38: {  	s10 =	sld [smem:$0x3FAB]  }
0x39: {  	_ = 	snop;
	(pc) =	sbr.ind lr, $3  }
0x3a: {  	_ = 	snop  }
0x3b: {  	_ = 	snop  }
0x3c: {  	p2 =	seq.s32 s10, $0x1;
	s10 =	sld [smem:$0x3FAA]  }
0x3d: {  	_ =	shalt  }
0x3e: {  	_ =	shalt  }
0x3f: {  	_ =	shalt  }
0x40: {  	_ =	shalt  }
0x41: {  	_ =	shalt  }
0x42: {  	_ =	shalt  }
0x43: {  	_ =	shalt  }
0x44: {  	_ =	shalt  }
0x45: {  	_ =	shalt  }
0x46: {  	_ =	shalt  }
0x47: {  	_ =	shalt  }
0x48: {  	_ =	shalt  }
0x49: {  	_ =	shalt  }
0x4a: {  	_ =	shalt  }
0x4b: {  	_ =	shalt  }
0x4c: {  	_ =	shalt  }
0x4d: {  	_ =	shalt  }
0x4e: {  	_ =	shalt  }
0x4f: {  	_ =	shalt  }
0x50: {  	_ =	shalt  }
0x51: {  	_ =	shalt  }
0x52: {  	_ =	shalt  }
0x53: {  	_ =	shalt  }
0x54: {  	_ =	shalt  }
0x55: {  	_ =	shalt  }
0x56: {  	_ =	shalt  }
0x57: {  	_ =	shalt  }
0x58: {  	_ =	shalt  }
0x59: {  	_ =	shalt  }
0x5a: {  	_ =	shalt  }
0x5b: {  	_ =	shalt  }
0x5c: {  	_ =	shalt  }
0x5d: {  	_ =	shalt  }
0x5e: {  	_ =	shalt  }
0x5f: {  	_ =	shalt  }
0x60: {  	_ =	shalt  }
0x61: {  	_ =	shalt  }
0x62: {  	_ =	shalt  }
0x63: {  	_ =	shalt  }
0x64: {  	_ =	shalt  }
0x65: {  	_ =	shalt  }
0x66: {  	_ =	shalt  }
0x67: {  	_ =	shalt  }
0x68: {  	_ =	shalt  }
0x69: {  	_ =	shalt  }
0x6a: {  	_ =	shalt  }
0x6b: {  	_ =	shalt  }
0x6c: {  	_ =	shalt  }
0x6d: {  	_ =	shalt  }
0x6e: {  	_ =	shalt  }
0x6f: {  	_ =	shalt  }
0x70: {  	_ =	shalt  }
0x71: {  	_ =	shalt  }
0x72: {  	_ =	shalt  }
0x73: {  	_ =	shalt  }
0x74: {  	_ =	shalt  }
0x75: {  	_ =	shalt  }
0x76: {  	_ =	shalt  }
0x77: {  	_ =	shalt  }
0x78: {  	_ =	shalt  }
0x79: {  	_ =	shalt  }
0x7a: {  	_ =	shalt  }
0x7b: {  	_ =	shalt  }
0x7c: {  	_ =	shalt  }
0x7d: {  	_ =	shalt  }
0x7e: {  	_ =	shalt  }
0x7f: {  	_ =	shalt  }
0x80: {  	_ =	shalt  }
0x81: {  	_ =	shalt  }
0x82: {  	_ =	shalt  }
0x83: {  	_ =	shalt  }
0x84: {  	_ =	shalt  }
0x85: {  	_ =	shalt  }
0x86: {  	_ =	shalt  }
0x87: {  	_ =	shalt  }
.Lfunc_end0:
.L_simem_size_0:
called_computation_lowered:
.L_overlay_start_0:
0x88: {  	s2 =	sld [smem:$0x3FD9]  }
0x89: {  	s3 =	sld [smem:$0x3FFE];
	_ =	sdelay $0x1  }
0x8a: {  	s1 =	srdreg.scid  }
0x8b: {  	s0 =	sand.u32 $0x1, s1  }
0x8c: {  	s14 =	sshll.u32 s0, $0xA;
	s2 =	sadd.s32 s3, s2  }
0x8d: {  	s2 =	sadd.s32 s2, s14  }
0x8e: {  	[smem:$0x3FB6] =	sst s2  }
0x8f: {  	_ = 	snop  }
0x90: {  	s2 =	sld [smem:$0x3FD0];
	_ =	sdelay $0x2  }
0x91: {  	s15 =	simm.s32 $0xA;
	s4 =	simm.s32 $0x10  }
0x92: {  	[smem:s4], [sflag:s15] =	dma.local [hbm:s2], $0x1  }
0x93: {  	_ =	swait.eq [sflag:s15], $0x1  }
0x94: {  	[sflag:s15] =	ssyncset.done $0x0  }
0x95: {  	[sflag:s15] =	ssyncadd.s32 $0xFFFFFFFF  }
0x96: {  	s16 =	sld [smem:$0x11];
	(tm) =	ssettm $0x1  }
0x97: {  	s17 =	sld [smem:$0x3FFB];
	_ =	sdelay $0x3  }
0x98: {  	_ =	strace s17  }
0x99: {  	s3 =	sld [smem:$0x3FFC];
	_ =	sdelay $0x3  }
0x9a: {  	_ =	strace s3  }
0x9b: {  	s3 =	sld [smem:$0x3FFD];
	_ =	sdelay $0x3  }
0x9c: {  	_ =	strace s3  }
0x9d: {  	_ =	strace $0x8FFFFFFF  }
0x9e: {  	s18 =	sld [smem:$0x3FDB];
	_ =	sdelay $0x1  }
0x9f: {  	s19 =	simm.s32 $_scs_section_size  }
0xa0: {  	s5 =	simm.s32 $_size__tile_overlayer_lowered;
	s6 =	simm.s32 $_tile_overlayer_lowered  }
0xa1: {  	s22 =	simm.s32 $0x1BFF;
	s21 =	sshll.u32 s6, $0x1;
	s3 =	sadd.s32 s19, s18  }
0xa2: {  	s7 =	simm.s32 $0x0;
	s20 =	sshll.u32 s5, $0x1;
	s5 =	sadd.s32 s21, s3  }
0xa3: {  	[timem:s7], [sflag:s22] =	dma.local [hbm:s5], s20  }
0xa4: {  	_ =	swait.ge [sflag:s22], s20  }
0xa5: {  	s4 =	ssub.s32 $0x0, s20;
	[sflag:s22] =	ssyncset.done $0x0  }
0xa6: {  	[sflag:s22] =	ssyncadd.s32 s4;
	_ =	sdelay $0x1  }
0xa7: {  	s23 =	simm.s32 $0x1B8B  }
0xa8: {  	_ =	swait.ge [sflag:s23], $0x1  }
0xa9: {  	[sflag:s23] =	ssyncset.done $0x0  }
0xaa: {  	s25 =	simm.s32 $0x1B8E;
	s24 =	sld [smem:$0x3FFE];
	[sflag:s23] =	ssyncadd.s32 $0xFFFFFFFF  }
0xab: {  	s26 =	simm.s32 $execute0_lowered;
	[smem:$0x3FD2] =	sst s25  }
0xac: {  	s5 =	sshll.u32 s26, $0x1;
	_ =	strace $0x80000046;
	[dreg:$0x1] =	wrdreg $0xFFFFFFFF  }
0xad: {  	s28 =	simm.s32 $_size_execute0_lowered;
	s3 =	sadd.s32 s3, s5;
	[dreg:$0x0] =	wrdreg $0x0  }
0xae: {  	s5 =	sshll.u32 s28, $0x1;
	[dreg:$0x2] =	wrdreg s3  }
0xaf: {  	[dreg:$0x3] =	wrdreg s5  }
0xb0: {  	[dreg:$0x4] =	wrdreg $0xC0  }
0xb1: {  	_ =	task [dreg:s7], $0x5FFFF  }
0xb2: {  	[dreg:$0x1] =	wrdreg $0xFFFFFFFF  }
0xb3: {  	[dreg:$0x0] =	wrdreg $0x60  }
0xb4: {  	[dreg:$0x2] =	wrdreg s24  }
0xb5: {  	[dreg:$0x3] =	wrdreg s16  }
0xb6: {  	[dreg:$0x4] =	wrdreg $0x68000  }
0xb7: {  	[dreg:$0x5] =	wrdreg $0x9  }
0xb8: {  	_ =	task.clear_ibuf [dreg:s7], $0x6FFFF;
	_ =	strace $0x90000046  }
0xb9: {  	s29 =	simm.s32 $0x9;
	_ =	strace $0x80000048  }
0xba: {  	_ =	swait.ge [sflag:s29], $0x1  }
0xbb: {  	[sflag:s29] =	ssyncadd.s32 $0xFFFFFFFF  }
0xbc: {  	_ =	strace $0x90000048  }
0xbd: {  	_ =	sfence  }
0xbe: {  	s30 =	sld [smem:$0x0];
	_ =	sdelay $0x2  }
0xbf: {  	s31 =	sshll.u32 s1, $0xD;
	s1 =	sshrl.u32 s1, $0x2  }
0xc0: {  	s3 =	sand.u32 $0x4000, s31;
	s1 =	sadd.s32 s1, s30  }
0xc1: {  	s0 =	sor.u32 s3, s0;
	s1 =	sshll.u32 s1, $0x11  }
0xc2: {  	s0 =	sor.u32 s1, s0  }
0xc3: {  	s0 =	sadd.s32 $0x8F2B, s0  }
0xc4: {  	[sflag:s0] =	ssyncadd.remote.s32 $0x1  }
0xc5: {  	_ =	sfence.sel $0xFFFF  }
0xc6: {  	[dreg:$0x0] =	wrdreg $0xFFFFFFFF;
	(pc) =	sbr.abs _section_cstart, $3  }
0xc7: {  	[dreg:$0x1] =	wrdreg $0xFFFFFFFF  }
0xc8: {  	_ =	task.clear_ibuf [dreg:s7], $0x2FFFF;
	_ =	strace $0x9FFFFFFF  }
0xc9: {  	(tm) =	ssettm $0x7FFFFFFF  }
tec
execute0_lowered:
.L_overlay_start_1:
0x0: {  	(tag) =	ssettag $0x1  }
0x1: {  	s6 =	rddreg [dreg:$0x0]  }
0x2: {  	s2 =	rddreg [dreg:$0x1]  }
0x3: {  	s0 =	srdreg.scid;
	s3 =	rddreg [dreg:$0x2]  }
0x4: {  	s4 =	simm.s32 $0x0;
	s5 =	sand.u32 $0x1, s0;
	s0 =	stileid.u32  }
0x5: {  	s13 =	simm.s32 $0x80;
	s14 =	simm.s32 $0x1;
	s8 =	smul.u32 $0x2800, s0  }
0x6: {  	s15 =	simm.s32 $0x0;
	[smem:$0x7FF] =	sst s4;
	s9 =	smul.u32 $0x28000, s5  }
0x7: {  	s1 =	sshll.u32 s5, $0x4;
	s5 =	ssub.s32 $0x2, s5;
	s10 =	smul.u32 $0x50000, s0  }
0x8: {  	s31 =	sshll.u32 s0, $0x6;
	s1 =	sor.u32 s0, s1;
	s29 =	sshrl.u32 s5, $0x1  }
0x9: {  	s7 =	smul.u32 $0x500, s1;
	s1 =	rddreg [dreg:$0x3];
	_ =	strace $0x80000047  }
0xa: {  	s9 =	sadd.s32 s8, s9;
	s8 =	sadd.s32 s8, s6;
	s11 =	ssub.s32 s5, s29  }
0xb: {  	s30 =	sshrl.u32 s10, $0x2;
	s10 =	simm.s32 $0x2800;
	s9 =	sadd.s32 s9, s6  }
0xc: {  	s12 =	sadd.s32 s30, s3;
	s7 =	sadd.s32 s7, s6;
	s6 =	sadd.s32 $0x17A00, s8  }
0xd: {  	s8 =	smax.u32 s11, $0x1;
	s11 =	sor.u32 $0x1C02, s31;
	s12 =	sshrl.u32 s12, $0x3  }
0xe: {  	s5 =	sadd.s32 $0x3A00, s7;
	s7 =	sadd.s32 $0x3FA00, s9;
	s9 =	simm.s32 $0x2  }
.LBB2_1:
0xf: {  	[tilespmem:s4], [sflag:$0x2] =	stream.linear.gather [hbm4b:s5+s4], $0x2800, $0x38;
	[tilespmem:$0x1A800] =	vst v63  }
0x10: {  	_ =	swait.ge [sflag:s9], $0x2800  }
0x11: {  	[sflag:s9] =	ssyncset.done $0x0  }
0x12: {  	[sflag:s9] =	ssyncadd.s32 $0xFFFFD800  }
0x13: {  	[tilespmem:s10], [sflag:$0x2] =	stream.linear.gather [hbm4b:s2+s4], $0x4000, $0x38;
	[tilespmem:$0x1A800] =	vst v63  }
0x14: {  	_ =	swait.ge [sflag:s9], $0x4000  }
0x15: {  	[sflag:s9] =	ssyncset.done $0x0  }
0x16: {  	[sflag:s9] =	ssyncadd.s32 $0xFFFFC000  }
0x17: {  	[spmem:s12], [sflag:s11] =	dma.local [hbm:s6], $0x2800  }
0x18: {  	_ =	swait.ge [sflag:s9], $0x2800  }
0x19: {  	[sflag:s9] =	ssyncset.done $0x0  }
0x1a: {  	[sflag:s9] =	ssyncadd.s32 $0xFFFFD800  }
0x1b: {  	s16 =	simm.s32 $0x0;
	[bflag:$0x0] =	sbarrier.arrive $0xFFFF  }
0x1c: {  	[spmem:s3] =	stream.indirect.scatter.add.f32 [tilespmem:s10], [sflag:$0x1], $0x80, s16, s13, $0xb8;
	[tilespmem:$0x1A800] =	vst v63  }
0x1d: {  	s24 =	simm.s32 $0x80  }
0x1e: {  	[spmem:s3] =	stream.indirect.scatter.add.f32 [tilespmem:s10], [sflag:$0x1], $0x80, s24, s13, $0xb8;
	[tilespmem:$0x1A800] =	vst v63  }
0x1f: {  	s25 =	simm.s32 $0x100  }
0x20: {  	[spmem:s3] =	stream.indirect.scatter.add.f32 [tilespmem:s10], [sflag:$0x1], $0x80, s25, s13, $0xb8;
	[tilespmem:$0x1A800] =	vst v63  }
0x21: {  	s26 =	simm.s32 $0x180  }
0x22: {  	[spmem:s3] =	stream.indirect.scatter.add.f32 [tilespmem:s10], [sflag:$0x1], $0x80, s26, s13, $0xb8;
	[tilespmem:$0x1A800] =	vst v63  }
0x23: {  	s28 =	simm.s32 $0x200  }
0x24: {  	[spmem:s3] =	stream.indirect.scatter.add.f32 [tilespmem:s10], [sflag:$0x1], $0x80, s28, s13, $0xb8;
	[tilespmem:$0x1A800] =	vst v63  }
0x25: {  	s29 =	simm.s32 $0x280  }
0x26: {  	[spmem:s3] =	stream.indirect.scatter.add.f32 [tilespmem:s10], [sflag:$0x1], $0x80, s29, s13, $0xb8;
	[tilespmem:$0x1A800] =	vst v63  }
0x27: {  	s30 =	simm.s32 $0x300  }
0x28: {  	[spmem:s3] =	stream.indirect.scatter.add.f32 [tilespmem:s10], [sflag:$0x1], $0x80, s30, s13, $0xb8;
	[tilespmem:$0x1A800] =	vst v63  }
0x29: {  	s31 =	simm.s32 $0x380  }
0x2a: {  	[spmem:s3] =	stream.indirect.scatter.add.f32 [tilespmem:s10], [sflag:$0x1], $0x80, s31, s13, $0xb8;
	[tilespmem:$0x1A800] =	vst v63  }
0x2b: {  	_ =	swait.ge [sflag:s14], $0x4000  }
0x2c: {  	[sflag:s14] =	ssyncset.done $0x0  }
0x2d: {  	[sflag:s14] =	ssyncadd.s32 $0xFFFFC000  }
0x2e: {  	_ =	swait.ge [sflag:s14], $0x4000  }
0x2f: {  	[sflag:s14] =	ssyncset.done $0x0  }
0x30: {  	[sflag:s14] =	ssyncadd.s32 $0xFFFFC000  }
0x31: {  	_ =	swait.ge [sflag:s14], $0x4000  }
0x32: {  	[sflag:s14] =	ssyncset.done $0x0  }
0x33: {  	[sflag:s14] =	ssyncadd.s32 $0xFFFFC000  }
0x34: {  	_ =	swait.ge [sflag:s14], $0x4000  }
0x35: {  	[sflag:s14] =	ssyncset.done $0x0  }
0x36: {  	[sflag:s14] =	ssyncadd.s32 $0xFFFFC000  }
0x37: {  	_ =	swait.ge [sflag:s14], $0x4000  }
0x38: {  	[sflag:s14] =	ssyncset.done $0x0  }
0x39: {  	[sflag:s14] =	ssyncadd.s32 $0xFFFFC000  }
0x3a: {  	_ =	swait.ge [sflag:s14], $0x4000  }
0x3b: {  	[sflag:s14] =	ssyncset.done $0x0  }
0x3c: {  	[sflag:s14] =	ssyncadd.s32 $0xFFFFC000  }
0x3d: {  	_ =	swait.ge [sflag:s14], $0x4000  }
0x3e: {  	[sflag:s14] =	ssyncset.done $0x0  }
0x3f: {  	[sflag:s14] =	ssyncadd.s32 $0xFFFFC000  }
0x40: {  	_ =	swait.ge [sflag:s14], $0x4000  }
0x41: {  	s18 =	simm.s32 $0x2000;
	s16 =	simm.s32 $0x1000;
	[sflag:s14] =	ssyncset.done $0x0  }
.LBB2_2:
0x42: {  	s19 =	sshra.s32 s16, $0x2  }
0x43: {  	[sflag:s14] =	ssyncadd.s32 $0xFFFFC000;
	s16 =	smov.u32 s18;
	s17 =	sadd.s32 $0x1000, s18  }
0x44: {  	[spmem:s3] =	stream.indirect.scatter.add.f32 [tilespmem:s10], [sflag:$0x1], $0x80, s19, s13, $0xb8;
	[tilespmem:$0x1A800] =	vst v63  }
0x45: {  	p0 =	sne.s32 s18, $0x9000;
	s18 =	sadd.s32 $0x80, s19  }
0x46: {  	[spmem:s3] =	stream.indirect.scatter.add.f32 [tilespmem:s10], [sflag:$0x1], $0x80, s18, s13, $0xb8;
	[tilespmem:$0x1A800] =	vst v63  }
0x47: {  	s18 =	sadd.s32 $0x100, s19  }
0x48: {  	[spmem:s3] =	stream.indirect.scatter.add.f32 [tilespmem:s10], [sflag:$0x1], $0x80, s18, s13, $0xb8;
	[tilespmem:$0x1A800] =	vst v63  }
0x49: {  	s18 =	sadd.s32 $0x180, s19  }
0x4a: {  	[spmem:s3] =	stream.indirect.scatter.add.f32 [tilespmem:s10], [sflag:$0x1], $0x80, s18, s13, $0xb8;
	[tilespmem:$0x1A800] =	vst v63  }
0x4b: {  	s18 =	sadd.s32 $0x200, s19  }
0x4c: {  	[spmem:s3] =	stream.indirect.scatter.add.f32 [tilespmem:s10], [sflag:$0x1], $0x80, s18, s13, $0xb8;
	[tilespmem:$0x1A800] =	vst v63  }
0x4d: {  	s18 =	sadd.s32 $0x280, s19  }
0x4e: {  	[spmem:s3] =	stream.indirect.scatter.add.f32 [tilespmem:s10], [sflag:$0x1], $0x80, s18, s13, $0xb8;
	[tilespmem:$0x1A800] =	vst v63  }
0x4f: {  	s18 =	sadd.s32 $0x300, s19  }
0x50: {  	[spmem:s3] =	stream.indirect.scatter.add.f32 [tilespmem:s10], [sflag:$0x1], $0x80, s18, s13, $0xb8;
	[tilespmem:$0x1A800] =	vst v63  }
0x51: {  	s18 =	sadd.s32 $0x380, s19  }
0x52: {  	[spmem:s3] =	stream.indirect.scatter.add.f32 [tilespmem:s10], [sflag:$0x1], $0x80, s18, s13, $0xb8;
	[tilespmem:$0x1A800] =	vst v63  }
0x53: {  	_ =	swait.ge [sflag:s14], $0x4000  }
0x54: {  	[sflag:s14] =	ssyncset.done $0x0  }
0x55: {  	[sflag:s14] =	ssyncadd.s32 $0xFFFFC000  }
0x56: {  	_ =	swait.ge [sflag:s14], $0x4000  }
0x57: {  	[sflag:s14] =	ssyncset.done $0x0  }
0x58: {  	[sflag:s14] =	ssyncadd.s32 $0xFFFFC000  }
0x59: {  	_ =	swait.ge [sflag:s14], $0x4000  }
0x5a: {  	[sflag:s14] =	ssyncset.done $0x0  }
0x5b: {  	[sflag:s14] =	ssyncadd.s32 $0xFFFFC000  }
0x5c: {  	_ =	swait.ge [sflag:s14], $0x4000  }
0x5d: {  	[sflag:s14] =	ssyncset.done $0x0  }
0x5e: {  	[sflag:s14] =	ssyncadd.s32 $0xFFFFC000  }
0x5f: {  	_ =	swait.ge [sflag:s14], $0x4000  }
0x60: {  	[sflag:s14] =	ssyncset.done $0x0  }
0x61: {  	[sflag:s14] =	ssyncadd.s32 $0xFFFFC000  }
0x62: {  	_ =	swait.ge [sflag:s14], $0x4000  }
0x63: {  	[sflag:s14] =	ssyncset.done $0x0  }
0x64: {  	[sflag:s14] =	ssyncadd.s32 $0xFFFFC000  }
.Ltmp0:
0x65: {  	_ =	swait.ge [sflag:s14], $0x4000;
	(pc) =	sbr.rel @p0 .LBB2_2-.Ltmp0, $4  }
0x66: {  	[sflag:s14] =	ssyncset.done $0x0  }
0x67: {  	[sflag:s14] =	ssyncadd.s32 $0xFFFFC000  }
0x68: {  	_ =	swait.ge [sflag:s14], $0x4000  }
0x69: {  	s18 =	smov.u32 s17;
	[sflag:s14] =	ssyncset.done $0x0  }
0x6a: {  	s16 =	sshra.s32 s16, $0x2;
	[sflag:s14] =	ssyncadd.s32 $0xFFFFC000  }
0x6b: {  	[spmem:s3] =	stream.indirect.scatter.add.f32 [tilespmem:s10], [sflag:$0x1], $0x80, s16, s13, $0xb8;
	[tilespmem:$0x1A800] =	vst v63  }
0x6c: {  	s17 =	sadd.s32 $0x80, s16  }
0x6d: {  	[spmem:s3] =	stream.indirect.scatter.add.f32 [tilespmem:s10], [sflag:$0x1], $0x80, s17, s13, $0xb8;
	[tilespmem:$0x1A800] =	vst v63  }
0x6e: {  	s26 =	sadd.s32 $0x100, s16  }
0x6f: {  	[spmem:s3] =	stream.indirect.scatter.add.f32 [tilespmem:s10], [sflag:$0x1], $0x80, s26, s13, $0xb8;
	[tilespmem:$0x1A800] =	vst v63  }
0x70: {  	s28 =	sadd.s32 $0x180, s16  }
0x71: {  	[spmem:s3] =	stream.indirect.scatter.add.f32 [tilespmem:s10], [sflag:$0x1], $0x80, s28, s13, $0xb8;
	[tilespmem:$0x1A800] =	vst v63  }
0x72: {  	s29 =	sadd.s32 $0x200, s16  }
0x73: {  	[spmem:s3] =	stream.indirect.scatter.add.f32 [tilespmem:s10], [sflag:$0x1], $0x80, s29, s13, $0xb8;
	[tilespmem:$0x1A800] =	vst v63  }
0x74: {  	s30 =	sadd.s32 $0x280, s16  }
0x75: {  	[spmem:s3] =	stream.indirect.scatter.add.f32 [tilespmem:s10], [sflag:$0x1], $0x80, s30, s13, $0xb8;
	[tilespmem:$0x1A800] =	vst v63  }
0x76: {  	s31 =	sadd.s32 $0x300, s16  }
0x77: {  	[spmem:s3] =	stream.indirect.scatter.add.f32 [tilespmem:s10], [sflag:$0x1], $0x80, s31, s13, $0xb8;
	[tilespmem:$0x1A800] =	vst v63  }
0x78: {  	s16 =	sadd.s32 $0x380, s16  }
0x79: {  	[spmem:s3] =	stream.indirect.scatter.add.f32 [tilespmem:s10], [sflag:$0x1], $0x80, s16, s13, $0xb8;
	[tilespmem:$0x1A800] =	vst v63  }
0x7a: {  	_ =	swait.ge [sflag:s14], $0x4000  }
0x7b: {  	[sflag:s14] =	ssyncset.done $0x0  }
0x7c: {  	[sflag:s14] =	ssyncadd.s32 $0xFFFFC000  }
0x7d: {  	_ =	swait.ge [sflag:s14], $0x4000  }
0x7e: {  	[sflag:s14] =	ssyncset.done $0x0  }
0x7f: {  	[sflag:s14] =	ssyncadd.s32 $0xFFFFC000  }
0x80: {  	_ =	swait.ge [sflag:s14], $0x4000  }
0x81: {  	[sflag:s14] =	ssyncset.done $0x0  }
0x82: {  	[sflag:s14] =	ssyncadd.s32 $0xFFFFC000  }
0x83: {  	_ =	swait.ge [sflag:s14], $0x4000  }
0x84: {  	[sflag:s14] =	ssyncset.done $0x0  }
0x85: {  	[sflag:s14] =	ssyncadd.s32 $0xFFFFC000  }
0x86: {  	_ =	swait.ge [sflag:s14], $0x4000  }
0x87: {  	[sflag:s14] =	ssyncset.done $0x0  }
0x88: {  	[sflag:s14] =	ssyncadd.s32 $0xFFFFC000  }
0x89: {  	_ =	swait.ge [sflag:s14], $0x4000  }
0x8a: {  	[sflag:s14] =	ssyncset.done $0x0  }
0x8b: {  	[sflag:s14] =	ssyncadd.s32 $0xFFFFC000  }
0x8c: {  	_ =	swait.ge [sflag:s14], $0x4000  }
0x8d: {  	[sflag:s14] =	ssyncset.done $0x0  }
0x8e: {  	[sflag:s14] =	ssyncadd.s32 $0xFFFFC000  }
0x8f: {  	_ =	swait.ge [sflag:s14], $0x4000  }
0x90: {  	s15 =	sadd.s32 $0x1, s15;
	[sflag:s14] =	ssyncset.done $0x0  }
0x91: {  	p0 =	sne.s32 s15, s8;
	[sflag:s14] =	ssyncadd.s32 $0xFFFFC000  }
.Ltmp1:
0x92: {  	[bflag:$0x0] =	sbarrier.arrive $0xFFFF;
	(pc) =	sbr.rel @p0 .LBB2_1-.Ltmp1, $4  }
0x93: {  	[hbm:s7], [sflag:s11] =	dma.local [spmem:s12], $0x2800  }
0x94: {  	_ =	swait.ge [sflag:s9], $0x2800  }
0x95: {  	[sflag:s9] =	ssyncset.done $0x0  }
0x96: {  	[sflag:s9] =	ssyncadd.s32 $0xFFFFD800  }
0x97: {  	_ =	sfence.sel $0x180000  }
0x98: {  	[bflag:$0x0] =	sbarrier.arrive $0xFFFF  }
0x99: {  	p0 =	sne.s32 s0, $0x0;
	_ =	strace $0x90000047  }
0x9a: {  	s0 =	sadd.s32 @!p0 $0x100000, s1;
	[bflag:$0x2] =	sbarrier.arrive $0xFFFF  }
0x9b: {  	[sflag:s0] =	ssyncadd.tile.s32 @!p0 $0x1;
	_ =	shalt  }
.Lfunc_end2:
_tile_overlayer_lowered:
.L_overlay_start_2:
0x9c: {  	(tag) =	ssettag $0x2  }
0x9d: {  	s0 =	rddreg [dreg:$0x0];
	s2 =	stileid.u32  }
0x9e: {  	s1 =	rddreg [dreg:$0x1];
	p0 =	sne.s32 s2, $0x0  }
0x9f: {  	s3 =	rddreg [dreg:$0x2];
	[bflag:$0x3] =	sbarrier.arrive $0xFFFF;
	s2 =	simm.s32 @!p0 $0x1C02  }
0xa0: {  	[timem:s3], [sflag:s2] =	dma.local @!p0 [hbm:s0], s1  }
0xa1: {  	s0 =	simm.s32 @!p0 $0x2  }
0xa2: {  	_ =	swait.ge @!p0 [sflag:s0], s1  }
0xa3: {  	s1 =	ssub.s32 @!p0 $0x0, s1;
	[sflag:s0] =	ssyncset.done @!p0 $0x0  }
0xa4: {  	[sflag:s0] =	ssyncadd.s32 @!p0 s1  }
0xa5: {  	[bflag:$0x3] =	sbarrier.arrive $0xFFFF  }
0xa6: {  	_ =	shalt  }

</sc_bundles>
